<compile_context>
chip_gen: v7x
topology: tpu7x:2x2x1
jax: 0.10.2.dev20260603
libtpu: 0.0.44.dev20260713+nightly
codegen_flags: <defaults>
</compile_context>

<pallas_src>
import functools

import jax
import jax.numpy as jnp
from jax import lax
from jax.experimental import pallas as pl
from jax.experimental.pallas import tpu as pltpu
from jax.experimental.pallas import tpu_sc as plsc

H = 128
HH = H // 2
BLK = 2000
NC = 2
NS = 16
CHUNK = 64
NBUF = 3


def _sigmoid(x):
    return 1.0 / (1.0 + jnp.exp(-x))


def _dense_body(x_ref, hh_ref, ch_ref, cc_ref,
                wiT, uiT, wfT, ufT, woT, uoT, wcT, ucT,
                bi, bf, bo, bc,
                wfx_out, t_out, pre_out, o_out):
    x = x_ref[:]
    hh = hh_ref[:]
    cc = cc_ref[:]
    dot = functools.partial(jnp.dot, preferred_element_type=jnp.float32)
    wfx = (dot(x, wfT[:]) + bf[:]).astype(jnp.bfloat16)
    wfx_out[0, :, :] = wfx[:, :HH]
    wfx_out[1, :, :] = wfx[:, HH:]
    ufh = dot(ch_ref[:], ufT[:]).astype(jnp.bfloat16)
    ccb = cc.astype(jnp.bfloat16)
    t_out[0, :, :HH] = ufh[:, :HH]
    t_out[0, :, HH:] = ccb[:, :HH]
    t_out[1, :, :HH] = ufh[:, HH:]
    t_out[1, :, HH:] = ccb[:, HH:]
    i_j = _sigmoid(dot(x, wiT[:]) + bi[:] + dot(hh, uiT[:]))
    c_t = jnp.tanh(dot(x, wcT[:]) + bc[:] + dot(hh, ucT[:]))
    pre_out[:] = i_j * c_t
    o_out[:] = _sigmoid(dot(x, woT[:]) + bo[:] + dot(hh, uoT[:]))


def _dense(x_emb, h_hat, child_h, child_c, weightsT, biases):
    M = x_emb.shape[0]
    grid = (M // BLK,)
    row = pl.BlockSpec((BLK, H), lambda i: (i, 0))
    row3h = pl.BlockSpec((NC, BLK, HH), lambda i: (0, i, 0))
    row3 = pl.BlockSpec((NC, BLK, H), lambda i: (0, i, 0))
    whole = pl.BlockSpec((H, H), lambda i: (0, 0))
    bias = pl.BlockSpec((1, H), lambda i: (0, 0))
    return pl.pallas_call(
        _dense_body,
        grid=grid,
        in_specs=[row, row, row, row] + [whole] * 8 + [bias] * 4,
        out_specs=[row3h, row3, row, row],
        out_shape=[
            jax.ShapeDtypeStruct((NC, M, HH), jnp.bfloat16),
            jax.ShapeDtypeStruct((NC, M, H), jnp.bfloat16),
            jax.ShapeDtypeStruct((M, H), jnp.float32),
            jax.ShapeDtypeStruct((M, H), jnp.float32),
        ],
    )(x_emb, h_hat, child_h, child_c, *weightsT, *biases)


def _final_body(pre_ref, o_ref, p0_ref, p1_ref, h_out, c_out):
    pre = pre_ref[:]
    clo = pre[:, :HH] + p0_ref[:]
    chi = pre[:, HH:] + p1_ref[:]
    c = jnp.concatenate([clo, chi], axis=1)
    c_out[:] = c
    h_out[:] = o_ref[:] * jnp.tanh(c)


def _final(pre, o, p0, p1):
    M = pre.shape[0]
    row = pl.BlockSpec((BLK, H), lambda i: (i, 0))
    rowh = pl.BlockSpec((BLK, HH), lambda i: (i, 0))
    return pl.pallas_call(
        _final_body,
        grid=(M // BLK,),
        in_specs=[row, row, rowh, rowh],
        out_specs=[row, row],
        out_shape=[
            jax.ShapeDtypeStruct((M, H), jnp.float32),
            jax.ShapeDtypeStruct((M, H), jnp.float32),
        ],
    )(pre, o, p0, p1)


def _make_sc(M, macc, nchunk):
    mesh = plsc.VectorSubcoreMesh(core_axis_name="c", subcore_axis_name="s")

    @functools.partial(
        pl.kernel,
        mesh=mesh,
        compiler_params=pltpu.CompilerParams(use_tc_tiling_on_sc=False,
                                             needs_layout_passes=False),
        out_type=jax.ShapeDtypeStruct((NC, macc, HH), jnp.float32),
        scratch_types=[
            pltpu.VMEM((nchunk + NBUF, CHUNK), jnp.int32),
            pltpu.VMEM((nchunk + NBUF, CHUNK), jnp.int32),
            pltpu.VMEM((NBUF, CHUNK, H), jnp.bfloat16),
            pltpu.VMEM((NBUF, CHUNK, HH), jnp.bfloat16),
            pltpu.VMEM((CHUNK, HH), jnp.float32),
            pltpu.VMEM_SHARED((macc, HH), jnp.float32),
            pltpu.VMEM_SHARED((macc, HH), jnp.bfloat16),
        ] + [pltpu.SemaphoreType.DMA] * (2 * NBUF),
    )
    def sc(cand_hbm, child_hbm, a_hbm, b_hbm, out_hbm,
           cand_v, child_v, tbuf, wbuf, rbuf, acc, wfx_sp, *sems_flat):
        cid = lax.axis_index("c")
        sid = lax.axis_index("s")
        sems = tuple((sems_flat[2 * b], sems_flat[2 * b + 1])
                     for b in range(NBUF))
        pltpu.sync_copy(cand_hbm.at[sid], cand_v)
        pltpu.sync_copy(child_hbm.at[sid], child_v)
        srows = macc // NS
        pltpu.sync_copy(b_hbm.at[cid, pl.ds(sid * srows, srows)],
                        wfx_sp.at[pl.ds(sid * srows, srows)])

        @plsc.parallel_loop(0, CHUNK)
        def zrow(r):
            for v in range(HH // 16):
                rbuf[r, pl.ds(v * 16, 16)] = jnp.zeros((16,), jnp.float32)

        zrows = macc // NS
        for k in range(zrows // CHUNK):
            pltpu.sync_copy(rbuf,
                            acc.at[pl.ds(sid * zrows + k * CHUNK, CHUNK)])
        rem = zrows % CHUNK
        if rem:
            pltpu.sync_copy(rbuf.at[pl.ds(0, rem)],
                            acc.at[pl.ds(sid * zrows + zrows - rem, rem)])
        plsc.subcore_barrier()

        def issue(j, b):
            pltpu.async_copy(a_hbm.at[cid].at[child_v.at[j]],
                             tbuf.at[b], sems[b][0])
            pltpu.async_copy(wfx_sp.at[cand_v.at[j]],
                             wbuf.at[b], sems[b][1])

        def wait(j, b):
            pltpu.make_async_copy(a_hbm.at[cid].at[child_v.at[j]],
                                  tbuf.at[b], sems[b][0]).wait()
            pltpu.make_async_copy(wfx_sp.at[cand_v.at[j]],
                                  wbuf.at[b], sems[b][1]).wait()

        def compute_scatter(j, b):
            @plsc.parallel_loop(0, CHUNK)
            def row(r):
                for v in range(HH // 32):
                    sl32 = pl.ds(v * 32, 32)
                    w_e, w_o = plsc.unpack(wbuf[b, r, sl32],
                                           format=plsc.PackFormat.INTERLEAVED)
                    a_e, a_o = plsc.unpack(tbuf[b, r, sl32],
                                           format=plsc.PackFormat.INTERLEAVED)
                    c_e, c_o = plsc.unpack(tbuf[b, r, pl.ds(HH + v * 32, 32)],
                                           format=plsc.PackFormat.INTERLEAVED)
                    rbuf[r, pl.ds(v * 32, 16)] = _sigmoid(w_e + a_e) * c_e
                    rbuf[r, pl.ds(v * 32 + 16, 16)] = (
                        _sigmoid(w_o + a_o) * c_o)

            pltpu.sync_copy(rbuf, acc.at[cand_v.at[j]], add=True)

        for b in range(NBUF):
            issue(b, b)

        def grp(p, carry):
            j = p * NBUF
            for b in range(NBUF):
                wait(j + b, b)
                compute_scatter(j + b, b)
                issue(j + NBUF + b, b)
            return carry

        lax.fori_loop(0, nchunk // NBUF, grp, 0)
        for b in range(NBUF):
            wait(nchunk + b, b)
        plsc.subcore_barrier()
        orows = macc // NS
        pltpu.sync_copy(acc.at[pl.ds(sid * orows, orows)],
                        out_hbm.at[cid, pl.ds(sid * orows, orows)])

    return sc


def kernel(x_emb, child_h, child_c, h_hat, pair_cand_idx, pair_child_idx,
           W_i_w, W_i_b, U_i_w, W_f_w, W_f_b, U_f_w,
           W_o_w, W_o_b, U_o_w, W_c_w, W_c_b, U_c_w):
    M = x_emb.shape[0]
    L = pair_cand_idx.shape[0]

    weightsT = [W_i_w.T, U_i_w.T, W_f_w.T, U_f_w.T,
                W_o_w.T, U_o_w.T, W_c_w.T, U_c_w.T]
    biases = [W_i_b.reshape(1, H), W_f_b.reshape(1, H),
              W_o_b.reshape(1, H), W_c_b.reshape(1, H)]

    wfx_ab, t_ab, pre, o_gate = _dense(x_emb, h_hat, child_h, child_c,
                                       weightsT, biases)

    nchunk = NBUF * (-(-L // (NS * CHUNK * NBUF)))
    lpad = NS * CHUNK * nchunk
    pad = lpad - L
    cand = jnp.concatenate([
        pair_cand_idx.astype(jnp.int32),
        M + (jnp.arange(pad, dtype=jnp.int32) % NS),
    ]).reshape(NS, nchunk, CHUNK)
    child = jnp.concatenate([
        pair_child_idx.astype(jnp.int32),
        jnp.zeros((pad,), jnp.int32),
    ]).reshape(NS, nchunk, CHUNK)
    cand = jnp.concatenate(
        [cand, jnp.full((NS, NBUF, CHUNK), M, jnp.int32)], axis=1)
    child = jnp.concatenate(
        [child, jnp.zeros((NS, NBUF, CHUNK), jnp.int32)], axis=1)

    macc = -(-(M + NS) // (8 * NS)) * (8 * NS)
    wfx_pad = jnp.concatenate(
        [wfx_ab, jnp.zeros((NC, macc - M, HH), jnp.bfloat16)], axis=1)

    partial = _make_sc(M, macc, nchunk)(cand, child, t_ab, wfx_pad)

    cols = [32 * (f // 32) + (f % 32) // 2 + 16 * (f % 2) for f in range(HH)]
    cols = jnp.asarray(cols, jnp.int32)
    p0 = partial[0, :M][:, cols]
    p1 = partial[1, :M][:, cols]

    h, c = _final(pre, o_gate, p0, p1)
    return (h, c)

# --- scband reference (transcript-rebuilt; emitter-appended) ---
"""Pipeline reference for scband-child-sum-tree-lstmwith-attention-78554951844439 (READ-ONLY COPY).

The authoritative reference and input builder live on the scoring server;
editing this copy changes nothing except your own understanding.
"""

import jax, jax.numpy as jnp
import numpy as np

def setup_inputs(seed: int = 0):
    key = jax.random.key(seed)
    ks = jax.random.split(key, 24)
    M, L, D, H = 10000, 320000, 128, 128
    s = 1.0 / np.sqrt(H)
    inp = {}
    inp["x_emb"] = jax.random.normal(ks[0], (M, D), dtype=jnp.float32)
    inp["child_h"] = jax.random.normal(ks[1], (M, H), dtype=jnp.float32)
    inp["child_c"] = jax.random.normal(ks[2], (M, H), dtype=jnp.float32)
    inp["h_hat"] = jax.random.normal(ks[3], (M, H), dtype=jnp.float32)
    inp["pair_cand_idx"] = jnp.sort(jax.random.randint(ks[4], (L,), 0, M))
    inp["pair_child_idx"] = jax.random.randint(ks[5], (L,), 0, M)
    names = ["W_i_w","W_i_b","U_i_w","W_f_w","W_f_b","U_f_w","W_o_w","W_o_b","U_o_w","W_c_w","W_c_b","U_c_w"]
    for i, n in enumerate(names):
        if n.endswith("_b"):
            inp[n] = jax.random.normal(ks[6 + i], (H,), dtype=jnp.float32) * s
        elif n.startswith("W"):
            inp[n] = jax.random.normal(ks[6 + i], (H, D), dtype=jnp.float32) * s
        else:
            inp[n] = jax.random.normal(ks[6 + i], (H, H), dtype=jnp.float32) * s
    return inp

def reference(x_emb, child_h, child_c, h_hat, pair_cand_idx, pair_child_idx, W_i_w, W_i_b, U_i_w, W_f_w, W_f_b, U_f_w, W_o_w, W_o_b, U_o_w, W_c_w, W_c_b, U_c_w):
    M = x_emb.shape[0]
    i_j = jax.nn.sigmoid(x_emb @ W_i_w.T + W_i_b + h_hat @ U_i_w.T)
    Wfx = x_emb @ W_f_w.T + W_f_b
    Ufh = child_h @ U_f_w.T
    f_pair = jax.nn.sigmoid(Wfx[pair_cand_idx] + Ufh[pair_child_idx])
    sum_f_c = jax.ops.segment_sum(f_pair * child_c[pair_child_idx], pair_cand_idx, num_segments=M)
    c_t = jnp.tanh(x_emb @ W_c_w.T + W_c_b + h_hat @ U_c_w.T)
    c = i_j * c_t + sum_f_c
    o_j = jax.nn.sigmoid(x_emb @ W_o_w.T + W_o_b + h_hat @ U_o_w.T)
    h = o_j * jnp.tanh(c)
    return (h, c)

if __name__ == "__main__":
    import jax
    _d = setup_inputs()
    print(jax.jit(kernel)(*tuple(_d.values())))

</pallas_src>

<mosaic_0001>
#map = affine_map<(d0, d1) -> (0, 0, 0)>
module attributes {stable_mosaic.version = 14 : i64} {
  func.func @sc(%arg0: i32, %arg1: i32, %arg2: memref<16x318x64xi32, #tpu.memory_space<hbm>>, %arg3: memref<16x318x64xi32, #tpu.memory_space<hbm>>, %arg4: memref<2x10000x128xbf16, #tpu.memory_space<hbm>>, %arg5: memref<2x10112x64xbf16, #tpu.memory_space<hbm>>, %arg6: memref<2x10112x64xf32, #tpu.memory_space<hbm>>, %arg7: memref<318x64xi32, #tpu.memory_space<vmem>>, %arg8: memref<318x64xi32, #tpu.memory_space<vmem>>, %arg9: memref<3x64x128xbf16, #tpu.memory_space<vmem>>, %arg10: memref<3x64x64xbf16, #tpu.memory_space<vmem>>, %arg11: memref<64x64xf32, #tpu.memory_space<vmem>>, %arg12: memref<10112x64xf32, #tpu.memory_space<vmem_shared>>, %arg13: memref<10112x64xbf16, #tpu.memory_space<vmem_shared>>, %arg14: memref<!tpu.dma_semaphore, #tpu.memory_space<semaphore_mem>>, %arg15: memref<!tpu.dma_semaphore, #tpu.memory_space<semaphore_mem>>, %arg16: memref<!tpu.dma_semaphore, #tpu.memory_space<semaphore_mem>>, %arg17: memref<!tpu.dma_semaphore, #tpu.memory_space<semaphore_mem>>, %arg18: memref<!tpu.dma_semaphore, #tpu.memory_space<semaphore_mem>>, %arg19: memref<!tpu.dma_semaphore, #tpu.memory_space<semaphore_mem>>) attributes {dimension_semantics = [#tpu.dimension_semantics<core_parallel>, #tpu.dimension_semantics<subcore_parallel>], iteration_bounds = array<i64: 2, 16>, scalar_prefetch = 0 : i64, scratch_operands = 13 : i64, tpu.core_type = #tpu.core_type<sc_vector_subcore>, window_params = [{transform_indices = #map}, {transform_indices = #map}, {transform_indices = #map}, {transform_indices = #map}, {transform_indices = #map}]} {
    "tpu.region"() ({
      %run_scoped3A = tpu.sem_alloc : memref<!tpu.dma_semaphore, #tpu.memory_space<semaphore_mem>>
      %dma_start3A_221 = arith.constant 0 : i32
      %dma_start3A_222 = arith.constant 0 : i32
      %dma_start3A_223 = tpu.memref_slice %arg2[%arg1, %dma_start3A_221, %dma_start3A_222] : memref<16x318x64xi32, #tpu.memory_space<hbm>> -> memref<1x318x64xi32, #tpu.memory_space<hbm>>
      %dma_start3A_224 = tpu.memref_squeeze %dma_start3A_223 : memref<1x318x64xi32, #tpu.memory_space<hbm>> -> memref<318x64xi32, #tpu.memory_space<hbm>>
      %dma_start3A_225 = arith.constant 0 : i32
      %dma_start3A_226 = arith.constant 0 : i32
      %dma_start3A_227 = tpu.memref_slice %arg2[%arg1, %dma_start3A_225, %dma_start3A_226] : memref<16x318x64xi32, #tpu.memory_space<hbm>> -> memref<1x318x64xi32, #tpu.memory_space<hbm>>
      %dma_start3A_228 = tpu.memref_squeeze %dma_start3A_227 : memref<1x318x64xi32, #tpu.memory_space<hbm>> -> memref<318x64xi32, #tpu.memory_space<hbm>>
      tpu.enqueue_dma source(%dma_start3A_228 : memref<318x64xi32, #tpu.memory_space<hbm>>) target(%arg7 : memref<318x64xi32, #tpu.memory_space<vmem>>) target_semaphore(%run_scoped3A : memref<!tpu.dma_semaphore, #tpu.memory_space<semaphore_mem>>)
      %dma_wait3A_229 = arith.constant 0 : i32
      %dma_wait3A_230 = arith.constant 0 : i32
      %dma_wait3A_231 = tpu.memref_slice %arg2[%arg1, %dma_wait3A_229, %dma_wait3A_230] : memref<16x318x64xi32, #tpu.memory_space<hbm>> -> memref<1x318x64xi32, #tpu.memory_space<hbm>>
      %dma_wait3A_232 = tpu.memref_squeeze %dma_wait3A_231 : memref<1x318x64xi32, #tpu.memory_space<hbm>> -> memref<318x64xi32, #tpu.memory_space<hbm>>
      %dma_wait3A_233 = arith.constant 0 : i32
      %dma_wait3A_234 = arith.constant 0 : i32
      %dma_wait3A_235 = tpu.memref_slice %arg2[%arg1, %dma_wait3A_233, %dma_wait3A_234] : memref<16x318x64xi32, #tpu.memory_space<hbm>> -> memref<1x318x64xi32, #tpu.memory_space<hbm>>
      %dma_wait3A_236 = tpu.memref_squeeze %dma_wait3A_235 : memref<1x318x64xi32, #tpu.memory_space<hbm>> -> memref<318x64xi32, #tpu.memory_space<hbm>>
      tpu.wait_dma2 semaphore(%run_scoped3A : memref<!tpu.dma_semaphore, #tpu.memory_space<semaphore_mem>>) src(%dma_wait3A_236 : memref<318x64xi32, #tpu.memory_space<hbm>>) dst(%arg7 : memref<318x64xi32, #tpu.memory_space<vmem>>)
      tpu.yield
    }) : () -> ()
    "tpu.region"() ({
      %run_scoped3A = tpu.sem_alloc : memref<!tpu.dma_semaphore, #tpu.memory_space<semaphore_mem>>
      %dma_start3A_221 = arith.constant 0 : i32
      %dma_start3A_222 = arith.constant 0 : i32
      %dma_start3A_223 = tpu.memref_slice %arg3[%arg1, %dma_start3A_221, %dma_start3A_222] : memref<16x318x64xi32, #tpu.memory_space<hbm>> -> memref<1x318x64xi32, #tpu.memory_space<hbm>>
      %dma_start3A_224 = tpu.memref_squeeze %dma_start3A_223 : memref<1x318x64xi32, #tpu.memory_space<hbm>> -> memref<318x64xi32, #tpu.memory_space<hbm>>
      %dma_start3A_225 = arith.constant 0 : i32
      %dma_start3A_226 = arith.constant 0 : i32
      %dma_start3A_227 = tpu.memref_slice %arg3[%arg1, %dma_start3A_225, %dma_start3A_226] : memref<16x318x64xi32, #tpu.memory_space<hbm>> -> memref<1x318x64xi32, #tpu.memory_space<hbm>>
      %dma_start3A_228 = tpu.memref_squeeze %dma_start3A_227 : memref<1x318x64xi32, #tpu.memory_space<hbm>> -> memref<318x64xi32, #tpu.memory_space<hbm>>
      tpu.enqueue_dma source(%dma_start3A_228 : memref<318x64xi32, #tpu.memory_space<hbm>>) target(%arg8 : memref<318x64xi32, #tpu.memory_space<vmem>>) target_semaphore(%run_scoped3A : memref<!tpu.dma_semaphore, #tpu.memory_space<semaphore_mem>>)
      %dma_wait3A_229 = arith.constant 0 : i32
      %dma_wait3A_230 = arith.constant 0 : i32
      %dma_wait3A_231 = tpu.memref_slice %arg3[%arg1, %dma_wait3A_229, %dma_wait3A_230] : memref<16x318x64xi32, #tpu.memory_space<hbm>> -> memref<1x318x64xi32, #tpu.memory_space<hbm>>
      %dma_wait3A_232 = tpu.memref_squeeze %dma_wait3A_231 : memref<1x318x64xi32, #tpu.memory_space<hbm>> -> memref<318x64xi32, #tpu.memory_space<hbm>>
      %dma_wait3A_233 = arith.constant 0 : i32
      %dma_wait3A_234 = arith.constant 0 : i32
      %dma_wait3A_235 = tpu.memref_slice %arg3[%arg1, %dma_wait3A_233, %dma_wait3A_234] : memref<16x318x64xi32, #tpu.memory_space<hbm>> -> memref<1x318x64xi32, #tpu.memory_space<hbm>>
      %dma_wait3A_236 = tpu.memref_squeeze %dma_wait3A_235 : memref<1x318x64xi32, #tpu.memory_space<hbm>> -> memref<318x64xi32, #tpu.memory_space<hbm>>
      tpu.wait_dma2 semaphore(%run_scoped3A : memref<!tpu.dma_semaphore, #tpu.memory_space<semaphore_mem>>) src(%dma_wait3A_236 : memref<318x64xi32, #tpu.memory_space<hbm>>) dst(%arg8 : memref<318x64xi32, #tpu.memory_space<vmem>>)
      tpu.yield
    }) : () -> ()
    %mul3A = arith.constant 632 : i32
    %mul3A_0 = arith.muli %arg1, %mul3A : i32
    %mul3A_1 = arith.constant 632 : i32
    %mul3A_2 = arith.muli %arg1, %mul3A_1 : i32
    "tpu.region"() ({
      %run_scoped3A = tpu.sem_alloc : memref<!tpu.dma_semaphore, #tpu.memory_space<semaphore_mem>>
      %dma_start3A_221 = arith.constant 0 : i32
      %dma_start3A_222 = tpu.memref_slice %arg13[%mul3A_2, %dma_start3A_221] : memref<10112x64xbf16, #tpu.memory_space<vmem_shared>> -> memref<632x64xbf16, #tpu.memory_space<vmem_shared>>
      %dma_start3A_223 = arith.constant 0 : i32
      %dma_start3A_224 = tpu.memref_slice %arg5[%arg0, %mul3A_0, %dma_start3A_223] : memref<2x10112x64xbf16, #tpu.memory_space<hbm>> -> memref<1x632x64xbf16, #tpu.memory_space<hbm>>
      %dma_start3A_225 = tpu.memref_squeeze %dma_start3A_224 : memref<1x632x64xbf16, #tpu.memory_space<hbm>> -> memref<632x64xbf16, #tpu.memory_space<hbm>>
      tpu.enqueue_dma source(%dma_start3A_225 : memref<632x64xbf16, #tpu.memory_space<hbm>>) target(%dma_start3A_222 : memref<632x64xbf16, #tpu.memory_space<vmem_shared>>) target_semaphore(%run_scoped3A : memref<!tpu.dma_semaphore, #tpu.memory_space<semaphore_mem>>)
      %dma_wait3A_226 = arith.constant 0 : i32
      %dma_wait3A_227 = tpu.memref_slice %arg13[%mul3A_2, %dma_wait3A_226] : memref<10112x64xbf16, #tpu.memory_space<vmem_shared>> -> memref<632x64xbf16, #tpu.memory_space<vmem_shared>>
      %dma_wait3A_228 = arith.constant 0 : i32
      %dma_wait3A_229 = tpu.memref_slice %arg5[%arg0, %mul3A_0, %dma_wait3A_228] : memref<2x10112x64xbf16, #tpu.memory_space<hbm>> -> memref<1x632x64xbf16, #tpu.memory_space<hbm>>
      %dma_wait3A_230 = tpu.memref_squeeze %dma_wait3A_229 : memref<1x632x64xbf16, #tpu.memory_space<hbm>> -> memref<632x64xbf16, #tpu.memory_space<hbm>>
      tpu.wait_dma2 semaphore(%run_scoped3A : memref<!tpu.dma_semaphore, #tpu.memory_space<semaphore_mem>>) src(%dma_wait3A_230 : memref<632x64xbf16, #tpu.memory_space<hbm>>) dst(%dma_wait3A_227 : memref<632x64xbf16, #tpu.memory_space<vmem_shared>>)
      tpu.yield
    }) : () -> ()
    %parallel_loop3A = arith.constant 0 : i32
    %parallel_loop3A_3 = arith.constant 64 : i32
    %parallel_loop3A_4 = arith.constant 1 : i32
    scf.for %parallel_loop3A_221 = %parallel_loop3A to %parallel_loop3A_3 step %parallel_loop3A_4  : i32 {
      %parallel_loop3A_222 = arith.constant 0.000000e+00 : f32
      %parallel_loop3A_223 = vector.broadcast %parallel_loop3A_222 : f32 to vector<16xf32>
      %parallel_loop3A_224 = arith.index_cast %parallel_loop3A_221 : i32 to index
      %parallel_loop3A_225 = arith.constant 0 : index
      %parallel_loop3A_226 = tpu.vector_load %arg11[%parallel_loop3A_224, %parallel_loop3A_225] {strides = array<i32>} : memref<64x64xf32, #tpu.memory_space<vmem>>, vector<16xf32>,
      tpu.vector_store %arg11[%parallel_loop3A_224, %parallel_loop3A_225], %parallel_loop3A_223 {strides = array<i32>} : memref<64x64xf32, #tpu.memory_space<vmem>>, vector<16xf32>,
      %parallel_loop3A_227 = arith.constant 0.000000e+00 : f32
      %parallel_loop3A_228 = vector.broadcast %parallel_loop3A_227 : f32 to vector<16xf32>
      %parallel_loop3A_229 = arith.index_cast %parallel_loop3A_221 : i32 to index
      %parallel_loop3A_230 = arith.constant 16 : index
      %parallel_loop3A_231 = tpu.vector_load %arg11[%parallel_loop3A_229, %parallel_loop3A_230] {strides = array<i32>} : memref<64x64xf32, #tpu.memory_space<vmem>>, vector<16xf32>,
      tpu.vector_store %arg11[%parallel_loop3A_229, %parallel_loop3A_230], %parallel_loop3A_228 {strides = array<i32>} : memref<64x64xf32, #tpu.memory_space<vmem>>, vector<16xf32>,
      %parallel_loop3A_232 = arith.constant 0.000000e+00 : f32
      %parallel_loop3A_233 = vector.broadcast %parallel_loop3A_232 : f32 to vector<16xf32>
      %parallel_loop3A_234 = arith.index_cast %parallel_loop3A_221 : i32 to index
      %parallel_loop3A_235 = arith.constant 32 : index
      %parallel_loop3A_236 = tpu.vector_load %arg11[%parallel_loop3A_234, %parallel_loop3A_235] {strides = array<i32>} : memref<64x64xf32, #tpu.memory_space<vmem>>, vector<16xf32>,
      tpu.vector_store %arg11[%parallel_loop3A_234, %parallel_loop3A_235], %parallel_loop3A_233 {strides = array<i32>} : memref<64x64xf32, #tpu.memory_space<vmem>>, vector<16xf32>,
      %parallel_loop3A_237 = arith.constant 0.000000e+00 : f32
      %parallel_loop3A_238 = vector.broadcast %parallel_loop3A_237 : f32 to vector<16xf32>
      %parallel_loop3A_239 = arith.index_cast %parallel_loop3A_221 : i32 to index
      %parallel_loop3A_240 = arith.constant 48 : index
      %parallel_loop3A_241 = tpu.vector_load %arg11[%parallel_loop3A_239, %parallel_loop3A_240] {strides = array<i32>} : memref<64x64xf32, #tpu.memory_space<vmem>>, vector<16xf32>,
      tpu.vector_store %arg11[%parallel_loop3A_239, %parallel_loop3A_240], %parallel_loop3A_238 {strides = array<i32>} : memref<64x64xf32, #tpu.memory_space<vmem>>, vector<16xf32>,
    } {sc.loop_unroll_factor = 1 : i64, sc.parallel_access}
    %mul3A_5 = arith.constant 632 : i32
    %mul3A_6 = arith.muli %arg1, %mul3A_5 : i32
    %add3A = arith.constant 0 : i32
    %add3A_7 = arith.addi %mul3A_6, %add3A : i32
    "tpu.region"() ({
      %run_scoped3A = tpu.sem_alloc : memref<!tpu.dma_semaphore, #tpu.memory_space<semaphore_mem>>
      %dma_start3A_221 = arith.constant 0 : i32
      %dma_start3A_222 = tpu.memref_slice %arg12[%add3A_7, %dma_start3A_221] : memref<10112x64xf32, #tpu.memory_space<vmem_shared>> -> memref<64x64xf32, #tpu.memory_space<vmem_shared>>
      %dma_start3A_223 = arith.constant 0 : i32
      %dma_start3A_224 = tpu.memref_slice %arg12[%add3A_7, %dma_start3A_223] : memref<10112x64xf32, #tpu.memory_space<vmem_shared>> -> memref<64x64xf32, #tpu.memory_space<vmem_shared>>
      tpu.enqueue_dma source(%arg11 : memref<64x64xf32, #tpu.memory_space<vmem>>) target(%dma_start3A_224 : memref<64x64xf32, #tpu.memory_space<vmem_shared>>) target_semaphore(%run_scoped3A : memref<!tpu.dma_semaphore, #tpu.memory_space<semaphore_mem>>)
      %dma_wait3A_225 = arith.constant 0 : i32
      %dma_wait3A_226 = tpu.memref_slice %arg12[%add3A_7, %dma_wait3A_225] : memref<10112x64xf32, #tpu.memory_space<vmem_shared>> -> memref<64x64xf32, #tpu.memory_space<vmem_shared>>
      %dma_wait3A_227 = arith.constant 0 : i32
      %dma_wait3A_228 = tpu.memref_slice %arg12[%add3A_7, %dma_wait3A_227] : memref<10112x64xf32, #tpu.memory_space<vmem_shared>> -> memref<64x64xf32, #tpu.memory_space<vmem_shared>>
      tpu.wait_dma2 semaphore(%run_scoped3A : memref<!tpu.dma_semaphore, #tpu.memory_space<semaphore_mem>>) src(%arg11 : memref<64x64xf32, #tpu.memory_space<vmem>>) dst(%dma_wait3A_228 : memref<64x64xf32, #tpu.memory_space<vmem_shared>>)
      tpu.yield
    }) : () -> ()
    %mul3A_8 = arith.constant 632 : i32
    %mul3A_9 = arith.muli %arg1, %mul3A_8 : i32
    %add3A_10 = arith.constant 64 : i32
    %add3A_11 = arith.addi %mul3A_9, %add3A_10 : i32
    "tpu.region"() ({
      %run_scoped3A = tpu.sem_alloc : memref<!tpu.dma_semaphore, #tpu.memory_space<semaphore_mem>>
      %dma_start3A_221 = arith.constant 0 : i32
      %dma_start3A_222 = tpu.memref_slice %arg12[%add3A_11, %dma_start3A_221] : memref<10112x64xf32, #tpu.memory_space<vmem_shared>> -> memref<64x64xf32, #tpu.memory_space<vmem_shared>>
      %dma_start3A_223 = arith.constant 0 : i32
      %dma_start3A_224 = tpu.memref_slice %arg12[%add3A_11, %dma_start3A_223] : memref<10112x64xf32, #tpu.memory_space<vmem_shared>> -> memref<64x64xf32, #tpu.memory_space<vmem_shared>>
      tpu.enqueue_dma source(%arg11 : memref<64x64xf32, #tpu.memory_space<vmem>>) target(%dma_start3A_224 : memref<64x64xf32, #tpu.memory_space<vmem_shared>>) target_semaphore(%run_scoped3A : memref<!tpu.dma_semaphore, #tpu.memory_space<semaphore_mem>>)
      %dma_wait3A_225 = arith.constant 0 : i32
      %dma_wait3A_226 = tpu.memref_slice %arg12[%add3A_11, %dma_wait3A_225] : memref<10112x64xf32, #tpu.memory_space<vmem_shared>> -> memref<64x64xf32, #tpu.memory_space<vmem_shared>>
      %dma_wait3A_227 = arith.constant 0 : i32
      %dma_wait3A_228 = tpu.memref_slice %arg12[%add3A_11, %dma_wait3A_227] : memref<10112x64xf32, #tpu.memory_space<vmem_shared>> -> memref<64x64xf32, #tpu.memory_space<vmem_shared>>
      tpu.wait_dma2 semaphore(%run_scoped3A : memref<!tpu.dma_semaphore, #tpu.memory_space<semaphore_mem>>) src(%arg11 : memref<64x64xf32, #tpu.memory_space<vmem>>) dst(%dma_wait3A_228 : memref<64x64xf32, #tpu.memory_space<vmem_shared>>)
      tpu.yield
    }) : () -> ()
    %mul3A_12 = arith.constant 632 : i32
    %mul3A_13 = arith.muli %arg1, %mul3A_12 : i32
    %add3A_14 = arith.constant 128 : i32
    %add3A_15 = arith.addi %mul3A_13, %add3A_14 : i32
    "tpu.region"() ({
      %run_scoped3A = tpu.sem_alloc : memref<!tpu.dma_semaphore, #tpu.memory_space<semaphore_mem>>
      %dma_start3A_221 = arith.constant 0 : i32
      %dma_start3A_222 = tpu.memref_slice %arg12[%add3A_15, %dma_start3A_221] : memref<10112x64xf32, #tpu.memory_space<vmem_shared>> -> memref<64x64xf32, #tpu.memory_space<vmem_shared>>
      %dma_start3A_223 = arith.constant 0 : i32
      %dma_start3A_224 = tpu.memref_slice %arg12[%add3A_15, %dma_start3A_223] : memref<10112x64xf32, #tpu.memory_space<vmem_shared>> -> memref<64x64xf32, #tpu.memory_space<vmem_shared>>
      tpu.enqueue_dma source(%arg11 : memref<64x64xf32, #tpu.memory_space<vmem>>) target(%dma_start3A_224 : memref<64x64xf32, #tpu.memory_space<vmem_shared>>) target_semaphore(%run_scoped3A : memref<!tpu.dma_semaphore, #tpu.memory_space<semaphore_mem>>)
      %dma_wait3A_225 = arith.constant 0 : i32
      %dma_wait3A_226 = tpu.memref_slice %arg12[%add3A_15, %dma_wait3A_225] : memref<10112x64xf32, #tpu.memory_space<vmem_shared>> -> memref<64x64xf32, #tpu.memory_space<vmem_shared>>
      %dma_wait3A_227 = arith.constant 0 : i32
      %dma_wait3A_228 = tpu.memref_slice %arg12[%add3A_15, %dma_wait3A_227] : memref<10112x64xf32, #tpu.memory_space<vmem_shared>> -> memref<64x64xf32, #tpu.memory_space<vmem_shared>>
      tpu.wait_dma2 semaphore(%run_scoped3A : memref<!tpu.dma_semaphore, #tpu.memory_space<semaphore_mem>>) src(%arg11 : memref<64x64xf32, #tpu.memory_space<vmem>>) dst(%dma_wait3A_228 : memref<64x64xf32, #tpu.memory_space<vmem_shared>>)
      tpu.yield
    }) : () -> ()
    %mul3A_16 = arith.constant 632 : i32
    %mul3A_17 = arith.muli %arg1, %mul3A_16 : i32
    %add3A_18 = arith.constant 192 : i32
    %add3A_19 = arith.addi %mul3A_17, %add3A_18 : i32
    "tpu.region"() ({
      %run_scoped3A = tpu.sem_alloc : memref<!tpu.dma_semaphore, #tpu.memory_space<semaphore_mem>>
      %dma_start3A_221 = arith.constant 0 : i32
      %dma_start3A_222 = tpu.memref_slice %arg12[%add3A_19, %dma_start3A_221] : memref<10112x64xf32, #tpu.memory_space<vmem_shared>> -> memref<64x64xf32, #tpu.memory_space<vmem_shared>>
      %dma_start3A_223 = arith.constant 0 : i32
      %dma_start3A_224 = tpu.memref_slice %arg12[%add3A_19, %dma_start3A_223] : memref<10112x64xf32, #tpu.memory_space<vmem_shared>> -> memref<64x64xf32, #tpu.memory_space<vmem_shared>>
      tpu.enqueue_dma source(%arg11 : memref<64x64xf32, #tpu.memory_space<vmem>>) target(%dma_start3A_224 : memref<64x64xf32, #tpu.memory_space<vmem_shared>>) target_semaphore(%run_scoped3A : memref<!tpu.dma_semaphore, #tpu.memory_space<semaphore_mem>>)
      %dma_wait3A_225 = arith.constant 0 : i32
      %dma_wait3A_226 = tpu.memref_slice %arg12[%add3A_19, %dma_wait3A_225] : memref<10112x64xf32, #tpu.memory_space<vmem_shared>> -> memref<64x64xf32, #tpu.memory_space<vmem_shared>>
      %dma_wait3A_227 = arith.constant 0 : i32
      %dma_wait3A_228 = tpu.memref_slice %arg12[%add3A_19, %dma_wait3A_227] : memref<10112x64xf32, #tpu.memory_space<vmem_shared>> -> memref<64x64xf32, #tpu.memory_space<vmem_shared>>
      tpu.wait_dma2 semaphore(%run_scoped3A : memref<!tpu.dma_semaphore, #tpu.memory_space<semaphore_mem>>) src(%arg11 : memref<64x64xf32, #tpu.memory_space<vmem>>) dst(%dma_wait3A_228 : memref<64x64xf32, #tpu.memory_space<vmem_shared>>)
      tpu.yield
    }) : () -> ()
    %mul3A_20 = arith.constant 632 : i32
    %mul3A_21 = arith.muli %arg1, %mul3A_20 : i32
    %add3A_22 = arith.constant 256 : i32
    %add3A_23 = arith.addi %mul3A_21, %add3A_22 : i32
    "tpu.region"() ({
      %run_scoped3A = tpu.sem_alloc : memref<!tpu.dma_semaphore, #tpu.memory_space<semaphore_mem>>
      %dma_start3A_221 = arith.constant 0 : i32
      %dma_start3A_222 = tpu.memref_slice %arg12[%add3A_23, %dma_start3A_221] : memref<10112x64xf32, #tpu.memory_space<vmem_shared>> -> memref<64x64xf32, #tpu.memory_space<vmem_shared>>
      %dma_start3A_223 = arith.constant 0 : i32
      %dma_start3A_224 = tpu.memref_slice %arg12[%add3A_23, %dma_start3A_223] : memref<10112x64xf32, #tpu.memory_space<vmem_shared>> -> memref<64x64xf32, #tpu.memory_space<vmem_shared>>
      tpu.enqueue_dma source(%arg11 : memref<64x64xf32, #tpu.memory_space<vmem>>) target(%dma_start3A_224 : memref<64x64xf32, #tpu.memory_space<vmem_shared>>) target_semaphore(%run_scoped3A : memref<!tpu.dma_semaphore, #tpu.memory_space<semaphore_mem>>)
      %dma_wait3A_225 = arith.constant 0 : i32
      %dma_wait3A_226 = tpu.memref_slice %arg12[%add3A_23, %dma_wait3A_225] : memref<10112x64xf32, #tpu.memory_space<vmem_shared>> -> memref<64x64xf32, #tpu.memory_space<vmem_shared>>
      %dma_wait3A_227 = arith.constant 0 : i32
      %dma_wait3A_228 = tpu.memref_slice %arg12[%add3A_23, %dma_wait3A_227] : memref<10112x64xf32, #tpu.memory_space<vmem_shared>> -> memref<64x64xf32, #tpu.memory_space<vmem_shared>>
      tpu.wait_dma2 semaphore(%run_scoped3A : memref<!tpu.dma_semaphore, #tpu.memory_space<semaphore_mem>>) src(%arg11 : memref<64x64xf32, #tpu.memory_space<vmem>>) dst(%dma_wait3A_228 : memref<64x64xf32, #tpu.memory_space<vmem_shared>>)
      tpu.yield
    }) : () -> ()
    %mul3A_24 = arith.constant 632 : i32
    %mul3A_25 = arith.muli %arg1, %mul3A_24 : i32
    %add3A_26 = arith.constant 320 : i32
    %add3A_27 = arith.addi %mul3A_25, %add3A_26 : i32
    "tpu.region"() ({
      %run_scoped3A = tpu.sem_alloc : memref<!tpu.dma_semaphore, #tpu.memory_space<semaphore_mem>>
      %dma_start3A_221 = arith.constant 0 : i32
      %dma_start3A_222 = tpu.memref_slice %arg12[%add3A_27, %dma_start3A_221] : memref<10112x64xf32, #tpu.memory_space<vmem_shared>> -> memref<64x64xf32, #tpu.memory_space<vmem_shared>>
      %dma_start3A_223 = arith.constant 0 : i32
      %dma_start3A_224 = tpu.memref_slice %arg12[%add3A_27, %dma_start3A_223] : memref<10112x64xf32, #tpu.memory_space<vmem_shared>> -> memref<64x64xf32, #tpu.memory_space<vmem_shared>>
      tpu.enqueue_dma source(%arg11 : memref<64x64xf32, #tpu.memory_space<vmem>>) target(%dma_start3A_224 : memref<64x64xf32, #tpu.memory_space<vmem_shared>>) target_semaphore(%run_scoped3A : memref<!tpu.dma_semaphore, #tpu.memory_space<semaphore_mem>>)
      %dma_wait3A_225 = arith.constant 0 : i32
      %dma_wait3A_226 = tpu.memref_slice %arg12[%add3A_27, %dma_wait3A_225] : memref<10112x64xf32, #tpu.memory_space<vmem_shared>> -> memref<64x64xf32, #tpu.memory_space<vmem_shared>>
      %dma_wait3A_227 = arith.constant 0 : i32
      %dma_wait3A_228 = tpu.memref_slice %arg12[%add3A_27, %dma_wait3A_227] : memref<10112x64xf32, #tpu.memory_space<vmem_shared>> -> memref<64x64xf32, #tpu.memory_space<vmem_shared>>
      tpu.wait_dma2 semaphore(%run_scoped3A : memref<!tpu.dma_semaphore, #tpu.memory_space<semaphore_mem>>) src(%arg11 : memref<64x64xf32, #tpu.memory_space<vmem>>) dst(%dma_wait3A_228 : memref<64x64xf32, #tpu.memory_space<vmem_shared>>)
      tpu.yield
    }) : () -> ()
    %mul3A_28 = arith.constant 632 : i32
    %mul3A_29 = arith.muli %arg1, %mul3A_28 : i32
    %add3A_30 = arith.constant 384 : i32
    %add3A_31 = arith.addi %mul3A_29, %add3A_30 : i32
    "tpu.region"() ({
      %run_scoped3A = tpu.sem_alloc : memref<!tpu.dma_semaphore, #tpu.memory_space<semaphore_mem>>
      %dma_start3A_221 = arith.constant 0 : i32
      %dma_start3A_222 = tpu.memref_slice %arg12[%add3A_31, %dma_start3A_221] : memref<10112x64xf32, #tpu.memory_space<vmem_shared>> -> memref<64x64xf32, #tpu.memory_space<vmem_shared>>
      %dma_start3A_223 = arith.constant 0 : i32
      %dma_start3A_224 = tpu.memref_slice %arg12[%add3A_31, %dma_start3A_223] : memref<10112x64xf32, #tpu.memory_space<vmem_shared>> -> memref<64x64xf32, #tpu.memory_space<vmem_shared>>
      tpu.enqueue_dma source(%arg11 : memref<64x64xf32, #tpu.memory_space<vmem>>) target(%dma_start3A_224 : memref<64x64xf32, #tpu.memory_space<vmem_shared>>) target_semaphore(%run_scoped3A : memref<!tpu.dma_semaphore, #tpu.memory_space<semaphore_mem>>)
      %dma_wait3A_225 = arith.constant 0 : i32
      %dma_wait3A_226 = tpu.memref_slice %arg12[%add3A_31, %dma_wait3A_225] : memref<10112x64xf32, #tpu.memory_space<vmem_shared>> -> memref<64x64xf32, #tpu.memory_space<vmem_shared>>
      %dma_wait3A_227 = arith.constant 0 : i32
      %dma_wait3A_228 = tpu.memref_slice %arg12[%add3A_31, %dma_wait3A_227] : memref<10112x64xf32, #tpu.memory_space<vmem_shared>> -> memref<64x64xf32, #tpu.memory_space<vmem_shared>>
      tpu.wait_dma2 semaphore(%run_scoped3A : memref<!tpu.dma_semaphore, #tpu.memory_space<semaphore_mem>>) src(%arg11 : memref<64x64xf32, #tpu.memory_space<vmem>>) dst(%dma_wait3A_228 : memref<64x64xf32, #tpu.memory_space<vmem_shared>>)
      tpu.yield
    }) : () -> ()
    %mul3A_32 = arith.constant 632 : i32
    %mul3A_33 = arith.muli %arg1, %mul3A_32 : i32
    %add3A_34 = arith.constant 448 : i32
    %add3A_35 = arith.addi %mul3A_33, %add3A_34 : i32
    "tpu.region"() ({
      %run_scoped3A = tpu.sem_alloc : memref<!tpu.dma_semaphore, #tpu.memory_space<semaphore_mem>>
      %dma_start3A_221 = arith.constant 0 : i32
      %dma_start3A_222 = tpu.memref_slice %arg12[%add3A_35, %dma_start3A_221] : memref<10112x64xf32, #tpu.memory_space<vmem_shared>> -> memref<64x64xf32, #tpu.memory_space<vmem_shared>>
      %dma_start3A_223 = arith.constant 0 : i32
      %dma_start3A_224 = tpu.memref_slice %arg12[%add3A_35, %dma_start3A_223] : memref<10112x64xf32, #tpu.memory_space<vmem_shared>> -> memref<64x64xf32, #tpu.memory_space<vmem_shared>>
      tpu.enqueue_dma source(%arg11 : memref<64x64xf32, #tpu.memory_space<vmem>>) target(%dma_start3A_224 : memref<64x64xf32, #tpu.memory_space<vmem_shared>>) target_semaphore(%run_scoped3A : memref<!tpu.dma_semaphore, #tpu.memory_space<semaphore_mem>>)
      %dma_wait3A_225 = arith.constant 0 : i32
      %dma_wait3A_226 = tpu.memref_slice %arg12[%add3A_35, %dma_wait3A_225] : memref<10112x64xf32, #tpu.memory_space<vmem_shared>> -> memref<64x64xf32, #tpu.memory_space<vmem_shared>>
      %dma_wait3A_227 = arith.constant 0 : i32
      %dma_wait3A_228 = tpu.memref_slice %arg12[%add3A_35, %dma_wait3A_227] : memref<10112x64xf32, #tpu.memory_space<vmem_shared>> -> memref<64x64xf32, #tpu.memory_space<vmem_shared>>
      tpu.wait_dma2 semaphore(%run_scoped3A : memref<!tpu.dma_semaphore, #tpu.memory_space<semaphore_mem>>) src(%arg11 : memref<64x64xf32, #tpu.memory_space<vmem>>) dst(%dma_wait3A_228 : memref<64x64xf32, #tpu.memory_space<vmem_shared>>)
      tpu.yield
    }) : () -> ()
    %mul3A_36 = arith.constant 632 : i32
    %mul3A_37 = arith.muli %arg1, %mul3A_36 : i32
    %add3A_38 = arith.constant 512 : i32
    %add3A_39 = arith.addi %mul3A_37, %add3A_38 : i32
    "tpu.region"() ({
      %run_scoped3A = tpu.sem_alloc : memref<!tpu.dma_semaphore, #tpu.memory_space<semaphore_mem>>
      %dma_start3A_221 = arith.constant 0 : i32
      %dma_start3A_222 = tpu.memref_slice %arg12[%add3A_39, %dma_start3A_221] : memref<10112x64xf32, #tpu.memory_space<vmem_shared>> -> memref<64x64xf32, #tpu.memory_space<vmem_shared>>
      %dma_start3A_223 = arith.constant 0 : i32
      %dma_start3A_224 = tpu.memref_slice %arg12[%add3A_39, %dma_start3A_223] : memref<10112x64xf32, #tpu.memory_space<vmem_shared>> -> memref<64x64xf32, #tpu.memory_space<vmem_shared>>
      tpu.enqueue_dma source(%arg11 : memref<64x64xf32, #tpu.memory_space<vmem>>) target(%dma_start3A_224 : memref<64x64xf32, #tpu.memory_space<vmem_shared>>) target_semaphore(%run_scoped3A : memref<!tpu.dma_semaphore, #tpu.memory_space<semaphore_mem>>)
      %dma_wait3A_225 = arith.constant 0 : i32
      %dma_wait3A_226 = tpu.memref_slice %arg12[%add3A_39, %dma_wait3A_225] : memref<10112x64xf32, #tpu.memory_space<vmem_shared>> -> memref<64x64xf32, #tpu.memory_space<vmem_shared>>
      %dma_wait3A_227 = arith.constant 0 : i32
      %dma_wait3A_228 = tpu.memref_slice %arg12[%add3A_39, %dma_wait3A_227] : memref<10112x64xf32, #tpu.memory_space<vmem_shared>> -> memref<64x64xf32, #tpu.memory_space<vmem_shared>>
      tpu.wait_dma2 semaphore(%run_scoped3A : memref<!tpu.dma_semaphore, #tpu.memory_space<semaphore_mem>>) src(%arg11 : memref<64x64xf32, #tpu.memory_space<vmem>>) dst(%dma_wait3A_228 : memref<64x64xf32, #tpu.memory_space<vmem_shared>>)
      tpu.yield
    }) : () -> ()
    %mul3A_40 = arith.constant 632 : i32
    %mul3A_41 = arith.muli %arg1, %mul3A_40 : i32
    %add3A_42 = arith.constant 632 : i32
    %add3A_43 = arith.addi %mul3A_41, %add3A_42 : i32
    %sub3A = arith.constant 56 : i32
    %sub3A_44 = arith.subi %add3A_43, %sub3A : i32
    "tpu.region"() ({
      %run_scoped3A = tpu.sem_alloc : memref<!tpu.dma_semaphore, #tpu.memory_space<semaphore_mem>>
      %dma_start3A_221 = arith.constant 0 : i32
      %dma_start3A_222 = arith.constant 0 : i32
      %dma_start3A_223 = tpu.memref_slice %arg11[%dma_start3A_221, %dma_start3A_222] : memref<64x64xf32, #tpu.memory_space<vmem>> -> memref<56x64xf32, #tpu.memory_space<vmem>>
      %dma_start3A_224 = arith.constant 0 : i32
      %dma_start3A_225 = tpu.memref_slice %arg12[%sub3A_44, %dma_start3A_224] : memref<10112x64xf32, #tpu.memory_space<vmem_shared>> -> memref<56x64xf32, #tpu.memory_space<vmem_shared>>
      %dma_start3A_226 = arith.constant 0 : i32
      %dma_start3A_227 = tpu.memref_slice %arg12[%sub3A_44, %dma_start3A_226] : memref<10112x64xf32, #tpu.memory_space<vmem_shared>> -> memref<56x64xf32, #tpu.memory_space<vmem_shared>>
      %dma_start3A_228 = arith.constant 0 : i32
      %dma_start3A_229 = arith.constant 0 : i32
      %dma_start3A_230 = tpu.memref_slice %arg11[%dma_start3A_228, %dma_start3A_229] : memref<64x64xf32, #tpu.memory_space<vmem>> -> memref<56x64xf32, #tpu.memory_space<vmem>>
      tpu.enqueue_dma source(%dma_start3A_230 : memref<56x64xf32, #tpu.memory_space<vmem>>) target(%dma_start3A_227 : memref<56x64xf32, #tpu.memory_space<vmem_shared>>) target_semaphore(%run_scoped3A : memref<!tpu.dma_semaphore, #tpu.memory_space<semaphore_mem>>)
      %dma_wait3A_231 = arith.constant 0 : i32
      %dma_wait3A_232 = arith.constant 0 : i32
      %dma_wait3A_233 = tpu.memref_slice %arg11[%dma_wait3A_231, %dma_wait3A_232] : memref<64x64xf32, #tpu.memory_space<vmem>> -> memref<56x64xf32, #tpu.memory_space<vmem>>
      %dma_wait3A_234 = arith.constant 0 : i32
      %dma_wait3A_235 = tpu.memref_slice %arg12[%sub3A_44, %dma_wait3A_234] : memref<10112x64xf32, #tpu.memory_space<vmem_shared>> -> memref<56x64xf32, #tpu.memory_space<vmem_shared>>
      %dma_wait3A_236 = arith.constant 0 : i32
      %dma_wait3A_237 = tpu.memref_slice %arg12[%sub3A_44, %dma_wait3A_236] : memref<10112x64xf32, #tpu.memory_space<vmem_shared>> -> memref<56x64xf32, #tpu.memory_space<vmem_shared>>
      %dma_wait3A_238 = arith.constant 0 : i32
      %dma_wait3A_239 = arith.constant 0 : i32
      %dma_wait3A_240 = tpu.memref_slice %arg11[%dma_wait3A_238, %dma_wait3A_239] : memref<64x64xf32, #tpu.memory_space<vmem>> -> memref<56x64xf32, #tpu.memory_space<vmem>>
      tpu.wait_dma2 semaphore(%run_scoped3A : memref<!tpu.dma_semaphore, #tpu.memory_space<semaphore_mem>>) src(%dma_wait3A_240 : memref<56x64xf32, #tpu.memory_space<vmem>>) dst(%dma_wait3A_237 : memref<56x64xf32, #tpu.memory_space<vmem_shared>>)
      tpu.yield
    }) : () -> ()
    %barrier3A = arith.constant 0 : index
    tpu.barrier barrier_id(%barrier3A)
    %dma_start3A = arith.constant 0 : i32
    %dma_start3A_45 = arith.constant 0 : i32
    %dma_start3A_46 = arith.constant 0 : i32
    %dma_start3A_47 = arith.constant 0 : i32
    %dma_start3A_48 = tpu.memref_slice %arg9[%dma_start3A_45, %dma_start3A_46, %dma_start3A_47] : memref<3x64x128xbf16, #tpu.memory_space<vmem>> -> memref<1x64x128xbf16, #tpu.memory_space<vmem>>
    %dma_start3A_49 = tpu.memref_squeeze %dma_start3A_48 : memref<1x64x128xbf16, #tpu.memory_space<vmem>> -> memref<64x128xbf16, #tpu.memory_space<vmem>>
    %dma_start3A_50 = arith.constant 0 : i32
    %dma_start3A_51 = tpu.memref_slice %arg8[%dma_start3A, %dma_start3A_50] : memref<318x64xi32, #tpu.memory_space<vmem>> -> memref<1x64xi32, #tpu.memory_space<vmem>>
    %dma_start3A_52 = tpu.memref_squeeze %dma_start3A_51 : memref<1x64xi32, #tpu.memory_space<vmem>> -> memref<64xi32, #tpu.memory_space<vmem>>
    %dma_start3A_53 = arith.constant 0 : i32
    %dma_start3A_54 = arith.constant 0 : i32
    %dma_start3A_55 = tpu.memref_slice %arg4[%arg0, %dma_start3A_53, %dma_start3A_54] : memref<2x10000x128xbf16, #tpu.memory_space<hbm>> -> memref<1x10000x128xbf16, #tpu.memory_space<hbm>>
    %dma_start3A_56 = tpu.memref_squeeze %dma_start3A_55 : memref<1x10000x128xbf16, #tpu.memory_space<hbm>> -> memref<10000x128xbf16, #tpu.memory_space<hbm>>
    %dma_start3A_57 = arith.constant 0 : i32
    %dma_start3A_58 = arith.constant 0 : i32
    %dma_start3A_59 = tpu.memref_slice %dma_start3A_56[%dma_start3A_57, %dma_start3A_58] : memref<10000x128xbf16, #tpu.memory_space<hbm>> -> memref<10000x128xbf16, #tpu.memory_space<hbm>>
    tpu.enqueue_indirect_dma source(%dma_start3A_59 : memref<10000x128xbf16, #tpu.memory_space<hbm>>) target(%dma_start3A_49 : memref<64x128xbf16, #tpu.memory_space<vmem>>) offsets(%dma_start3A_52 : memref<64xi32, #tpu.memory_space<vmem>>) semaphore(%arg14 : memref<!tpu.dma_semaphore, #tpu.memory_space<semaphore_mem>>)
    %dma_start3A_60 = arith.constant 0 : i32
    %dma_start3A_61 = arith.constant 0 : i32
    %dma_start3A_62 = arith.constant 0 : i32
    %dma_start3A_63 = arith.constant 0 : i32
    %dma_start3A_64 = tpu.memref_slice %arg10[%dma_start3A_61, %dma_start3A_62, %dma_start3A_63] : memref<3x64x64xbf16, #tpu.memory_space<vmem>> -> memref<1x64x64xbf16, #tpu.memory_space<vmem>>
    %dma_start3A_65 = tpu.memref_squeeze %dma_start3A_64 : memref<1x64x64xbf16, #tpu.memory_space<vmem>> -> memref<64x64xbf16, #tpu.memory_space<vmem>>
    %dma_start3A_66 = arith.constant 0 : i32
    %dma_start3A_67 = tpu.memref_slice %arg7[%dma_start3A_60, %dma_start3A_66] : memref<318x64xi32, #tpu.memory_space<vmem>> -> memref<1x64xi32, #tpu.memory_space<vmem>>
    %dma_start3A_68 = tpu.memref_squeeze %dma_start3A_67 : memref<1x64xi32, #tpu.memory_space<vmem>> -> memref<64xi32, #tpu.memory_space<vmem>>
    %dma_start3A_69 = arith.constant 0 : i32
    %dma_start3A_70 = arith.constant 0 : i32
    %dma_start3A_71 = tpu.memref_slice %arg13[%dma_start3A_69, %dma_start3A_70] : memref<10112x64xbf16, #tpu.memory_space<vmem_shared>> -> memref<10112x64xbf16, #tpu.memory_space<vmem_shared>>
    tpu.enqueue_indirect_dma source(%dma_start3A_71 : memref<10112x64xbf16, #tpu.memory_space<vmem_shared>>) target(%dma_start3A_65 : memref<64x64xbf16, #tpu.memory_space<vmem>>) offsets(%dma_start3A_68 : memref<64xi32, #tpu.memory_space<vmem>>) semaphore(%arg15 : memref<!tpu.dma_semaphore, #tpu.memory_space<semaphore_mem>>)
    %dma_start3A_72 = arith.constant 1 : i32
    %dma_start3A_73 = arith.constant 1 : i32
    %dma_start3A_74 = arith.constant 0 : i32
    %dma_start3A_75 = arith.constant 0 : i32
    %dma_start3A_76 = tpu.memref_slice %arg9[%dma_start3A_73, %dma_start3A_74, %dma_start3A_75] : memref<3x64x128xbf16, #tpu.memory_space<vmem>> -> memref<1x64x128xbf16, #tpu.memory_space<vmem>>
    %dma_start3A_77 = tpu.memref_squeeze %dma_start3A_76 : memref<1x64x128xbf16, #tpu.memory_space<vmem>> -> memref<64x128xbf16, #tpu.memory_space<vmem>>
    %dma_start3A_78 = arith.constant 0 : i32
    %dma_start3A_79 = tpu.memref_slice %arg8[%dma_start3A_72, %dma_start3A_78] : memref<318x64xi32, #tpu.memory_space<vmem>> -> memref<1x64xi32, #tpu.memory_space<vmem>>
    %dma_start3A_80 = tpu.memref_squeeze %dma_start3A_79 : memref<1x64xi32, #tpu.memory_space<vmem>> -> memref<64xi32, #tpu.memory_space<vmem>>
    %dma_start3A_81 = arith.constant 0 : i32
    %dma_start3A_82 = arith.constant 0 : i32
    %dma_start3A_83 = tpu.memref_slice %arg4[%arg0, %dma_start3A_81, %dma_start3A_82] : memref<2x10000x128xbf16, #tpu.memory_space<hbm>> -> memref<1x10000x128xbf16, #tpu.memory_space<hbm>>
    %dma_start3A_84 = tpu.memref_squeeze %dma_start3A_83 : memref<1x10000x128xbf16, #tpu.memory_space<hbm>> -> memref<10000x128xbf16, #tpu.memory_space<hbm>>
    %dma_start3A_85 = arith.constant 0 : i32
    %dma_start3A_86 = arith.constant 0 : i32
    %dma_start3A_87 = tpu.memref_slice %dma_start3A_84[%dma_start3A_85, %dma_start3A_86] : memref<10000x128xbf16, #tpu.memory_space<hbm>> -> memref<10000x128xbf16, #tpu.memory_space<hbm>>
    tpu.enqueue_indirect_dma source(%dma_start3A_87 : memref<10000x128xbf16, #tpu.memory_space<hbm>>) target(%dma_start3A_77 : memref<64x128xbf16, #tpu.memory_space<vmem>>) offsets(%dma_start3A_80 : memref<64xi32, #tpu.memory_space<vmem>>) semaphore(%arg16 : memref<!tpu.dma_semaphore, #tpu.memory_space<semaphore_mem>>)
    %dma_start3A_88 = arith.constant 1 : i32
    %dma_start3A_89 = arith.constant 1 : i32
    %dma_start3A_90 = arith.constant 0 : i32
    %dma_start3A_91 = arith.constant 0 : i32
    %dma_start3A_92 = tpu.memref_slice %arg10[%dma_start3A_89, %dma_start3A_90, %dma_start3A_91] : memref<3x64x64xbf16, #tpu.memory_space<vmem>> -> memref<1x64x64xbf16, #tpu.memory_space<vmem>>
    %dma_start3A_93 = tpu.memref_squeeze %dma_start3A_92 : memref<1x64x64xbf16, #tpu.memory_space<vmem>> -> memref<64x64xbf16, #tpu.memory_space<vmem>>
    %dma_start3A_94 = arith.constant 0 : i32
    %dma_start3A_95 = tpu.memref_slice %arg7[%dma_start3A_88, %dma_start3A_94] : memref<318x64xi32, #tpu.memory_space<vmem>> -> memref<1x64xi32, #tpu.memory_space<vmem>>
    %dma_start3A_96 = tpu.memref_squeeze %dma_start3A_95 : memref<1x64xi32, #tpu.memory_space<vmem>> -> memref<64xi32, #tpu.memory_space<vmem>>
    %dma_start3A_97 = arith.constant 0 : i32
    %dma_start3A_98 = arith.constant 0 : i32
    %dma_start3A_99 = tpu.memref_slice %arg13[%dma_start3A_97, %dma_start3A_98] : memref<10112x64xbf16, #tpu.memory_space<vmem_shared>> -> memref<10112x64xbf16, #tpu.memory_space<vmem_shared>>
    tpu.enqueue_indirect_dma source(%dma_start3A_99 : memref<10112x64xbf16, #tpu.memory_space<vmem_shared>>) target(%dma_start3A_93 : memref<64x64xbf16, #tpu.memory_space<vmem>>) offsets(%dma_start3A_96 : memref<64xi32, #tpu.memory_space<vmem>>) semaphore(%arg17 : memref<!tpu.dma_semaphore, #tpu.memory_space<semaphore_mem>>)
    %dma_start3A_100 = arith.constant 2 : i32
    %dma_start3A_101 = arith.constant 2 : i32
    %dma_start3A_102 = arith.constant 0 : i32
    %dma_start3A_103 = arith.constant 0 : i32
    %dma_start3A_104 = tpu.memref_slice %arg9[%dma_start3A_101, %dma_start3A_102, %dma_start3A_103] : memref<3x64x128xbf16, #tpu.memory_space<vmem>> -> memref<1x64x128xbf16, #tpu.memory_space<vmem>>
    %dma_start3A_105 = tpu.memref_squeeze %dma_start3A_104 : memref<1x64x128xbf16, #tpu.memory_space<vmem>> -> memref<64x128xbf16, #tpu.memory_space<vmem>>
    %dma_start3A_106 = arith.constant 0 : i32
    %dma_start3A_107 = tpu.memref_slice %arg8[%dma_start3A_100, %dma_start3A_106] : memref<318x64xi32, #tpu.memory_space<vmem>> -> memref<1x64xi32, #tpu.memory_space<vmem>>
    %dma_start3A_108 = tpu.memref_squeeze %dma_start3A_107 : memref<1x64xi32, #tpu.memory_space<vmem>> -> memref<64xi32, #tpu.memory_space<vmem>>
    %dma_start3A_109 = arith.constant 0 : i32
    %dma_start3A_110 = arith.constant 0 : i32
    %dma_start3A_111 = tpu.memref_slice %arg4[%arg0, %dma_start3A_109, %dma_start3A_110] : memref<2x10000x128xbf16, #tpu.memory_space<hbm>> -> memref<1x10000x128xbf16, #tpu.memory_space<hbm>>
    %dma_start3A_112 = tpu.memref_squeeze %dma_start3A_111 : memref<1x10000x128xbf16, #tpu.memory_space<hbm>> -> memref<10000x128xbf16, #tpu.memory_space<hbm>>
    %dma_start3A_113 = arith.constant 0 : i32
    %dma_start3A_114 = arith.constant 0 : i32
    %dma_start3A_115 = tpu.memref_slice %dma_start3A_112[%dma_start3A_113, %dma_start3A_114] : memref<10000x128xbf16, #tpu.memory_space<hbm>> -> memref<10000x128xbf16, #tpu.memory_space<hbm>>
    tpu.enqueue_indirect_dma source(%dma_start3A_115 : memref<10000x128xbf16, #tpu.memory_space<hbm>>) target(%dma_start3A_105 : memref<64x128xbf16, #tpu.memory_space<vmem>>) offsets(%dma_start3A_108 : memref<64xi32, #tpu.memory_space<vmem>>) semaphore(%arg18 : memref<!tpu.dma_semaphore, #tpu.memory_space<semaphore_mem>>)
    %dma_start3A_116 = arith.constant 2 : i32
    %dma_start3A_117 = arith.constant 2 : i32
    %dma_start3A_118 = arith.constant 0 : i32
    %dma_start3A_119 = arith.constant 0 : i32
    %dma_start3A_120 = tpu.memref_slice %arg10[%dma_start3A_117, %dma_start3A_118, %dma_start3A_119] : memref<3x64x64xbf16, #tpu.memory_space<vmem>> -> memref<1x64x64xbf16, #tpu.memory_space<vmem>>
    %dma_start3A_121 = tpu.memref_squeeze %dma_start3A_120 : memref<1x64x64xbf16, #tpu.memory_space<vmem>> -> memref<64x64xbf16, #tpu.memory_space<vmem>>
    %dma_start3A_122 = arith.constant 0 : i32
    %dma_start3A_123 = tpu.memref_slice %arg7[%dma_start3A_116, %dma_start3A_122] : memref<318x64xi32, #tpu.memory_space<vmem>> -> memref<1x64xi32, #tpu.memory_space<vmem>>
    %dma_start3A_124 = tpu.memref_squeeze %dma_start3A_123 : memref<1x64xi32, #tpu.memory_space<vmem>> -> memref<64xi32, #tpu.memory_space<vmem>>
    %dma_start3A_125 = arith.constant 0 : i32
    %dma_start3A_126 = arith.constant 0 : i32
    %dma_start3A_127 = tpu.memref_slice %arg13[%dma_start3A_125, %dma_start3A_126] : memref<10112x64xbf16, #tpu.memory_space<vmem_shared>> -> memref<10112x64xbf16, #tpu.memory_space<vmem_shared>>
    tpu.enqueue_indirect_dma source(%dma_start3A_127 : memref<10112x64xbf16, #tpu.memory_space<vmem_shared>>) target(%dma_start3A_121 : memref<64x64xbf16, #tpu.memory_space<vmem>>) offsets(%dma_start3A_124 : memref<64xi32, #tpu.memory_space<vmem>>) semaphore(%arg19 : memref<!tpu.dma_semaphore, #tpu.memory_space<semaphore_mem>>)
    %scan3A = arith.constant 0 : i32
    %scan3A_128 = arith.constant 0 : i32
    %scan3A_129 = arith.constant 105 : i32
    %scan3A_130 = arith.addi %scan3A_128, %scan3A_129 : i32
    %scan3A_131 = arith.constant 1 : i32
    scf.for %scan3A_221 = %scan3A_128 to %scan3A_130 step %scan3A_131  : i32 {
      %mul3A_222 = arith.constant 3 : i32
      %mul3A_223 = arith.muli %scan3A_221, %mul3A_222 : i32
      %add3A_224 = arith.constant 0 : i32
      %add3A_225 = arith.addi %mul3A_223, %add3A_224 : i32
      %dma_wait3A_226 = arith.constant 0 : i32
      %dma_wait3A_227 = arith.constant 0 : i32
      %dma_wait3A_228 = arith.constant 0 : i32
      %dma_wait3A_229 = tpu.memref_slice %arg9[%dma_wait3A_226, %dma_wait3A_227, %dma_wait3A_228] : memref<3x64x128xbf16, #tpu.memory_space<vmem>> -> memref<1x64x128xbf16, #tpu.memory_space<vmem>>
      %dma_wait3A_230 = tpu.memref_squeeze %dma_wait3A_229 : memref<1x64x128xbf16, #tpu.memory_space<vmem>> -> memref<64x128xbf16, #tpu.memory_space<vmem>>
      %dma_wait3A_231 = arith.constant 0 : i32
      %dma_wait3A_232 = tpu.memref_slice %arg8[%add3A_225, %dma_wait3A_231] : memref<318x64xi32, #tpu.memory_space<vmem>> -> memref<1x64xi32, #tpu.memory_space<vmem>>
      %dma_wait3A_233 = tpu.memref_squeeze %dma_wait3A_232 : memref<1x64xi32, #tpu.memory_space<vmem>> -> memref<64xi32, #tpu.memory_space<vmem>>
      %dma_wait3A_234 = arith.constant 0 : i32
      %dma_wait3A_235 = arith.constant 0 : i32
      %dma_wait3A_236 = tpu.memref_slice %arg4[%arg0, %dma_wait3A_234, %dma_wait3A_235] : memref<2x10000x128xbf16, #tpu.memory_space<hbm>> -> memref<1x10000x128xbf16, #tpu.memory_space<hbm>>
      %dma_wait3A_237 = tpu.memref_squeeze %dma_wait3A_236 : memref<1x10000x128xbf16, #tpu.memory_space<hbm>> -> memref<10000x128xbf16, #tpu.memory_space<hbm>>
      %dma_wait3A_238 = arith.constant 0 : i32
      %dma_wait3A_239 = arith.constant 0 : i32
      %dma_wait3A_240 = tpu.memref_slice %dma_wait3A_237[%dma_wait3A_238, %dma_wait3A_239] : memref<10000x128xbf16, #tpu.memory_space<hbm>> -> memref<10000x128xbf16, #tpu.memory_space<hbm>>
      tpu.wait_indirect_dma semaphore(%arg14 : memref<!tpu.dma_semaphore, #tpu.memory_space<semaphore_mem>>) src(%dma_wait3A_240 : memref<10000x128xbf16, #tpu.memory_space<hbm>>) dst(%dma_wait3A_230 : memref<64x128xbf16, #tpu.memory_space<vmem>>)
      %dma_wait3A_241 = arith.constant 0 : i32
      %dma_wait3A_242 = arith.constant 0 : i32
      %dma_wait3A_243 = arith.constant 0 : i32
      %dma_wait3A_244 = tpu.memref_slice %arg10[%dma_wait3A_241, %dma_wait3A_242, %dma_wait3A_243] : memref<3x64x64xbf16, #tpu.memory_space<vmem>> -> memref<1x64x64xbf16, #tpu.memory_space<vmem>>
      %dma_wait3A_245 = tpu.memref_squeeze %dma_wait3A_244 : memref<1x64x64xbf16, #tpu.memory_space<vmem>> -> memref<64x64xbf16, #tpu.memory_space<vmem>>
      %dma_wait3A_246 = arith.constant 0 : i32
      %dma_wait3A_247 = tpu.memref_slice %arg7[%add3A_225, %dma_wait3A_246] : memref<318x64xi32, #tpu.memory_space<vmem>> -> memref<1x64xi32, #tpu.memory_space<vmem>>
      %dma_wait3A_248 = tpu.memref_squeeze %dma_wait3A_247 : memref<1x64xi32, #tpu.memory_space<vmem>> -> memref<64xi32, #tpu.memory_space<vmem>>
      %dma_wait3A_249 = arith.constant 0 : i32
      %dma_wait3A_250 = arith.constant 0 : i32
      %dma_wait3A_251 = tpu.memref_slice %arg13[%dma_wait3A_249, %dma_wait3A_250] : memref<10112x64xbf16, #tpu.memory_space<vmem_shared>> -> memref<10112x64xbf16, #tpu.memory_space<vmem_shared>>
      tpu.wait_indirect_dma semaphore(%arg15 : memref<!tpu.dma_semaphore, #tpu.memory_space<semaphore_mem>>) src(%dma_wait3A_251 : memref<10112x64xbf16, #tpu.memory_space<vmem_shared>>) dst(%dma_wait3A_245 : memref<64x64xbf16, #tpu.memory_space<vmem>>)
      %add3A_252 = arith.constant 0 : i32
      %add3A_253 = arith.addi %mul3A_223, %add3A_252 : i32
      %parallel_loop3A_254 = arith.constant 0 : i32
      %parallel_loop3A_255 = arith.constant 64 : i32
      %parallel_loop3A_256 = arith.constant 1 : i32
      scf.for %parallel_loop3A_413 = %parallel_loop3A_254 to %parallel_loop3A_255 step %parallel_loop3A_256  : i32 {
        %parallel_loop3A_414 = arith.constant 0 : i32
        %parallel_loop3A_415 = arith.index_cast %parallel_loop3A_414 : i32 to index
        %parallel_loop3A_416 = arith.index_cast %parallel_loop3A_413 : i32 to index
        %parallel_loop3A_417 = arith.constant 0 : index
        %parallel_loop3A_418 = tpu.vector_load %arg10[%parallel_loop3A_415, %parallel_loop3A_416, %parallel_loop3A_417] {strides = array<i32>} : memref<3x64x64xbf16, #tpu.memory_space<vmem>>, vector<32xbf16>,
        %parallel_loop3A_419 = tpu.unpack_subelements %parallel_loop3A_418, 0 {pack_format = #tpu.pack_format<interleaved>} : vector<32xbf16> -> vector<16xf32>
        %parallel_loop3A_420 = tpu.unpack_subelements %parallel_loop3A_418, 1 {pack_format = #tpu.pack_format<interleaved>} : vector<32xbf16> -> vector<16xf32>
        %parallel_loop3A_421 = arith.constant 0 : i32
        %parallel_loop3A_422 = arith.index_cast %parallel_loop3A_421 : i32 to index
        %parallel_loop3A_423 = arith.index_cast %parallel_loop3A_413 : i32 to index
        %parallel_loop3A_424 = arith.constant 0 : index
        %parallel_loop3A_425 = tpu.vector_load %arg9[%parallel_loop3A_422, %parallel_loop3A_423, %parallel_loop3A_424] {strides = array<i32>} : memref<3x64x128xbf16, #tpu.memory_space<vmem>>, vector<32xbf16>,
        %parallel_loop3A_426 = tpu.unpack_subelements %parallel_loop3A_425, 0 {pack_format = #tpu.pack_format<interleaved>} : vector<32xbf16> -> vector<16xf32>
        %parallel_loop3A_427 = tpu.unpack_subelements %parallel_loop3A_425, 1 {pack_format = #tpu.pack_format<interleaved>} : vector<32xbf16> -> vector<16xf32>
        %parallel_loop3A_428 = arith.constant 0 : i32
        %parallel_loop3A_429 = arith.index_cast %parallel_loop3A_428 : i32 to index
        %parallel_loop3A_430 = arith.index_cast %parallel_loop3A_413 : i32 to index
        %parallel_loop3A_431 = arith.constant 64 : index
        %parallel_loop3A_432 = tpu.vector_load %arg9[%parallel_loop3A_429, %parallel_loop3A_430, %parallel_loop3A_431] {strides = array<i32>} : memref<3x64x128xbf16, #tpu.memory_space<vmem>>, vector<32xbf16>,
        %parallel_loop3A_433 = tpu.unpack_subelements %parallel_loop3A_432, 0 {pack_format = #tpu.pack_format<interleaved>} : vector<32xbf16> -> vector<16xf32>
        %parallel_loop3A_434 = tpu.unpack_subelements %parallel_loop3A_432, 1 {pack_format = #tpu.pack_format<interleaved>} : vector<32xbf16> -> vector<16xf32>
        %parallel_loop3A_435 = arith.addf %parallel_loop3A_419, %parallel_loop3A_426 : vector<16xf32>
        %parallel_loop3A_436 = arith.constant 0.000000e+00 : f32
        %parallel_loop3A_437 = vector.broadcast %parallel_loop3A_436 : f32 to vector<16xf32>
        %parallel_loop3A_438 = arith.subf %parallel_loop3A_437, %parallel_loop3A_435 : vector<16xf32>
        %parallel_loop3A_439 = math.exp %parallel_loop3A_438 : vector<16xf32>
        %parallel_loop3A_440 = arith.constant 1.000000e+00 : f32
        %parallel_loop3A_441 = vector.broadcast %parallel_loop3A_440 : f32 to vector<16xf32>
        %parallel_loop3A_442 = arith.addf %parallel_loop3A_441, %parallel_loop3A_439 : vector<16xf32>
        %parallel_loop3A_443 = arith.constant 1.000000e+00 : f32
        %parallel_loop3A_444 = vector.broadcast %parallel_loop3A_443 : f32 to vector<16xf32>
        %parallel_loop3A_445 = arith.divf %parallel_loop3A_444, %parallel_loop3A_442 : vector<16xf32>
        %parallel_loop3A_446 = arith.mulf %parallel_loop3A_445, %parallel_loop3A_433 : vector<16xf32>
        %parallel_loop3A_447 = arith.index_cast %parallel_loop3A_413 : i32 to index
        %parallel_loop3A_448 = arith.constant 0 : index
        %parallel_loop3A_449 = tpu.vector_load %arg11[%parallel_loop3A_447, %parallel_loop3A_448] {strides = array<i32>} : memref<64x64xf32, #tpu.memory_space<vmem>>, vector<16xf32>,
        tpu.vector_store %arg11[%parallel_loop3A_447, %parallel_loop3A_448], %parallel_loop3A_446 {strides = array<i32>} : memref<64x64xf32, #tpu.memory_space<vmem>>, vector<16xf32>,
        %parallel_loop3A_450 = arith.addf %parallel_loop3A_420, %parallel_loop3A_427 : vector<16xf32>
        %parallel_loop3A_451 = arith.constant 0.000000e+00 : f32
        %parallel_loop3A_452 = vector.broadcast %parallel_loop3A_451 : f32 to vector<16xf32>
        %parallel_loop3A_453 = arith.subf %parallel_loop3A_452, %parallel_loop3A_450 : vector<16xf32>
        %parallel_loop3A_454 = math.exp %parallel_loop3A_453 : vector<16xf32>
        %parallel_loop3A_455 = arith.constant 1.000000e+00 : f32
        %parallel_loop3A_456 = vector.broadcast %parallel_loop3A_455 : f32 to vector<16xf32>
        %parallel_loop3A_457 = arith.addf %parallel_loop3A_456, %parallel_loop3A_454 : vector<16xf32>
        %parallel_loop3A_458 = arith.constant 1.000000e+00 : f32
        %parallel_loop3A_459 = vector.broadcast %parallel_loop3A_458 : f32 to vector<16xf32>
        %parallel_loop3A_460 = arith.divf %parallel_loop3A_459, %parallel_loop3A_457 : vector<16xf32>
        %parallel_loop3A_461 = arith.mulf %parallel_loop3A_460, %parallel_loop3A_434 : vector<16xf32>
        %parallel_loop3A_462 = arith.index_cast %parallel_loop3A_413 : i32 to index
        %parallel_loop3A_463 = arith.constant 16 : index
        %parallel_loop3A_464 = tpu.vector_load %arg11[%parallel_loop3A_462, %parallel_loop3A_463] {strides = array<i32>} : memref<64x64xf32, #tpu.memory_space<vmem>>, vector<16xf32>,
        tpu.vector_store %arg11[%parallel_loop3A_462, %parallel_loop3A_463], %parallel_loop3A_461 {strides = array<i32>} : memref<64x64xf32, #tpu.memory_space<vmem>>, vector<16xf32>,
        %parallel_loop3A_465 = arith.constant 0 : i32
        %parallel_loop3A_466 = arith.index_cast %parallel_loop3A_465 : i32 to index
        %parallel_loop3A_467 = arith.index_cast %parallel_loop3A_413 : i32 to index
        %parallel_loop3A_468 = arith.constant 32 : index
        %parallel_loop3A_469 = tpu.vector_load %arg10[%parallel_loop3A_466, %parallel_loop3A_467, %parallel_loop3A_468] {strides = array<i32>} : memref<3x64x64xbf16, #tpu.memory_space<vmem>>, vector<32xbf16>,
        %parallel_loop3A_470 = tpu.unpack_subelements %parallel_loop3A_469, 0 {pack_format = #tpu.pack_format<interleaved>} : vector<32xbf16> -> vector<16xf32>
        %parallel_loop3A_471 = tpu.unpack_subelements %parallel_loop3A_469, 1 {pack_format = #tpu.pack_format<interleaved>} : vector<32xbf16> -> vector<16xf32>
        %parallel_loop3A_472 = arith.constant 0 : i32
        %parallel_loop3A_473 = arith.index_cast %parallel_loop3A_472 : i32 to index
        %parallel_loop3A_474 = arith.index_cast %parallel_loop3A_413 : i32 to index
        %parallel_loop3A_475 = arith.constant 32 : index
        %parallel_loop3A_476 = tpu.vector_load %arg9[%parallel_loop3A_473, %parallel_loop3A_474, %parallel_loop3A_475] {strides = array<i32>} : memref<3x64x128xbf16, #tpu.memory_space<vmem>>, vector<32xbf16>,
        %parallel_loop3A_477 = tpu.unpack_subelements %parallel_loop3A_476, 0 {pack_format = #tpu.pack_format<interleaved>} : vector<32xbf16> -> vector<16xf32>
        %parallel_loop3A_478 = tpu.unpack_subelements %parallel_loop3A_476, 1 {pack_format = #tpu.pack_format<interleaved>} : vector<32xbf16> -> vector<16xf32>
        %parallel_loop3A_479 = arith.constant 0 : i32
        %parallel_loop3A_480 = arith.index_cast %parallel_loop3A_479 : i32 to index
        %parallel_loop3A_481 = arith.index_cast %parallel_loop3A_413 : i32 to index
        %parallel_loop3A_482 = arith.constant 96 : index
        %parallel_loop3A_483 = tpu.vector_load %arg9[%parallel_loop3A_480, %parallel_loop3A_481, %parallel_loop3A_482] {strides = array<i32>} : memref<3x64x128xbf16, #tpu.memory_space<vmem>>, vector<32xbf16>,
        %parallel_loop3A_484 = tpu.unpack_subelements %parallel_loop3A_483, 0 {pack_format = #tpu.pack_format<interleaved>} : vector<32xbf16> -> vector<16xf32>
        %parallel_loop3A_485 = tpu.unpack_subelements %parallel_loop3A_483, 1 {pack_format = #tpu.pack_format<interleaved>} : vector<32xbf16> -> vector<16xf32>
        %parallel_loop3A_486 = arith.addf %parallel_loop3A_470, %parallel_loop3A_477 : vector<16xf32>
        %parallel_loop3A_487 = arith.constant 0.000000e+00 : f32
        %parallel_loop3A_488 = vector.broadcast %parallel_loop3A_487 : f32 to vector<16xf32>
        %parallel_loop3A_489 = arith.subf %parallel_loop3A_488, %parallel_loop3A_486 : vector<16xf32>
        %parallel_loop3A_490 = math.exp %parallel_loop3A_489 : vector<16xf32>
        %parallel_loop3A_491 = arith.constant 1.000000e+00 : f32
        %parallel_loop3A_492 = vector.broadcast %parallel_loop3A_491 : f32 to vector<16xf32>
        %parallel_loop3A_493 = arith.addf %parallel_loop3A_492, %parallel_loop3A_490 : vector<16xf32>
        %parallel_loop3A_494 = arith.constant 1.000000e+00 : f32
        %parallel_loop3A_495 = vector.broadcast %parallel_loop3A_494 : f32 to vector<16xf32>
        %parallel_loop3A_496 = arith.divf %parallel_loop3A_495, %parallel_loop3A_493 : vector<16xf32>
        %parallel_loop3A_497 = arith.mulf %parallel_loop3A_496, %parallel_loop3A_484 : vector<16xf32>
        %parallel_loop3A_498 = arith.index_cast %parallel_loop3A_413 : i32 to index
        %parallel_loop3A_499 = arith.constant 32 : index
        %parallel_loop3A_500 = tpu.vector_load %arg11[%parallel_loop3A_498, %parallel_loop3A_499] {strides = array<i32>} : memref<64x64xf32, #tpu.memory_space<vmem>>, vector<16xf32>,
        tpu.vector_store %arg11[%parallel_loop3A_498, %parallel_loop3A_499], %parallel_loop3A_497 {strides = array<i32>} : memref<64x64xf32, #tpu.memory_space<vmem>>, vector<16xf32>,
        %parallel_loop3A_501 = arith.addf %parallel_loop3A_471, %parallel_loop3A_478 : vector<16xf32>
        %parallel_loop3A_502 = arith.constant 0.000000e+00 : f32
        %parallel_loop3A_503 = vector.broadcast %parallel_loop3A_502 : f32 to vector<16xf32>
        %parallel_loop3A_504 = arith.subf %parallel_loop3A_503, %parallel_loop3A_501 : vector<16xf32>
        %parallel_loop3A_505 = math.exp %parallel_loop3A_504 : vector<16xf32>
        %parallel_loop3A_506 = arith.constant 1.000000e+00 : f32
        %parallel_loop3A_507 = vector.broadcast %parallel_loop3A_506 : f32 to vector<16xf32>
        %parallel_loop3A_508 = arith.addf %parallel_loop3A_507, %parallel_loop3A_505 : vector<16xf32>
        %parallel_loop3A_509 = arith.constant 1.000000e+00 : f32
        %parallel_loop3A_510 = vector.broadcast %parallel_loop3A_509 : f32 to vector<16xf32>
        %parallel_loop3A_511 = arith.divf %parallel_loop3A_510, %parallel_loop3A_508 : vector<16xf32>
        %parallel_loop3A_512 = arith.mulf %parallel_loop3A_511, %parallel_loop3A_485 : vector<16xf32>
        %parallel_loop3A_513 = arith.index_cast %parallel_loop3A_413 : i32 to index
        %parallel_loop3A_514 = arith.constant 48 : index
        %parallel_loop3A_515 = tpu.vector_load %arg11[%parallel_loop3A_513, %parallel_loop3A_514] {strides = array<i32>} : memref<64x64xf32, #tpu.memory_space<vmem>>, vector<16xf32>,
        tpu.vector_store %arg11[%parallel_loop3A_513, %parallel_loop3A_514], %parallel_loop3A_512 {strides = array<i32>} : memref<64x64xf32, #tpu.memory_space<vmem>>, vector<16xf32>,
      } {sc.loop_unroll_factor = 1 : i64, sc.parallel_access}
      "tpu.region"() ({
        %run_scoped3A = tpu.sem_alloc : memref<!tpu.dma_semaphore, #tpu.memory_space<semaphore_mem>>
        %dma_start3A_413 = arith.constant 0 : i32
        %dma_start3A_414 = tpu.memref_slice %arg7[%add3A_253, %dma_start3A_413] : memref<318x64xi32, #tpu.memory_space<vmem>> -> memref<1x64xi32, #tpu.memory_space<vmem>>
        %dma_start3A_415 = tpu.memref_squeeze %dma_start3A_414 : memref<1x64xi32, #tpu.memory_space<vmem>> -> memref<64xi32, #tpu.memory_space<vmem>>
        %dma_start3A_416 = arith.constant 0 : i32
        %dma_start3A_417 = arith.constant 0 : i32
        %dma_start3A_418 = tpu.memref_slice %arg12[%dma_start3A_416, %dma_start3A_417] : memref<10112x64xf32, #tpu.memory_space<vmem_shared>> -> memref<10112x64xf32, #tpu.memory_space<vmem_shared>>
        tpu.enqueue_indirect_dma source(%arg11 : memref<64x64xf32, #tpu.memory_space<vmem>>) target(%dma_start3A_418 : memref<10112x64xf32, #tpu.memory_space<vmem_shared>>) offsets(%dma_start3A_415 : memref<64xi32, #tpu.memory_space<vmem>>) semaphore(%run_scoped3A : memref<!tpu.dma_semaphore, #tpu.memory_space<semaphore_mem>>) {add = true}
        %dma_wait3A_419 = arith.constant 0 : i32
        %dma_wait3A_420 = tpu.memref_slice %arg7[%add3A_253, %dma_wait3A_419] : memref<318x64xi32, #tpu.memory_space<vmem>> -> memref<1x64xi32, #tpu.memory_space<vmem>>
        %dma_wait3A_421 = tpu.memref_squeeze %dma_wait3A_420 : memref<1x64xi32, #tpu.memory_space<vmem>> -> memref<64xi32, #tpu.memory_space<vmem>>
        %dma_wait3A_422 = arith.constant 0 : i32
        %dma_wait3A_423 = arith.constant 0 : i32
        %dma_wait3A_424 = tpu.memref_slice %arg12[%dma_wait3A_422, %dma_wait3A_423] : memref<10112x64xf32, #tpu.memory_space<vmem_shared>> -> memref<10112x64xf32, #tpu.memory_space<vmem_shared>>
        tpu.wait_indirect_dma semaphore(%run_scoped3A : memref<!tpu.dma_semaphore, #tpu.memory_space<semaphore_mem>>) src(%arg11 : memref<64x64xf32, #tpu.memory_space<vmem>>) dst(%dma_wait3A_424 : memref<10112x64xf32, #tpu.memory_space<vmem_shared>>)
        tpu.yield
      }) : () -> ()
      %add3A_257 = arith.constant 3 : i32
      %add3A_258 = arith.addi %mul3A_223, %add3A_257 : i32
      %add3A_259 = arith.constant 0 : i32
      %add3A_260 = arith.addi %add3A_258, %add3A_259 : i32
      %dma_start3A_261 = arith.constant 0 : i32
      %dma_start3A_262 = arith.constant 0 : i32
      %dma_start3A_263 = arith.constant 0 : i32
      %dma_start3A_264 = tpu.memref_slice %arg9[%dma_start3A_261, %dma_start3A_262, %dma_start3A_263] : memref<3x64x128xbf16, #tpu.memory_space<vmem>> -> memref<1x64x128xbf16, #tpu.memory_space<vmem>>
      %dma_start3A_265 = tpu.memref_squeeze %dma_start3A_264 : memref<1x64x128xbf16, #tpu.memory_space<vmem>> -> memref<64x128xbf16, #tpu.memory_space<vmem>>
      %dma_start3A_266 = arith.constant 0 : i32
      %dma_start3A_267 = tpu.memref_slice %arg8[%add3A_260, %dma_start3A_266] : memref<318x64xi32, #tpu.memory_space<vmem>> -> memref<1x64xi32, #tpu.memory_space<vmem>>
      %dma_start3A_268 = tpu.memref_squeeze %dma_start3A_267 : memref<1x64xi32, #tpu.memory_space<vmem>> -> memref<64xi32, #tpu.memory_space<vmem>>
      %dma_start3A_269 = arith.constant 0 : i32
      %dma_start3A_270 = arith.constant 0 : i32
      %dma_start3A_271 = tpu.memref_slice %arg4[%arg0, %dma_start3A_269, %dma_start3A_270] : memref<2x10000x128xbf16, #tpu.memory_space<hbm>> -> memref<1x10000x128xbf16, #tpu.memory_space<hbm>>
      %dma_start3A_272 = tpu.memref_squeeze %dma_start3A_271 : memref<1x10000x128xbf16, #tpu.memory_space<hbm>> -> memref<10000x128xbf16, #tpu.memory_space<hbm>>
      %dma_start3A_273 = arith.constant 0 : i32
      %dma_start3A_274 = arith.constant 0 : i32
      %dma_start3A_275 = tpu.memref_slice %dma_start3A_272[%dma_start3A_273, %dma_start3A_274] : memref<10000x128xbf16, #tpu.memory_space<hbm>> -> memref<10000x128xbf16, #tpu.memory_space<hbm>>
      tpu.enqueue_indirect_dma source(%dma_start3A_275 : memref<10000x128xbf16, #tpu.memory_space<hbm>>) target(%dma_start3A_265 : memref<64x128xbf16, #tpu.memory_space<vmem>>) offsets(%dma_start3A_268 : memref<64xi32, #tpu.memory_space<vmem>>) semaphore(%arg14 : memref<!tpu.dma_semaphore, #tpu.memory_space<semaphore_mem>>)
      %dma_start3A_276 = arith.constant 0 : i32
      %dma_start3A_277 = arith.constant 0 : i32
      %dma_start3A_278 = arith.constant 0 : i32
      %dma_start3A_279 = tpu.memref_slice %arg10[%dma_start3A_276, %dma_start3A_277, %dma_start3A_278] : memref<3x64x64xbf16, #tpu.memory_space<vmem>> -> memref<1x64x64xbf16, #tpu.memory_space<vmem>>
      %dma_start3A_280 = tpu.memref_squeeze %dma_start3A_279 : memref<1x64x64xbf16, #tpu.memory_space<vmem>> -> memref<64x64xbf16, #tpu.memory_space<vmem>>
      %dma_start3A_281 = arith.constant 0 : i32
      %dma_start3A_282 = tpu.memref_slice %arg7[%add3A_260, %dma_start3A_281] : memref<318x64xi32, #tpu.memory_space<vmem>> -> memref<1x64xi32, #tpu.memory_space<vmem>>
      %dma_start3A_283 = tpu.memref_squeeze %dma_start3A_282 : memref<1x64xi32, #tpu.memory_space<vmem>> -> memref<64xi32, #tpu.memory_space<vmem>>
      %dma_start3A_284 = arith.constant 0 : i32
      %dma_start3A_285 = arith.constant 0 : i32
      %dma_start3A_286 = tpu.memref_slice %arg13[%dma_start3A_284, %dma_start3A_285] : memref<10112x64xbf16, #tpu.memory_space<vmem_shared>> -> memref<10112x64xbf16, #tpu.memory_space<vmem_shared>>
      tpu.enqueue_indirect_dma source(%dma_start3A_286 : memref<10112x64xbf16, #tpu.memory_space<vmem_shared>>) target(%dma_start3A_280 : memref<64x64xbf16, #tpu.memory_space<vmem>>) offsets(%dma_start3A_283 : memref<64xi32, #tpu.memory_space<vmem>>) semaphore(%arg15 : memref<!tpu.dma_semaphore, #tpu.memory_space<semaphore_mem>>)
      %add3A_287 = arith.constant 1 : i32
      %add3A_288 = arith.addi %mul3A_223, %add3A_287 : i32
      %dma_wait3A_289 = arith.constant 1 : i32
      %dma_wait3A_290 = arith.constant 0 : i32
      %dma_wait3A_291 = arith.constant 0 : i32
      %dma_wait3A_292 = tpu.memref_slice %arg9[%dma_wait3A_289, %dma_wait3A_290, %dma_wait3A_291] : memref<3x64x128xbf16, #tpu.memory_space<vmem>> -> memref<1x64x128xbf16, #tpu.memory_space<vmem>>
      %dma_wait3A_293 = tpu.memref_squeeze %dma_wait3A_292 : memref<1x64x128xbf16, #tpu.memory_space<vmem>> -> memref<64x128xbf16, #tpu.memory_space<vmem>>
      %dma_wait3A_294 = arith.constant 0 : i32
      %dma_wait3A_295 = tpu.memref_slice %arg8[%add3A_288, %dma_wait3A_294] : memref<318x64xi32, #tpu.memory_space<vmem>> -> memref<1x64xi32, #tpu.memory_space<vmem>>
      %dma_wait3A_296 = tpu.memref_squeeze %dma_wait3A_295 : memref<1x64xi32, #tpu.memory_space<vmem>> -> memref<64xi32, #tpu.memory_space<vmem>>
      %dma_wait3A_297 = arith.constant 0 : i32
      %dma_wait3A_298 = arith.constant 0 : i32
      %dma_wait3A_299 = tpu.memref_slice %arg4[%arg0, %dma_wait3A_297, %dma_wait3A_298] : memref<2x10000x128xbf16, #tpu.memory_space<hbm>> -> memref<1x10000x128xbf16, #tpu.memory_space<hbm>>
      %dma_wait3A_300 = tpu.memref_squeeze %dma_wait3A_299 : memref<1x10000x128xbf16, #tpu.memory_space<hbm>> -> memref<10000x128xbf16, #tpu.memory_space<hbm>>
      %dma_wait3A_301 = arith.constant 0 : i32
      %dma_wait3A_302 = arith.constant 0 : i32
      %dma_wait3A_303 = tpu.memref_slice %dma_wait3A_300[%dma_wait3A_301, %dma_wait3A_302] : memref<10000x128xbf16, #tpu.memory_space<hbm>> -> memref<10000x128xbf16, #tpu.memory_space<hbm>>
      tpu.wait_indirect_dma semaphore(%arg16 : memref<!tpu.dma_semaphore, #tpu.memory_space<semaphore_mem>>) src(%dma_wait3A_303 : memref<10000x128xbf16, #tpu.memory_space<hbm>>) dst(%dma_wait3A_293 : memref<64x128xbf16, #tpu.memory_space<vmem>>)
      %dma_wait3A_304 = arith.constant 1 : i32
      %dma_wait3A_305 = arith.constant 0 : i32
      %dma_wait3A_306 = arith.constant 0 : i32
      %dma_wait3A_307 = tpu.memref_slice %arg10[%dma_wait3A_304, %dma_wait3A_305, %dma_wait3A_306] : memref<3x64x64xbf16, #tpu.memory_space<vmem>> -> memref<1x64x64xbf16, #tpu.memory_space<vmem>>
      %dma_wait3A_308 = tpu.memref_squeeze %dma_wait3A_307 : memref<1x64x64xbf16, #tpu.memory_space<vmem>> -> memref<64x64xbf16, #tpu.memory_space<vmem>>
      %dma_wait3A_309 = arith.constant 0 : i32
      %dma_wait3A_310 = tpu.memref_slice %arg7[%add3A_288, %dma_wait3A_309] : memref<318x64xi32, #tpu.memory_space<vmem>> -> memref<1x64xi32, #tpu.memory_space<vmem>>
      %dma_wait3A_311 = tpu.memref_squeeze %dma_wait3A_310 : memref<1x64xi32, #tpu.memory_space<vmem>> -> memref<64xi32, #tpu.memory_space<vmem>>
      %dma_wait3A_312 = arith.constant 0 : i32
      %dma_wait3A_313 = arith.constant 0 : i32
      %dma_wait3A_314 = tpu.memref_slice %arg13[%dma_wait3A_312, %dma_wait3A_313] : memref<10112x64xbf16, #tpu.memory_space<vmem_shared>> -> memref<10112x64xbf16, #tpu.memory_space<vmem_shared>>
      tpu.wait_indirect_dma semaphore(%arg17 : memref<!tpu.dma_semaphore, #tpu.memory_space<semaphore_mem>>) src(%dma_wait3A_314 : memref<10112x64xbf16, #tpu.memory_space<vmem_shared>>) dst(%dma_wait3A_308 : memref<64x64xbf16, #tpu.memory_space<vmem>>)
      %add3A_315 = arith.constant 1 : i32
      %add3A_316 = arith.addi %mul3A_223, %add3A_315 : i32
      %parallel_loop3A_317 = arith.constant 0 : i32
      %parallel_loop3A_318 = arith.constant 64 : i32
      %parallel_loop3A_319 = arith.constant 1 : i32
      scf.for %parallel_loop3A_413 = %parallel_loop3A_317 to %parallel_loop3A_318 step %parallel_loop3A_319  : i32 {
        %parallel_loop3A_414 = arith.constant 1 : i32
        %parallel_loop3A_415 = arith.index_cast %parallel_loop3A_414 : i32 to index
        %parallel_loop3A_416 = arith.index_cast %parallel_loop3A_413 : i32 to index
        %parallel_loop3A_417 = arith.constant 0 : index
        %parallel_loop3A_418 = tpu.vector_load %arg10[%parallel_loop3A_415, %parallel_loop3A_416, %parallel_loop3A_417] {strides = array<i32>} : memref<3x64x64xbf16, #tpu.memory_space<vmem>>, vector<32xbf16>,
        %parallel_loop3A_419 = tpu.unpack_subelements %parallel_loop3A_418, 0 {pack_format = #tpu.pack_format<interleaved>} : vector<32xbf16> -> vector<16xf32>
        %parallel_loop3A_420 = tpu.unpack_subelements %parallel_loop3A_418, 1 {pack_format = #tpu.pack_format<interleaved>} : vector<32xbf16> -> vector<16xf32>
        %parallel_loop3A_421 = arith.constant 1 : i32
        %parallel_loop3A_422 = arith.index_cast %parallel_loop3A_421 : i32 to index
        %parallel_loop3A_423 = arith.index_cast %parallel_loop3A_413 : i32 to index
        %parallel_loop3A_424 = arith.constant 0 : index
        %parallel_loop3A_425 = tpu.vector_load %arg9[%parallel_loop3A_422, %parallel_loop3A_423, %parallel_loop3A_424] {strides = array<i32>} : memref<3x64x128xbf16, #tpu.memory_space<vmem>>, vector<32xbf16>,
        %parallel_loop3A_426 = tpu.unpack_subelements %parallel_loop3A_425, 0 {pack_format = #tpu.pack_format<interleaved>} : vector<32xbf16> -> vector<16xf32>
        %parallel_loop3A_427 = tpu.unpack_subelements %parallel_loop3A_425, 1 {pack_format = #tpu.pack_format<interleaved>} : vector<32xbf16> -> vector<16xf32>
        %parallel_loop3A_428 = arith.constant 1 : i32
        %parallel_loop3A_429 = arith.index_cast %parallel_loop3A_428 : i32 to index
        %parallel_loop3A_430 = arith.index_cast %parallel_loop3A_413 : i32 to index
        %parallel_loop3A_431 = arith.constant 64 : index
        %parallel_loop3A_432 = tpu.vector_load %arg9[%parallel_loop3A_429, %parallel_loop3A_430, %parallel_loop3A_431] {strides = array<i32>} : memref<3x64x128xbf16, #tpu.memory_space<vmem>>, vector<32xbf16>,
        %parallel_loop3A_433 = tpu.unpack_subelements %parallel_loop3A_432, 0 {pack_format = #tpu.pack_format<interleaved>} : vector<32xbf16> -> vector<16xf32>
        %parallel_loop3A_434 = tpu.unpack_subelements %parallel_loop3A_432, 1 {pack_format = #tpu.pack_format<interleaved>} : vector<32xbf16> -> vector<16xf32>
        %parallel_loop3A_435 = arith.addf %parallel_loop3A_419, %parallel_loop3A_426 : vector<16xf32>
        %parallel_loop3A_436 = arith.constant 0.000000e+00 : f32
        %parallel_loop3A_437 = vector.broadcast %parallel_loop3A_436 : f32 to vector<16xf32>
        %parallel_loop3A_438 = arith.subf %parallel_loop3A_437, %parallel_loop3A_435 : vector<16xf32>
        %parallel_loop3A_439 = math.exp %parallel_loop3A_438 : vector<16xf32>
        %parallel_loop3A_440 = arith.constant 1.000000e+00 : f32
        %parallel_loop3A_441 = vector.broadcast %parallel_loop3A_440 : f32 to vector<16xf32>
        %parallel_loop3A_442 = arith.addf %parallel_loop3A_441, %parallel_loop3A_439 : vector<16xf32>
        %parallel_loop3A_443 = arith.constant 1.000000e+00 : f32
        %parallel_loop3A_444 = vector.broadcast %parallel_loop3A_443 : f32 to vector<16xf32>
        %parallel_loop3A_445 = arith.divf %parallel_loop3A_444, %parallel_loop3A_442 : vector<16xf32>
        %parallel_loop3A_446 = arith.mulf %parallel_loop3A_445, %parallel_loop3A_433 : vector<16xf32>
        %parallel_loop3A_447 = arith.index_cast %parallel_loop3A_413 : i32 to index
        %parallel_loop3A_448 = arith.constant 0 : index
        %parallel_loop3A_449 = tpu.vector_load %arg11[%parallel_loop3A_447, %parallel_loop3A_448] {strides = array<i32>} : memref<64x64xf32, #tpu.memory_space<vmem>>, vector<16xf32>,
        tpu.vector_store %arg11[%parallel_loop3A_447, %parallel_loop3A_448], %parallel_loop3A_446 {strides = array<i32>} : memref<64x64xf32, #tpu.memory_space<vmem>>, vector<16xf32>,
        %parallel_loop3A_450 = arith.addf %parallel_loop3A_420, %parallel_loop3A_427 : vector<16xf32>
        %parallel_loop3A_451 = arith.constant 0.000000e+00 : f32
        %parallel_loop3A_452 = vector.broadcast %parallel_loop3A_451 : f32 to vector<16xf32>
        %parallel_loop3A_453 = arith.subf %parallel_loop3A_452, %parallel_loop3A_450 : vector<16xf32>
        %parallel_loop3A_454 = math.exp %parallel_loop3A_453 : vector<16xf32>
        %parallel_loop3A_455 = arith.constant 1.000000e+00 : f32
        %parallel_loop3A_456 = vector.broadcast %parallel_loop3A_455 : f32 to vector<16xf32>
        %parallel_loop3A_457 = arith.addf %parallel_loop3A_456, %parallel_loop3A_454 : vector<16xf32>
        %parallel_loop3A_458 = arith.constant 1.000000e+00 : f32
        %parallel_loop3A_459 = vector.broadcast %parallel_loop3A_458 : f32 to vector<16xf32>
        %parallel_loop3A_460 = arith.divf %parallel_loop3A_459, %parallel_loop3A_457 : vector<16xf32>
        %parallel_loop3A_461 = arith.mulf %parallel_loop3A_460, %parallel_loop3A_434 : vector<16xf32>
        %parallel_loop3A_462 = arith.index_cast %parallel_loop3A_413 : i32 to index
        %parallel_loop3A_463 = arith.constant 16 : index
        %parallel_loop3A_464 = tpu.vector_load %arg11[%parallel_loop3A_462, %parallel_loop3A_463] {strides = array<i32>} : memref<64x64xf32, #tpu.memory_space<vmem>>, vector<16xf32>,
        tpu.vector_store %arg11[%parallel_loop3A_462, %parallel_loop3A_463], %parallel_loop3A_461 {strides = array<i32>} : memref<64x64xf32, #tpu.memory_space<vmem>>, vector<16xf32>,
        %parallel_loop3A_465 = arith.constant 1 : i32
        %parallel_loop3A_466 = arith.index_cast %parallel_loop3A_465 : i32 to index
        %parallel_loop3A_467 = arith.index_cast %parallel_loop3A_413 : i32 to index
        %parallel_loop3A_468 = arith.constant 32 : index
        %parallel_loop3A_469 = tpu.vector_load %arg10[%parallel_loop3A_466, %parallel_loop3A_467, %parallel_loop3A_468] {strides = array<i32>} : memref<3x64x64xbf16, #tpu.memory_space<vmem>>, vector<32xbf16>,
        %parallel_loop3A_470 = tpu.unpack_subelements %parallel_loop3A_469, 0 {pack_format = #tpu.pack_format<interleaved>} : vector<32xbf16> -> vector<16xf32>
        %parallel_loop3A_471 = tpu.unpack_subelements %parallel_loop3A_469, 1 {pack_format = #tpu.pack_format<interleaved>} : vector<32xbf16> -> vector<16xf32>
        %parallel_loop3A_472 = arith.constant 1 : i32
        %parallel_loop3A_473 = arith.index_cast %parallel_loop3A_472 : i32 to index
        %parallel_loop3A_474 = arith.index_cast %parallel_loop3A_413 : i32 to index
        %parallel_loop3A_475 = arith.constant 32 : index
        %parallel_loop3A_476 = tpu.vector_load %arg9[%parallel_loop3A_473, %parallel_loop3A_474, %parallel_loop3A_475] {strides = array<i32>} : memref<3x64x128xbf16, #tpu.memory_space<vmem>>, vector<32xbf16>,
        %parallel_loop3A_477 = tpu.unpack_subelements %parallel_loop3A_476, 0 {pack_format = #tpu.pack_format<interleaved>} : vector<32xbf16> -> vector<16xf32>
        %parallel_loop3A_478 = tpu.unpack_subelements %parallel_loop3A_476, 1 {pack_format = #tpu.pack_format<interleaved>} : vector<32xbf16> -> vector<16xf32>
        %parallel_loop3A_479 = arith.constant 1 : i32
        %parallel_loop3A_480 = arith.index_cast %parallel_loop3A_479 : i32 to index
        %parallel_loop3A_481 = arith.index_cast %parallel_loop3A_413 : i32 to index
        %parallel_loop3A_482 = arith.constant 96 : index
        %parallel_loop3A_483 = tpu.vector_load %arg9[%parallel_loop3A_480, %parallel_loop3A_481, %parallel_loop3A_482] {strides = array<i32>} : memref<3x64x128xbf16, #tpu.memory_space<vmem>>, vector<32xbf16>,
        %parallel_loop3A_484 = tpu.unpack_subelements %parallel_loop3A_483, 0 {pack_format = #tpu.pack_format<interleaved>} : vector<32xbf16> -> vector<16xf32>
        %parallel_loop3A_485 = tpu.unpack_subelements %parallel_loop3A_483, 1 {pack_format = #tpu.pack_format<interleaved>} : vector<32xbf16> -> vector<16xf32>
        %parallel_loop3A_486 = arith.addf %parallel_loop3A_470, %parallel_loop3A_477 : vector<16xf32>
        %parallel_loop3A_487 = arith.constant 0.000000e+00 : f32
        %parallel_loop3A_488 = vector.broadcast %parallel_loop3A_487 : f32 to vector<16xf32>
        %parallel_loop3A_489 = arith.subf %parallel_loop3A_488, %parallel_loop3A_486 : vector<16xf32>
        %parallel_loop3A_490 = math.exp %parallel_loop3A_489 : vector<16xf32>
        %parallel_loop3A_491 = arith.constant 1.000000e+00 : f32
        %parallel_loop3A_492 = vector.broadcast %parallel_loop3A_491 : f32 to vector<16xf32>
        %parallel_loop3A_493 = arith.addf %parallel_loop3A_492, %parallel_loop3A_490 : vector<16xf32>
        %parallel_loop3A_494 = arith.constant 1.000000e+00 : f32
        %parallel_loop3A_495 = vector.broadcast %parallel_loop3A_494 : f32 to vector<16xf32>
        %parallel_loop3A_496 = arith.divf %parallel_loop3A_495, %parallel_loop3A_493 : vector<16xf32>
        %parallel_loop3A_497 = arith.mulf %parallel_loop3A_496, %parallel_loop3A_484 : vector<16xf32>
        %parallel_loop3A_498 = arith.index_cast %parallel_loop3A_413 : i32 to index
        %parallel_loop3A_499 = arith.constant 32 : index
        %parallel_loop3A_500 = tpu.vector_load %arg11[%parallel_loop3A_498, %parallel_loop3A_499] {strides = array<i32>} : memref<64x64xf32, #tpu.memory_space<vmem>>, vector<16xf32>,
        tpu.vector_store %arg11[%parallel_loop3A_498, %parallel_loop3A_499], %parallel_loop3A_497 {strides = array<i32>} : memref<64x64xf32, #tpu.memory_space<vmem>>, vector<16xf32>,
        %parallel_loop3A_501 = arith.addf %parallel_loop3A_471, %parallel_loop3A_478 : vector<16xf32>
        %parallel_loop3A_502 = arith.constant 0.000000e+00 : f32
        %parallel_loop3A_503 = vector.broadcast %parallel_loop3A_502 : f32 to vector<16xf32>
        %parallel_loop3A_504 = arith.subf %parallel_loop3A_503, %parallel_loop3A_501 : vector<16xf32>
        %parallel_loop3A_505 = math.exp %parallel_loop3A_504 : vector<16xf32>
        %parallel_loop3A_506 = arith.constant 1.000000e+00 : f32
        %parallel_loop3A_507 = vector.broadcast %parallel_loop3A_506 : f32 to vector<16xf32>
        %parallel_loop3A_508 = arith.addf %parallel_loop3A_507, %parallel_loop3A_505 : vector<16xf32>
        %parallel_loop3A_509 = arith.constant 1.000000e+00 : f32
        %parallel_loop3A_510 = vector.broadcast %parallel_loop3A_509 : f32 to vector<16xf32>
        %parallel_loop3A_511 = arith.divf %parallel_loop3A_510, %parallel_loop3A_508 : vector<16xf32>
        %parallel_loop3A_512 = arith.mulf %parallel_loop3A_511, %parallel_loop3A_485 : vector<16xf32>
        %parallel_loop3A_513 = arith.index_cast %parallel_loop3A_413 : i32 to index
        %parallel_loop3A_514 = arith.constant 48 : index
        %parallel_loop3A_515 = tpu.vector_load %arg11[%parallel_loop3A_513, %parallel_loop3A_514] {strides = array<i32>} : memref<64x64xf32, #tpu.memory_space<vmem>>, vector<16xf32>,
        tpu.vector_store %arg11[%parallel_loop3A_513, %parallel_loop3A_514], %parallel_loop3A_512 {strides = array<i32>} : memref<64x64xf32, #tpu.memory_space<vmem>>, vector<16xf32>,
      } {sc.loop_unroll_factor = 1 : i64, sc.parallel_access}
      "tpu.region"() ({
        %run_scoped3A = tpu.sem_alloc : memref<!tpu.dma_semaphore, #tpu.memory_space<semaphore_mem>>
        %dma_start3A_413 = arith.constant 0 : i32
        %dma_start3A_414 = tpu.memref_slice %arg7[%add3A_316, %dma_start3A_413] : memref<318x64xi32, #tpu.memory_space<vmem>> -> memref<1x64xi32, #tpu.memory_space<vmem>>
        %dma_start3A_415 = tpu.memref_squeeze %dma_start3A_414 : memref<1x64xi32, #tpu.memory_space<vmem>> -> memref<64xi32, #tpu.memory_space<vmem>>
        %dma_start3A_416 = arith.constant 0 : i32
        %dma_start3A_417 = arith.constant 0 : i32
        %dma_start3A_418 = tpu.memref_slice %arg12[%dma_start3A_416, %dma_start3A_417] : memref<10112x64xf32, #tpu.memory_space<vmem_shared>> -> memref<10112x64xf32, #tpu.memory_space<vmem_shared>>
        tpu.enqueue_indirect_dma source(%arg11 : memref<64x64xf32, #tpu.memory_space<vmem>>) target(%dma_start3A_418 : memref<10112x64xf32, #tpu.memory_space<vmem_shared>>) offsets(%dma_start3A_415 : memref<64xi32, #tpu.memory_space<vmem>>) semaphore(%run_scoped3A : memref<!tpu.dma_semaphore, #tpu.memory_space<semaphore_mem>>) {add = true}
        %dma_wait3A_419 = arith.constant 0 : i32
        %dma_wait3A_420 = tpu.memref_slice %arg7[%add3A_316, %dma_wait3A_419] : memref<318x64xi32, #tpu.memory_space<vmem>> -> memref<1x64xi32, #tpu.memory_space<vmem>>
        %dma_wait3A_421 = tpu.memref_squeeze %dma_wait3A_420 : memref<1x64xi32, #tpu.memory_space<vmem>> -> memref<64xi32, #tpu.memory_space<vmem>>
        %dma_wait3A_422 = arith.constant 0 : i32
        %dma_wait3A_423 = arith.constant 0 : i32
        %dma_wait3A_424 = tpu.memref_slice %arg12[%dma_wait3A_422, %dma_wait3A_423] : memref<10112x64xf32, #tpu.memory_space<vmem_shared>> -> memref<10112x64xf32, #tpu.memory_space<vmem_shared>>
        tpu.wait_indirect_dma semaphore(%run_scoped3A : memref<!tpu.dma_semaphore, #tpu.memory_space<semaphore_mem>>) src(%arg11 : memref<64x64xf32, #tpu.memory_space<vmem>>) dst(%dma_wait3A_424 : memref<10112x64xf32, #tpu.memory_space<vmem_shared>>)
        tpu.yield
      }) : () -> ()
      %add3A_320 = arith.constant 3 : i32
      %add3A_321 = arith.addi %mul3A_223, %add3A_320 : i32
      %add3A_322 = arith.constant 1 : i32
      %add3A_323 = arith.addi %add3A_321, %add3A_322 : i32
      %dma_start3A_324 = arith.constant 1 : i32
      %dma_start3A_325 = arith.constant 0 : i32
      %dma_start3A_326 = arith.constant 0 : i32
      %dma_start3A_327 = tpu.memref_slice %arg9[%dma_start3A_324, %dma_start3A_325, %dma_start3A_326] : memref<3x64x128xbf16, #tpu.memory_space<vmem>> -> memref<1x64x128xbf16, #tpu.memory_space<vmem>>
      %dma_start3A_328 = tpu.memref_squeeze %dma_start3A_327 : memref<1x64x128xbf16, #tpu.memory_space<vmem>> -> memref<64x128xbf16, #tpu.memory_space<vmem>>
      %dma_start3A_329 = arith.constant 0 : i32
      %dma_start3A_330 = tpu.memref_slice %arg8[%add3A_323, %dma_start3A_329] : memref<318x64xi32, #tpu.memory_space<vmem>> -> memref<1x64xi32, #tpu.memory_space<vmem>>
      %dma_start3A_331 = tpu.memref_squeeze %dma_start3A_330 : memref<1x64xi32, #tpu.memory_space<vmem>> -> memref<64xi32, #tpu.memory_space<vmem>>
      %dma_start3A_332 = arith.constant 0 : i32
      %dma_start3A_333 = arith.constant 0 : i32
      %dma_start3A_334 = tpu.memref_slice %arg4[%arg0, %dma_start3A_332, %dma_start3A_333] : memref<2x10000x128xbf16, #tpu.memory_space<hbm>> -> memref<1x10000x128xbf16, #tpu.memory_space<hbm>>
      %dma_start3A_335 = tpu.memref_squeeze %dma_start3A_334 : memref<1x10000x128xbf16, #tpu.memory_space<hbm>> -> memref<10000x128xbf16, #tpu.memory_space<hbm>>
      %dma_start3A_336 = arith.constant 0 : i32
      %dma_start3A_337 = arith.constant 0 : i32
      %dma_start3A_338 = tpu.memref_slice %dma_start3A_335[%dma_start3A_336, %dma_start3A_337] : memref<10000x128xbf16, #tpu.memory_space<hbm>> -> memref<10000x128xbf16, #tpu.memory_space<hbm>>
      tpu.enqueue_indirect_dma source(%dma_start3A_338 : memref<10000x128xbf16, #tpu.memory_space<hbm>>) target(%dma_start3A_328 : memref<64x128xbf16, #tpu.memory_space<vmem>>) offsets(%dma_start3A_331 : memref<64xi32, #tpu.memory_space<vmem>>) semaphore(%arg16 : memref<!tpu.dma_semaphore, #tpu.memory_space<semaphore_mem>>)
      %dma_start3A_339 = arith.constant 1 : i32
      %dma_start3A_340 = arith.constant 0 : i32
      %dma_start3A_341 = arith.constant 0 : i32
      %dma_start3A_342 = tpu.memref_slice %arg10[%dma_start3A_339, %dma_start3A_340, %dma_start3A_341] : memref<3x64x64xbf16, #tpu.memory_space<vmem>> -> memref<1x64x64xbf16, #tpu.memory_space<vmem>>
      %dma_start3A_343 = tpu.memref_squeeze %dma_start3A_342 : memref<1x64x64xbf16, #tpu.memory_space<vmem>> -> memref<64x64xbf16, #tpu.memory_space<vmem>>
      %dma_start3A_344 = arith.constant 0 : i32
      %dma_start3A_345 = tpu.memref_slice %arg7[%add3A_323, %dma_start3A_344] : memref<318x64xi32, #tpu.memory_space<vmem>> -> memref<1x64xi32, #tpu.memory_space<vmem>>
      %dma_start3A_346 = tpu.memref_squeeze %dma_start3A_345 : memref<1x64xi32, #tpu.memory_space<vmem>> -> memref<64xi32, #tpu.memory_space<vmem>>
      %dma_start3A_347 = arith.constant 0 : i32
      %dma_start3A_348 = arith.constant 0 : i32
      %dma_start3A_349 = tpu.memref_slice %arg13[%dma_start3A_347, %dma_start3A_348] : memref<10112x64xbf16, #tpu.memory_space<vmem_shared>> -> memref<10112x64xbf16, #tpu.memory_space<vmem_shared>>
      tpu.enqueue_indirect_dma source(%dma_start3A_349 : memref<10112x64xbf16, #tpu.memory_space<vmem_shared>>) target(%dma_start3A_343 : memref<64x64xbf16, #tpu.memory_space<vmem>>) offsets(%dma_start3A_346 : memref<64xi32, #tpu.memory_space<vmem>>) semaphore(%arg17 : memref<!tpu.dma_semaphore, #tpu.memory_space<semaphore_mem>>)
      %add3A_350 = arith.constant 2 : i32
      %add3A_351 = arith.addi %mul3A_223, %add3A_350 : i32
      %dma_wait3A_352 = arith.constant 2 : i32
      %dma_wait3A_353 = arith.constant 0 : i32
      %dma_wait3A_354 = arith.constant 0 : i32
      %dma_wait3A_355 = tpu.memref_slice %arg9[%dma_wait3A_352, %dma_wait3A_353, %dma_wait3A_354] : memref<3x64x128xbf16, #tpu.memory_space<vmem>> -> memref<1x64x128xbf16, #tpu.memory_space<vmem>>
      %dma_wait3A_356 = tpu.memref_squeeze %dma_wait3A_355 : memref<1x64x128xbf16, #tpu.memory_space<vmem>> -> memref<64x128xbf16, #tpu.memory_space<vmem>>
      %dma_wait3A_357 = arith.constant 0 : i32
      %dma_wait3A_358 = tpu.memref_slice %arg8[%add3A_351, %dma_wait3A_357] : memref<318x64xi32, #tpu.memory_space<vmem>> -> memref<1x64xi32, #tpu.memory_space<vmem>>
      %dma_wait3A_359 = tpu.memref_squeeze %dma_wait3A_358 : memref<1x64xi32, #tpu.memory_space<vmem>> -> memref<64xi32, #tpu.memory_space<vmem>>
      %dma_wait3A_360 = arith.constant 0 : i32
      %dma_wait3A_361 = arith.constant 0 : i32
      %dma_wait3A_362 = tpu.memref_slice %arg4[%arg0, %dma_wait3A_360, %dma_wait3A_361] : memref<2x10000x128xbf16, #tpu.memory_space<hbm>> -> memref<1x10000x128xbf16, #tpu.memory_space<hbm>>
      %dma_wait3A_363 = tpu.memref_squeeze %dma_wait3A_362 : memref<1x10000x128xbf16, #tpu.memory_space<hbm>> -> memref<10000x128xbf16, #tpu.memory_space<hbm>>
      %dma_wait3A_364 = arith.constant 0 : i32
      %dma_wait3A_365 = arith.constant 0 : i32
      %dma_wait3A_366 = tpu.memref_slice %dma_wait3A_363[%dma_wait3A_364, %dma_wait3A_365] : memref<10000x128xbf16, #tpu.memory_space<hbm>> -> memref<10000x128xbf16, #tpu.memory_space<hbm>>
      tpu.wait_indirect_dma semaphore(%arg18 : memref<!tpu.dma_semaphore, #tpu.memory_space<semaphore_mem>>) src(%dma_wait3A_366 : memref<10000x128xbf16, #tpu.memory_space<hbm>>) dst(%dma_wait3A_356 : memref<64x128xbf16, #tpu.memory_space<vmem>>)
      %dma_wait3A_367 = arith.constant 2 : i32
      %dma_wait3A_368 = arith.constant 0 : i32
      %dma_wait3A_369 = arith.constant 0 : i32
      %dma_wait3A_370 = tpu.memref_slice %arg10[%dma_wait3A_367, %dma_wait3A_368, %dma_wait3A_369] : memref<3x64x64xbf16, #tpu.memory_space<vmem>> -> memref<1x64x64xbf16, #tpu.memory_space<vmem>>
      %dma_wait3A_371 = tpu.memref_squeeze %dma_wait3A_370 : memref<1x64x64xbf16, #tpu.memory_space<vmem>> -> memref<64x64xbf16, #tpu.memory_space<vmem>>
      %dma_wait3A_372 = arith.constant 0 : i32
      %dma_wait3A_373 = tpu.memref_slice %arg7[%add3A_351, %dma_wait3A_372] : memref<318x64xi32, #tpu.memory_space<vmem>> -> memref<1x64xi32, #tpu.memory_space<vmem>>
      %dma_wait3A_374 = tpu.memref_squeeze %dma_wait3A_373 : memref<1x64xi32, #tpu.memory_space<vmem>> -> memref<64xi32, #tpu.memory_space<vmem>>
      %dma_wait3A_375 = arith.constant 0 : i32
      %dma_wait3A_376 = arith.constant 0 : i32
      %dma_wait3A_377 = tpu.memref_slice %arg13[%dma_wait3A_375, %dma_wait3A_376] : memref<10112x64xbf16, #tpu.memory_space<vmem_shared>> -> memref<10112x64xbf16, #tpu.memory_space<vmem_shared>>
      tpu.wait_indirect_dma semaphore(%arg19 : memref<!tpu.dma_semaphore, #tpu.memory_space<semaphore_mem>>) src(%dma_wait3A_377 : memref<10112x64xbf16, #tpu.memory_space<vmem_shared>>) dst(%dma_wait3A_371 : memref<64x64xbf16, #tpu.memory_space<vmem>>)
      %add3A_378 = arith.constant 2 : i32
      %add3A_379 = arith.addi %mul3A_223, %add3A_378 : i32
      %parallel_loop3A_380 = arith.constant 0 : i32
      %parallel_loop3A_381 = arith.constant 64 : i32
      %parallel_loop3A_382 = arith.constant 1 : i32
      scf.for %parallel_loop3A_413 = %parallel_loop3A_380 to %parallel_loop3A_381 step %parallel_loop3A_382  : i32 {
        %parallel_loop3A_414 = arith.constant 2 : i32
        %parallel_loop3A_415 = arith.index_cast %parallel_loop3A_414 : i32 to index
        %parallel_loop3A_416 = arith.index_cast %parallel_loop3A_413 : i32 to index
        %parallel_loop3A_417 = arith.constant 0 : index
        %parallel_loop3A_418 = tpu.vector_load %arg10[%parallel_loop3A_415, %parallel_loop3A_416, %parallel_loop3A_417] {strides = array<i32>} : memref<3x64x64xbf16, #tpu.memory_space<vmem>>, vector<32xbf16>,
        %parallel_loop3A_419 = tpu.unpack_subelements %parallel_loop3A_418, 0 {pack_format = #tpu.pack_format<interleaved>} : vector<32xbf16> -> vector<16xf32>
        %parallel_loop3A_420 = tpu.unpack_subelements %parallel_loop3A_418, 1 {pack_format = #tpu.pack_format<interleaved>} : vector<32xbf16> -> vector<16xf32>
        %parallel_loop3A_421 = arith.constant 2 : i32
        %parallel_loop3A_422 = arith.index_cast %parallel_loop3A_421 : i32 to index
        %parallel_loop3A_423 = arith.index_cast %parallel_loop3A_413 : i32 to index
        %parallel_loop3A_424 = arith.constant 0 : index
        %parallel_loop3A_425 = tpu.vector_load %arg9[%parallel_loop3A_422, %parallel_loop3A_423, %parallel_loop3A_424] {strides = array<i32>} : memref<3x64x128xbf16, #tpu.memory_space<vmem>>, vector<32xbf16>,
        %parallel_loop3A_426 = tpu.unpack_subelements %parallel_loop3A_425, 0 {pack_format = #tpu.pack_format<interleaved>} : vector<32xbf16> -> vector<16xf32>
        %parallel_loop3A_427 = tpu.unpack_subelements %parallel_loop3A_425, 1 {pack_format = #tpu.pack_format<interleaved>} : vector<32xbf16> -> vector<16xf32>
        %parallel_loop3A_428 = arith.constant 2 : i32
        %parallel_loop3A_429 = arith.index_cast %parallel_loop3A_428 : i32 to index
        %parallel_loop3A_430 = arith.index_cast %parallel_loop3A_413 : i32 to index
        %parallel_loop3A_431 = arith.constant 64 : index
        %parallel_loop3A_432 = tpu.vector_load %arg9[%parallel_loop3A_429, %parallel_loop3A_430, %parallel_loop3A_431] {strides = array<i32>} : memref<3x64x128xbf16, #tpu.memory_space<vmem>>, vector<32xbf16>,
        %parallel_loop3A_433 = tpu.unpack_subelements %parallel_loop3A_432, 0 {pack_format = #tpu.pack_format<interleaved>} : vector<32xbf16> -> vector<16xf32>
        %parallel_loop3A_434 = tpu.unpack_subelements %parallel_loop3A_432, 1 {pack_format = #tpu.pack_format<interleaved>} : vector<32xbf16> -> vector<16xf32>
        %parallel_loop3A_435 = arith.addf %parallel_loop3A_419, %parallel_loop3A_426 : vector<16xf32>
        %parallel_loop3A_436 = arith.constant 0.000000e+00 : f32
        %parallel_loop3A_437 = vector.broadcast %parallel_loop3A_436 : f32 to vector<16xf32>
        %parallel_loop3A_438 = arith.subf %parallel_loop3A_437, %parallel_loop3A_435 : vector<16xf32>
        %parallel_loop3A_439 = math.exp %parallel_loop3A_438 : vector<16xf32>
        %parallel_loop3A_440 = arith.constant 1.000000e+00 : f32
        %parallel_loop3A_441 = vector.broadcast %parallel_loop3A_440 : f32 to vector<16xf32>
        %parallel_loop3A_442 = arith.addf %parallel_loop3A_441, %parallel_loop3A_439 : vector<16xf32>
        %parallel_loop3A_443 = arith.constant 1.000000e+00 : f32
        %parallel_loop3A_444 = vector.broadcast %parallel_loop3A_443 : f32 to vector<16xf32>
        %parallel_loop3A_445 = arith.divf %parallel_loop3A_444, %parallel_loop3A_442 : vector<16xf32>
        %parallel_loop3A_446 = arith.mulf %parallel_loop3A_445, %parallel_loop3A_433 : vector<16xf32>
        %parallel_loop3A_447 = arith.index_cast %parallel_loop3A_413 : i32 to index
        %parallel_loop3A_448 = arith.constant 0 : index
        %parallel_loop3A_449 = tpu.vector_load %arg11[%parallel_loop3A_447, %parallel_loop3A_448] {strides = array<i32>} : memref<64x64xf32, #tpu.memory_space<vmem>>, vector<16xf32>,
        tpu.vector_store %arg11[%parallel_loop3A_447, %parallel_loop3A_448], %parallel_loop3A_446 {strides = array<i32>} : memref<64x64xf32, #tpu.memory_space<vmem>>, vector<16xf32>,
        %parallel_loop3A_450 = arith.addf %parallel_loop3A_420, %parallel_loop3A_427 : vector<16xf32>
        %parallel_loop3A_451 = arith.constant 0.000000e+00 : f32
        %parallel_loop3A_452 = vector.broadcast %parallel_loop3A_451 : f32 to vector<16xf32>
        %parallel_loop3A_453 = arith.subf %parallel_loop3A_452, %parallel_loop3A_450 : vector<16xf32>
        %parallel_loop3A_454 = math.exp %parallel_loop3A_453 : vector<16xf32>
        %parallel_loop3A_455 = arith.constant 1.000000e+00 : f32
        %parallel_loop3A_456 = vector.broadcast %parallel_loop3A_455 : f32 to vector<16xf32>
        %parallel_loop3A_457 = arith.addf %parallel_loop3A_456, %parallel_loop3A_454 : vector<16xf32>
        %parallel_loop3A_458 = arith.constant 1.000000e+00 : f32
        %parallel_loop3A_459 = vector.broadcast %parallel_loop3A_458 : f32 to vector<16xf32>
        %parallel_loop3A_460 = arith.divf %parallel_loop3A_459, %parallel_loop3A_457 : vector<16xf32>
        %parallel_loop3A_461 = arith.mulf %parallel_loop3A_460, %parallel_loop3A_434 : vector<16xf32>
        %parallel_loop3A_462 = arith.index_cast %parallel_loop3A_413 : i32 to index
        %parallel_loop3A_463 = arith.constant 16 : index
        %parallel_loop3A_464 = tpu.vector_load %arg11[%parallel_loop3A_462, %parallel_loop3A_463] {strides = array<i32>} : memref<64x64xf32, #tpu.memory_space<vmem>>, vector<16xf32>,
        tpu.vector_store %arg11[%parallel_loop3A_462, %parallel_loop3A_463], %parallel_loop3A_461 {strides = array<i32>} : memref<64x64xf32, #tpu.memory_space<vmem>>, vector<16xf32>,
        %parallel_loop3A_465 = arith.constant 2 : i32
        %parallel_loop3A_466 = arith.index_cast %parallel_loop3A_465 : i32 to index
        %parallel_loop3A_467 = arith.index_cast %parallel_loop3A_413 : i32 to index
        %parallel_loop3A_468 = arith.constant 32 : index
        %parallel_loop3A_469 = tpu.vector_load %arg10[%parallel_loop3A_466, %parallel_loop3A_467, %parallel_loop3A_468] {strides = array<i32>} : memref<3x64x64xbf16, #tpu.memory_space<vmem>>, vector<32xbf16>,
        %parallel_loop3A_470 = tpu.unpack_subelements %parallel_loop3A_469, 0 {pack_format = #tpu.pack_format<interleaved>} : vector<32xbf16> -> vector<16xf32>
        %parallel_loop3A_471 = tpu.unpack_subelements %parallel_loop3A_469, 1 {pack_format = #tpu.pack_format<interleaved>} : vector<32xbf16> -> vector<16xf32>
        %parallel_loop3A_472 = arith.constant 2 : i32
        %parallel_loop3A_473 = arith.index_cast %parallel_loop3A_472 : i32 to index
        %parallel_loop3A_474 = arith.index_cast %parallel_loop3A_413 : i32 to index
        %parallel_loop3A_475 = arith.constant 32 : index
        %parallel_loop3A_476 = tpu.vector_load %arg9[%parallel_loop3A_473, %parallel_loop3A_474, %parallel_loop3A_475] {strides = array<i32>} : memref<3x64x128xbf16, #tpu.memory_space<vmem>>, vector<32xbf16>,
        %parallel_loop3A_477 = tpu.unpack_subelements %parallel_loop3A_476, 0 {pack_format = #tpu.pack_format<interleaved>} : vector<32xbf16> -> vector<16xf32>
        %parallel_loop3A_478 = tpu.unpack_subelements %parallel_loop3A_476, 1 {pack_format = #tpu.pack_format<interleaved>} : vector<32xbf16> -> vector<16xf32>
        %parallel_loop3A_479 = arith.constant 2 : i32
        %parallel_loop3A_480 = arith.index_cast %parallel_loop3A_479 : i32 to index
        %parallel_loop3A_481 = arith.index_cast %parallel_loop3A_413 : i32 to index
        %parallel_loop3A_482 = arith.constant 96 : index
        %parallel_loop3A_483 = tpu.vector_load %arg9[%parallel_loop3A_480, %parallel_loop3A_481, %parallel_loop3A_482] {strides = array<i32>} : memref<3x64x128xbf16, #tpu.memory_space<vmem>>, vector<32xbf16>,
        %parallel_loop3A_484 = tpu.unpack_subelements %parallel_loop3A_483, 0 {pack_format = #tpu.pack_format<interleaved>} : vector<32xbf16> -> vector<16xf32>
        %parallel_loop3A_485 = tpu.unpack_subelements %parallel_loop3A_483, 1 {pack_format = #tpu.pack_format<interleaved>} : vector<32xbf16> -> vector<16xf32>
        %parallel_loop3A_486 = arith.addf %parallel_loop3A_470, %parallel_loop3A_477 : vector<16xf32>
        %parallel_loop3A_487 = arith.constant 0.000000e+00 : f32
        %parallel_loop3A_488 = vector.broadcast %parallel_loop3A_487 : f32 to vector<16xf32>
        %parallel_loop3A_489 = arith.subf %parallel_loop3A_488, %parallel_loop3A_486 : vector<16xf32>
        %parallel_loop3A_490 = math.exp %parallel_loop3A_489 : vector<16xf32>
        %parallel_loop3A_491 = arith.constant 1.000000e+00 : f32
        %parallel_loop3A_492 = vector.broadcast %parallel_loop3A_491 : f32 to vector<16xf32>
        %parallel_loop3A_493 = arith.addf %parallel_loop3A_492, %parallel_loop3A_490 : vector<16xf32>
        %parallel_loop3A_494 = arith.constant 1.000000e+00 : f32
        %parallel_loop3A_495 = vector.broadcast %parallel_loop3A_494 : f32 to vector<16xf32>
        %parallel_loop3A_496 = arith.divf %parallel_loop3A_495, %parallel_loop3A_493 : vector<16xf32>
        %parallel_loop3A_497 = arith.mulf %parallel_loop3A_496, %parallel_loop3A_484 : vector<16xf32>
        %parallel_loop3A_498 = arith.index_cast %parallel_loop3A_413 : i32 to index
        %parallel_loop3A_499 = arith.constant 32 : index
        %parallel_loop3A_500 = tpu.vector_load %arg11[%parallel_loop3A_498, %parallel_loop3A_499] {strides = array<i32>} : memref<64x64xf32, #tpu.memory_space<vmem>>, vector<16xf32>,
        tpu.vector_store %arg11[%parallel_loop3A_498, %parallel_loop3A_499], %parallel_loop3A_497 {strides = array<i32>} : memref<64x64xf32, #tpu.memory_space<vmem>>, vector<16xf32>,
        %parallel_loop3A_501 = arith.addf %parallel_loop3A_471, %parallel_loop3A_478 : vector<16xf32>
        %parallel_loop3A_502 = arith.constant 0.000000e+00 : f32
        %parallel_loop3A_503 = vector.broadcast %parallel_loop3A_502 : f32 to vector<16xf32>
        %parallel_loop3A_504 = arith.subf %parallel_loop3A_503, %parallel_loop3A_501 : vector<16xf32>
        %parallel_loop3A_505 = math.exp %parallel_loop3A_504 : vector<16xf32>
        %parallel_loop3A_506 = arith.constant 1.000000e+00 : f32
        %parallel_loop3A_507 = vector.broadcast %parallel_loop3A_506 : f32 to vector<16xf32>
        %parallel_loop3A_508 = arith.addf %parallel_loop3A_507, %parallel_loop3A_505 : vector<16xf32>
        %parallel_loop3A_509 = arith.constant 1.000000e+00 : f32
        %parallel_loop3A_510 = vector.broadcast %parallel_loop3A_509 : f32 to vector<16xf32>
        %parallel_loop3A_511 = arith.divf %parallel_loop3A_510, %parallel_loop3A_508 : vector<16xf32>
        %parallel_loop3A_512 = arith.mulf %parallel_loop3A_511, %parallel_loop3A_485 : vector<16xf32>
        %parallel_loop3A_513 = arith.index_cast %parallel_loop3A_413 : i32 to index
        %parallel_loop3A_514 = arith.constant 48 : index
        %parallel_loop3A_515 = tpu.vector_load %arg11[%parallel_loop3A_513, %parallel_loop3A_514] {strides = array<i32>} : memref<64x64xf32, #tpu.memory_space<vmem>>, vector<16xf32>,
        tpu.vector_store %arg11[%parallel_loop3A_513, %parallel_loop3A_514], %parallel_loop3A_512 {strides = array<i32>} : memref<64x64xf32, #tpu.memory_space<vmem>>, vector<16xf32>,
      } {sc.loop_unroll_factor = 1 : i64, sc.parallel_access}
      "tpu.region"() ({
        %run_scoped3A = tpu.sem_alloc : memref<!tpu.dma_semaphore, #tpu.memory_space<semaphore_mem>>
        %dma_start3A_413 = arith.constant 0 : i32
        %dma_start3A_414 = tpu.memref_slice %arg7[%add3A_379, %dma_start3A_413] : memref<318x64xi32, #tpu.memory_space<vmem>> -> memref<1x64xi32, #tpu.memory_space<vmem>>
        %dma_start3A_415 = tpu.memref_squeeze %dma_start3A_414 : memref<1x64xi32, #tpu.memory_space<vmem>> -> memref<64xi32, #tpu.memory_space<vmem>>
        %dma_start3A_416 = arith.constant 0 : i32
        %dma_start3A_417 = arith.constant 0 : i32
        %dma_start3A_418 = tpu.memref_slice %arg12[%dma_start3A_416, %dma_start3A_417] : memref<10112x64xf32, #tpu.memory_space<vmem_shared>> -> memref<10112x64xf32, #tpu.memory_space<vmem_shared>>
        tpu.enqueue_indirect_dma source(%arg11 : memref<64x64xf32, #tpu.memory_space<vmem>>) target(%dma_start3A_418 : memref<10112x64xf32, #tpu.memory_space<vmem_shared>>) offsets(%dma_start3A_415 : memref<64xi32, #tpu.memory_space<vmem>>) semaphore(%run_scoped3A : memref<!tpu.dma_semaphore, #tpu.memory_space<semaphore_mem>>) {add = true}
        %dma_wait3A_419 = arith.constant 0 : i32
        %dma_wait3A_420 = tpu.memref_slice %arg7[%add3A_379, %dma_wait3A_419] : memref<318x64xi32, #tpu.memory_space<vmem>> -> memref<1x64xi32, #tpu.memory_space<vmem>>
        %dma_wait3A_421 = tpu.memref_squeeze %dma_wait3A_420 : memref<1x64xi32, #tpu.memory_space<vmem>> -> memref<64xi32, #tpu.memory_space<vmem>>
        %dma_wait3A_422 = arith.constant 0 : i32
        %dma_wait3A_423 = arith.constant 0 : i32
        %dma_wait3A_424 = tpu.memref_slice %arg12[%dma_wait3A_422, %dma_wait3A_423] : memref<10112x64xf32, #tpu.memory_space<vmem_shared>> -> memref<10112x64xf32, #tpu.memory_space<vmem_shared>>
        tpu.wait_indirect_dma semaphore(%run_scoped3A : memref<!tpu.dma_semaphore, #tpu.memory_space<semaphore_mem>>) src(%arg11 : memref<64x64xf32, #tpu.memory_space<vmem>>) dst(%dma_wait3A_424 : memref<10112x64xf32, #tpu.memory_space<vmem_shared>>)
        tpu.yield
      }) : () -> ()
      %add3A_383 = arith.constant 3 : i32
      %add3A_384 = arith.addi %mul3A_223, %add3A_383 : i32
      %add3A_385 = arith.constant 2 : i32
      %add3A_386 = arith.addi %add3A_384, %add3A_385 : i32
      %dma_start3A_387 = arith.constant 2 : i32
      %dma_start3A_388 = arith.constant 0 : i32
      %dma_start3A_389 = arith.constant 0 : i32
      %dma_start3A_390 = tpu.memref_slice %arg9[%dma_start3A_387, %dma_start3A_388, %dma_start3A_389] : memref<3x64x128xbf16, #tpu.memory_space<vmem>> -> memref<1x64x128xbf16, #tpu.memory_space<vmem>>
      %dma_start3A_391 = tpu.memref_squeeze %dma_start3A_390 : memref<1x64x128xbf16, #tpu.memory_space<vmem>> -> memref<64x128xbf16, #tpu.memory_space<vmem>>
      %dma_start3A_392 = arith.constant 0 : i32
      %dma_start3A_393 = tpu.memref_slice %arg8[%add3A_386, %dma_start3A_392] : memref<318x64xi32, #tpu.memory_space<vmem>> -> memref<1x64xi32, #tpu.memory_space<vmem>>
      %dma_start3A_394 = tpu.memref_squeeze %dma_start3A_393 : memref<1x64xi32, #tpu.memory_space<vmem>> -> memref<64xi32, #tpu.memory_space<vmem>>
      %dma_start3A_395 = arith.constant 0 : i32
      %dma_start3A_396 = arith.constant 0 : i32
      %dma_start3A_397 = tpu.memref_slice %arg4[%arg0, %dma_start3A_395, %dma_start3A_396] : memref<2x10000x128xbf16, #tpu.memory_space<hbm>> -> memref<1x10000x128xbf16, #tpu.memory_space<hbm>>
      %dma_start3A_398 = tpu.memref_squeeze %dma_start3A_397 : memref<1x10000x128xbf16, #tpu.memory_space<hbm>> -> memref<10000x128xbf16, #tpu.memory_space<hbm>>
      %dma_start3A_399 = arith.constant 0 : i32
      %dma_start3A_400 = arith.constant 0 : i32
      %dma_start3A_401 = tpu.memref_slice %dma_start3A_398[%dma_start3A_399, %dma_start3A_400] : memref<10000x128xbf16, #tpu.memory_space<hbm>> -> memref<10000x128xbf16, #tpu.memory_space<hbm>>
      tpu.enqueue_indirect_dma source(%dma_start3A_401 : memref<10000x128xbf16, #tpu.memory_space<hbm>>) target(%dma_start3A_391 : memref<64x128xbf16, #tpu.memory_space<vmem>>) offsets(%dma_start3A_394 : memref<64xi32, #tpu.memory_space<vmem>>) semaphore(%arg18 : memref<!tpu.dma_semaphore, #tpu.memory_space<semaphore_mem>>)
      %dma_start3A_402 = arith.constant 2 : i32
      %dma_start3A_403 = arith.constant 0 : i32
      %dma_start3A_404 = arith.constant 0 : i32
      %dma_start3A_405 = tpu.memref_slice %arg10[%dma_start3A_402, %dma_start3A_403, %dma_start3A_404] : memref<3x64x64xbf16, #tpu.memory_space<vmem>> -> memref<1x64x64xbf16, #tpu.memory_space<vmem>>
      %dma_start3A_406 = tpu.memref_squeeze %dma_start3A_405 : memref<1x64x64xbf16, #tpu.memory_space<vmem>> -> memref<64x64xbf16, #tpu.memory_space<vmem>>
      %dma_start3A_407 = arith.constant 0 : i32
      %dma_start3A_408 = tpu.memref_slice %arg7[%add3A_386, %dma_start3A_407] : memref<318x64xi32, #tpu.memory_space<vmem>> -> memref<1x64xi32, #tpu.memory_space<vmem>>
      %dma_start3A_409 = tpu.memref_squeeze %dma_start3A_408 : memref<1x64xi32, #tpu.memory_space<vmem>> -> memref<64xi32, #tpu.memory_space<vmem>>
      %dma_start3A_410 = arith.constant 0 : i32
      %dma_start3A_411 = arith.constant 0 : i32
      %dma_start3A_412 = tpu.memref_slice %arg13[%dma_start3A_410, %dma_start3A_411] : memref<10112x64xbf16, #tpu.memory_space<vmem_shared>> -> memref<10112x64xbf16, #tpu.memory_space<vmem_shared>>
      tpu.enqueue_indirect_dma source(%dma_start3A_412 : memref<10112x64xbf16, #tpu.memory_space<vmem_shared>>) target(%dma_start3A_406 : memref<64x64xbf16, #tpu.memory_space<vmem>>) offsets(%dma_start3A_409 : memref<64xi32, #tpu.memory_space<vmem>>) semaphore(%arg19 : memref<!tpu.dma_semaphore, #tpu.memory_space<semaphore_mem>>)
    }
    %scan3A_132 = arith.constant 105 : i32
    %dma_wait3A = arith.constant 315 : i32
    %dma_wait3A_133 = arith.constant 0 : i32
    %dma_wait3A_134 = arith.constant 0 : i32
    %dma_wait3A_135 = arith.constant 0 : i32
    %dma_wait3A_136 = tpu.memref_slice %arg9[%dma_wait3A_133, %dma_wait3A_134, %dma_wait3A_135] : memref<3x64x128xbf16, #tpu.memory_space<vmem>> -> memref<1x64x128xbf16, #tpu.memory_space<vmem>>
    %dma_wait3A_137 = tpu.memref_squeeze %dma_wait3A_136 : memref<1x64x128xbf16, #tpu.memory_space<vmem>> -> memref<64x128xbf16, #tpu.memory_space<vmem>>
    %dma_wait3A_138 = arith.constant 0 : i32
    %dma_wait3A_139 = tpu.memref_slice %arg8[%dma_wait3A, %dma_wait3A_138] : memref<318x64xi32, #tpu.memory_space<vmem>> -> memref<1x64xi32, #tpu.memory_space<vmem>>
    %dma_wait3A_140 = tpu.memref_squeeze %dma_wait3A_139 : memref<1x64xi32, #tpu.memory_space<vmem>> -> memref<64xi32, #tpu.memory_space<vmem>>
    %dma_wait3A_141 = arith.constant 0 : i32
    %dma_wait3A_142 = arith.constant 0 : i32
    %dma_wait3A_143 = tpu.memref_slice %arg4[%arg0, %dma_wait3A_141, %dma_wait3A_142] : memref<2x10000x128xbf16, #tpu.memory_space<hbm>> -> memref<1x10000x128xbf16, #tpu.memory_space<hbm>>
    %dma_wait3A_144 = tpu.memref_squeeze %dma_wait3A_143 : memref<1x10000x128xbf16, #tpu.memory_space<hbm>> -> memref<10000x128xbf16, #tpu.memory_space<hbm>>
    %dma_wait3A_145 = arith.constant 0 : i32
    %dma_wait3A_146 = arith.constant 0 : i32
    %dma_wait3A_147 = tpu.memref_slice %dma_wait3A_144[%dma_wait3A_145, %dma_wait3A_146] : memref<10000x128xbf16, #tpu.memory_space<hbm>> -> memref<10000x128xbf16, #tpu.memory_space<hbm>>
    tpu.wait_indirect_dma semaphore(%arg14 : memref<!tpu.dma_semaphore, #tpu.memory_space<semaphore_mem>>) src(%dma_wait3A_147 : memref<10000x128xbf16, #tpu.memory_space<hbm>>) dst(%dma_wait3A_137 : memref<64x128xbf16, #tpu.memory_space<vmem>>)
    %dma_wait3A_148 = arith.constant 315 : i32
    %dma_wait3A_149 = arith.constant 0 : i32
    %dma_wait3A_150 = arith.constant 0 : i32
    %dma_wait3A_151 = arith.constant 0 : i32
    %dma_wait3A_152 = tpu.memref_slice %arg10[%dma_wait3A_149, %dma_wait3A_150, %dma_wait3A_151] : memref<3x64x64xbf16, #tpu.memory_space<vmem>> -> memref<1x64x64xbf16, #tpu.memory_space<vmem>>
    %dma_wait3A_153 = tpu.memref_squeeze %dma_wait3A_152 : memref<1x64x64xbf16, #tpu.memory_space<vmem>> -> memref<64x64xbf16, #tpu.memory_space<vmem>>
    %dma_wait3A_154 = arith.constant 0 : i32
    %dma_wait3A_155 = tpu.memref_slice %arg7[%dma_wait3A_148, %dma_wait3A_154] : memref<318x64xi32, #tpu.memory_space<vmem>> -> memref<1x64xi32, #tpu.memory_space<vmem>>
    %dma_wait3A_156 = tpu.memref_squeeze %dma_wait3A_155 : memref<1x64xi32, #tpu.memory_space<vmem>> -> memref<64xi32, #tpu.memory_space<vmem>>
    %dma_wait3A_157 = arith.constant 0 : i32
    %dma_wait3A_158 = arith.constant 0 : i32
    %dma_wait3A_159 = tpu.memref_slice %arg13[%dma_wait3A_157, %dma_wait3A_158] : memref<10112x64xbf16, #tpu.memory_space<vmem_shared>> -> memref<10112x64xbf16, #tpu.memory_space<vmem_shared>>
    tpu.wait_indirect_dma semaphore(%arg15 : memref<!tpu.dma_semaphore, #tpu.memory_space<semaphore_mem>>) src(%dma_wait3A_159 : memref<10112x64xbf16, #tpu.memory_space<vmem_shared>>) dst(%dma_wait3A_153 : memref<64x64xbf16, #tpu.memory_space<vmem>>)
    %dma_wait3A_160 = arith.constant 316 : i32
    %dma_wait3A_161 = arith.constant 1 : i32
    %dma_wait3A_162 = arith.constant 0 : i32
    %dma_wait3A_163 = arith.constant 0 : i32
    %dma_wait3A_164 = tpu.memref_slice %arg9[%dma_wait3A_161, %dma_wait3A_162, %dma_wait3A_163] : memref<3x64x128xbf16, #tpu.memory_space<vmem>> -> memref<1x64x128xbf16, #tpu.memory_space<vmem>>
    %dma_wait3A_165 = tpu.memref_squeeze %dma_wait3A_164 : memref<1x64x128xbf16, #tpu.memory_space<vmem>> -> memref<64x128xbf16, #tpu.memory_space<vmem>>
    %dma_wait3A_166 = arith.constant 0 : i32
    %dma_wait3A_167 = tpu.memref_slice %arg8[%dma_wait3A_160, %dma_wait3A_166] : memref<318x64xi32, #tpu.memory_space<vmem>> -> memref<1x64xi32, #tpu.memory_space<vmem>>
    %dma_wait3A_168 = tpu.memref_squeeze %dma_wait3A_167 : memref<1x64xi32, #tpu.memory_space<vmem>> -> memref<64xi32, #tpu.memory_space<vmem>>
    %dma_wait3A_169 = arith.constant 0 : i32
    %dma_wait3A_170 = arith.constant 0 : i32
    %dma_wait3A_171 = tpu.memref_slice %arg4[%arg0, %dma_wait3A_169, %dma_wait3A_170] : memref<2x10000x128xbf16, #tpu.memory_space<hbm>> -> memref<1x10000x128xbf16, #tpu.memory_space<hbm>>
    %dma_wait3A_172 = tpu.memref_squeeze %dma_wait3A_171 : memref<1x10000x128xbf16, #tpu.memory_space<hbm>> -> memref<10000x128xbf16, #tpu.memory_space<hbm>>
    %dma_wait3A_173 = arith.constant 0 : i32
    %dma_wait3A_174 = arith.constant 0 : i32
    %dma_wait3A_175 = tpu.memref_slice %dma_wait3A_172[%dma_wait3A_173, %dma_wait3A_174] : memref<10000x128xbf16, #tpu.memory_space<hbm>> -> memref<10000x128xbf16, #tpu.memory_space<hbm>>
    tpu.wait_indirect_dma semaphore(%arg16 : memref<!tpu.dma_semaphore, #tpu.memory_space<semaphore_mem>>) src(%dma_wait3A_175 : memref<10000x128xbf16, #tpu.memory_space<hbm>>) dst(%dma_wait3A_165 : memref<64x128xbf16, #tpu.memory_space<vmem>>)
    %dma_wait3A_176 = arith.constant 316 : i32
    %dma_wait3A_177 = arith.constant 1 : i32
    %dma_wait3A_178 = arith.constant 0 : i32
    %dma_wait3A_179 = arith.constant 0 : i32
    %dma_wait3A_180 = tpu.memref_slice %arg10[%dma_wait3A_177, %dma_wait3A_178, %dma_wait3A_179] : memref<3x64x64xbf16, #tpu.memory_space<vmem>> -> memref<1x64x64xbf16, #tpu.memory_space<vmem>>
    %dma_wait3A_181 = tpu.memref_squeeze %dma_wait3A_180 : memref<1x64x64xbf16, #tpu.memory_space<vmem>> -> memref<64x64xbf16, #tpu.memory_space<vmem>>
    %dma_wait3A_182 = arith.constant 0 : i32
    %dma_wait3A_183 = tpu.memref_slice %arg7[%dma_wait3A_176, %dma_wait3A_182] : memref<318x64xi32, #tpu.memory_space<vmem>> -> memref<1x64xi32, #tpu.memory_space<vmem>>
    %dma_wait3A_184 = tpu.memref_squeeze %dma_wait3A_183 : memref<1x64xi32, #tpu.memory_space<vmem>> -> memref<64xi32, #tpu.memory_space<vmem>>
    %dma_wait3A_185 = arith.constant 0 : i32
    %dma_wait3A_186 = arith.constant 0 : i32
    %dma_wait3A_187 = tpu.memref_slice %arg13[%dma_wait3A_185, %dma_wait3A_186] : memref<10112x64xbf16, #tpu.memory_space<vmem_shared>> -> memref<10112x64xbf16, #tpu.memory_space<vmem_shared>>
    tpu.wait_indirect_dma semaphore(%arg17 : memref<!tpu.dma_semaphore, #tpu.memory_space<semaphore_mem>>) src(%dma_wait3A_187 : memref<10112x64xbf16, #tpu.memory_space<vmem_shared>>) dst(%dma_wait3A_181 : memref<64x64xbf16, #tpu.memory_space<vmem>>)
    %dma_wait3A_188 = arith.constant 317 : i32
    %dma_wait3A_189 = arith.constant 2 : i32
    %dma_wait3A_190 = arith.constant 0 : i32
    %dma_wait3A_191 = arith.constant 0 : i32
    %dma_wait3A_192 = tpu.memref_slice %arg9[%dma_wait3A_189, %dma_wait3A_190, %dma_wait3A_191] : memref<3x64x128xbf16, #tpu.memory_space<vmem>> -> memref<1x64x128xbf16, #tpu.memory_space<vmem>>
    %dma_wait3A_193 = tpu.memref_squeeze %dma_wait3A_192 : memref<1x64x128xbf16, #tpu.memory_space<vmem>> -> memref<64x128xbf16, #tpu.memory_space<vmem>>
    %dma_wait3A_194 = arith.constant 0 : i32
    %dma_wait3A_195 = tpu.memref_slice %arg8[%dma_wait3A_188, %dma_wait3A_194] : memref<318x64xi32, #tpu.memory_space<vmem>> -> memref<1x64xi32, #tpu.memory_space<vmem>>
    %dma_wait3A_196 = tpu.memref_squeeze %dma_wait3A_195 : memref<1x64xi32, #tpu.memory_space<vmem>> -> memref<64xi32, #tpu.memory_space<vmem>>
    %dma_wait3A_197 = arith.constant 0 : i32
    %dma_wait3A_198 = arith.constant 0 : i32
    %dma_wait3A_199 = tpu.memref_slice %arg4[%arg0, %dma_wait3A_197, %dma_wait3A_198] : memref<2x10000x128xbf16, #tpu.memory_space<hbm>> -> memref<1x10000x128xbf16, #tpu.memory_space<hbm>>
    %dma_wait3A_200 = tpu.memref_squeeze %dma_wait3A_199 : memref<1x10000x128xbf16, #tpu.memory_space<hbm>> -> memref<10000x128xbf16, #tpu.memory_space<hbm>>
    %dma_wait3A_201 = arith.constant 0 : i32
    %dma_wait3A_202 = arith.constant 0 : i32
    %dma_wait3A_203 = tpu.memref_slice %dma_wait3A_200[%dma_wait3A_201, %dma_wait3A_202] : memref<10000x128xbf16, #tpu.memory_space<hbm>> -> memref<10000x128xbf16, #tpu.memory_space<hbm>>
    tpu.wait_indirect_dma semaphore(%arg18 : memref<!tpu.dma_semaphore, #tpu.memory_space<semaphore_mem>>) src(%dma_wait3A_203 : memref<10000x128xbf16, #tpu.memory_space<hbm>>) dst(%dma_wait3A_193 : memref<64x128xbf16, #tpu.memory_space<vmem>>)
    %dma_wait3A_204 = arith.constant 317 : i32
    %dma_wait3A_205 = arith.constant 2 : i32
    %dma_wait3A_206 = arith.constant 0 : i32
    %dma_wait3A_207 = arith.constant 0 : i32
    %dma_wait3A_208 = tpu.memref_slice %arg10[%dma_wait3A_205, %dma_wait3A_206, %dma_wait3A_207] : memref<3x64x64xbf16, #tpu.memory_space<vmem>> -> memref<1x64x64xbf16, #tpu.memory_space<vmem>>
    %dma_wait3A_209 = tpu.memref_squeeze %dma_wait3A_208 : memref<1x64x64xbf16, #tpu.memory_space<vmem>> -> memref<64x64xbf16, #tpu.memory_space<vmem>>
    %dma_wait3A_210 = arith.constant 0 : i32
    %dma_wait3A_211 = tpu.memref_slice %arg7[%dma_wait3A_204, %dma_wait3A_210] : memref<318x64xi32, #tpu.memory_space<vmem>> -> memref<1x64xi32, #tpu.memory_space<vmem>>
    %dma_wait3A_212 = tpu.memref_squeeze %dma_wait3A_211 : memref<1x64xi32, #tpu.memory_space<vmem>> -> memref<64xi32, #tpu.memory_space<vmem>>
    %dma_wait3A_213 = arith.constant 0 : i32
    %dma_wait3A_214 = arith.constant 0 : i32
    %dma_wait3A_215 = tpu.memref_slice %arg13[%dma_wait3A_213, %dma_wait3A_214] : memref<10112x64xbf16, #tpu.memory_space<vmem_shared>> -> memref<10112x64xbf16, #tpu.memory_space<vmem_shared>>
    tpu.wait_indirect_dma semaphore(%arg19 : memref<!tpu.dma_semaphore, #tpu.memory_space<semaphore_mem>>) src(%dma_wait3A_215 : memref<10112x64xbf16, #tpu.memory_space<vmem_shared>>) dst(%dma_wait3A_209 : memref<64x64xbf16, #tpu.memory_space<vmem>>)
    %barrier3A_216 = arith.constant 0 : index
    tpu.barrier barrier_id(%barrier3A_216)
    %mul3A_217 = arith.constant 632 : i32
    %mul3A_218 = arith.muli %arg1, %mul3A_217 : i32
    %mul3A_219 = arith.constant 632 : i32
    %mul3A_220 = arith.muli %arg1, %mul3A_219 : i32
    "tpu.region"() ({
      %run_scoped3A = tpu.sem_alloc : memref<!tpu.dma_semaphore, #tpu.memory_space<semaphore_mem>>
      %dma_start3A_221 = arith.constant 0 : i32
      %dma_start3A_222 = tpu.memref_slice %arg6[%arg0, %mul3A_220, %dma_start3A_221] : memref<2x10112x64xf32, #tpu.memory_space<hbm>> -> memref<1x632x64xf32, #tpu.memory_space<hbm>>
      %dma_start3A_223 = tpu.memref_squeeze %dma_start3A_222 : memref<1x632x64xf32, #tpu.memory_space<hbm>> -> memref<632x64xf32, #tpu.memory_space<hbm>>
      %dma_start3A_224 = arith.constant 0 : i32
      %dma_start3A_225 = tpu.memref_slice %arg12[%mul3A_218, %dma_start3A_224] : memref<10112x64xf32, #tpu.memory_space<vmem_shared>> -> memref<632x64xf32, #tpu.memory_space<vmem_shared>>
      tpu.enqueue_dma source(%dma_start3A_225 : memref<632x64xf32, #tpu.memory_space<vmem_shared>>) target(%dma_start3A_223 : memref<632x64xf32, #tpu.memory_space<hbm>>) target_semaphore(%run_scoped3A : memref<!tpu.dma_semaphore, #tpu.memory_space<semaphore_mem>>)
      %dma_wait3A_226 = arith.constant 0 : i32
      %dma_wait3A_227 = tpu.memref_slice %arg6[%arg0, %mul3A_220, %dma_wait3A_226] : memref<2x10112x64xf32, #tpu.memory_space<hbm>> -> memref<1x632x64xf32, #tpu.memory_space<hbm>>
      %dma_wait3A_228 = tpu.memref_squeeze %dma_wait3A_227 : memref<1x632x64xf32, #tpu.memory_space<hbm>> -> memref<632x64xf32, #tpu.memory_space<hbm>>
      %dma_wait3A_229 = arith.constant 0 : i32
      %dma_wait3A_230 = tpu.memref_slice %arg12[%mul3A_218, %dma_wait3A_229] : memref<10112x64xf32, #tpu.memory_space<vmem_shared>> -> memref<632x64xf32, #tpu.memory_space<vmem_shared>>
      tpu.wait_dma2 semaphore(%run_scoped3A : memref<!tpu.dma_semaphore, #tpu.memory_space<semaphore_mem>>) src(%dma_wait3A_230 : memref<632x64xf32, #tpu.memory_space<vmem_shared>>) dst(%dma_wait3A_228 : memref<632x64xf32, #tpu.memory_space<hbm>>)
      tpu.yield
    }) : () -> ()
    return
  }
}

module attributes {stable_mosaic.version = 14 : i64} {
  func.func @_dense_body(%arg0: i32, %arg1: memref<2000x128xf32, #tpu.memory_space<vmem>>, %arg2: memref<2000x128xf32, #tpu.memory_space<vmem>>, %arg3: memref<2000x128xf32, #tpu.memory_space<vmem>>, %arg4: memref<2000x128xf32, #tpu.memory_space<vmem>>, %arg5: memref<128x128xf32, #tpu.memory_space<vmem>>, %arg6: memref<128x128xf32, #tpu.memory_space<vmem>>, %arg7: memref<128x128xf32, #tpu.memory_space<vmem>>, %arg8: memref<128x128xf32, #tpu.memory_space<vmem>>, %arg9: memref<128x128xf32, #tpu.memory_space<vmem>>, %arg10: memref<128x128xf32, #tpu.memory_space<vmem>>, %arg11: memref<128x128xf32, #tpu.memory_space<vmem>>, %arg12: memref<128x128xf32, #tpu.memory_space<vmem>>, %arg13: memref<1x128xf32, #tpu.memory_space<vmem>>, %arg14: memref<1x128xf32, #tpu.memory_space<vmem>>, %arg15: memref<1x128xf32, #tpu.memory_space<vmem>>, %arg16: memref<1x128xf32, #tpu.memory_space<vmem>>, %arg17: memref<2x2000x64xbf16, #tpu.memory_space<vmem>>, %arg18: memref<2x2000x128xbf16, #tpu.memory_space<vmem>>, %arg19: memref<2000x128xf32, #tpu.memory_space<vmem>>, %arg20: memref<2000x128xf32, #tpu.memory_space<vmem>>) attributes {dimension_semantics = [#tpu.dimension_semantics<arbitrary>], iteration_bounds = array<i64: 5>, scalar_prefetch = 0 : i64, scratch_operands = 0 : i64, tpu.core_type = #tpu.core_type<tc>, window_params = [{transform_indices = @transform_0, window_bounds = array<i64: 2000, 128>}, {transform_indices = @transform_1, window_bounds = array<i64: 2000, 128>}, {transform_indices = @transform_2, window_bounds = array<i64: 2000, 128>}, {transform_indices = @transform_3, window_bounds = array<i64: 2000, 128>}, {pipeline_mode = #tpu.pipeline_mode<synchronous>, transform_indices = @transform_4, window_bounds = array<i64: 128, 128>}, {pipeline_mode = #tpu.pipeline_mode<synchronous>, transform_indices = @transform_5, window_bounds = array<i64: 128, 128>}, {pipeline_mode = #tpu.pipeline_mode<synchronous>, transform_indices = @transform_6, window_bounds = array<i64: 128, 128>}, {pipeline_mode = #tpu.pipeline_mode<synchronous>, transform_indices = @transform_7, window_bounds = array<i64: 128, 128>}, {pipeline_mode = #tpu.pipeline_mode<synchronous>, transform_indices = @transform_8, window_bounds = array<i64: 128, 128>}, {pipeline_mode = #tpu.pipeline_mode<synchronous>, transform_indices = @transform_9, window_bounds = array<i64: 128, 128>}, {pipeline_mode = #tpu.pipeline_mode<synchronous>, transform_indices = @transform_10, window_bounds = array<i64: 128, 128>}, {pipeline_mode = #tpu.pipeline_mode<synchronous>, transform_indices = @transform_11, window_bounds = array<i64: 128, 128>}, {pipeline_mode = #tpu.pipeline_mode<synchronous>, transform_indices = @transform_12, window_bounds = array<i64: 1, 128>}, {pipeline_mode = #tpu.pipeline_mode<synchronous>, transform_indices = @transform_13, window_bounds = array<i64: 1, 128>}, {pipeline_mode = #tpu.pipeline_mode<synchronous>, transform_indices = @transform_14, window_bounds = array<i64: 1, 128>}, {pipeline_mode = #tpu.pipeline_mode<synchronous>, transform_indices = @transform_15, window_bounds = array<i64: 1, 128>}, {transform_indices = @transform_16, window_bounds = array<i64: 2, 2000, 64>}, {transform_indices = @transform_17, window_bounds = array<i64: 2, 2000, 128>}, {transform_indices = @transform_18, window_bounds = array<i64: 2000, 128>}, {transform_indices = @transform_19, window_bounds = array<i64: 2000, 128>}]} {
    %get3A = arith.constant 0 : index
    %get3A_0 = arith.constant 0 : index
    %get3A_1 = vector.load %arg1[%get3A, %get3A_0] : memref<2000x128xf32, #tpu.memory_space<vmem>>, vector<2000x128xf32>
    %get3A_2 = arith.constant 0 : index
    %get3A_3 = arith.constant 0 : index
    %get3A_4 = vector.load %arg2[%get3A_2, %get3A_3] : memref<2000x128xf32, #tpu.memory_space<vmem>>, vector<2000x128xf32>
    %get3A_5 = arith.constant 0 : index
    %get3A_6 = arith.constant 0 : index
    %get3A_7 = vector.load %arg4[%get3A_5, %get3A_6] : memref<2000x128xf32, #tpu.memory_space<vmem>>, vector<2000x128xf32>
    %get3A_8 = arith.constant 0 : index
    %get3A_9 = arith.constant 0 : index
    %get3A_10 = vector.load %arg7[%get3A_8, %get3A_9] : memref<128x128xf32, #tpu.memory_space<vmem>>, vector<128x128xf32>
    %dot_general3A = arith.constant dense<0.000000e+00> : vector<2000x128xf32>
    %dot_general3A_11 = tpu.matmul %get3A_1, %get3A_10, %dot_general3A {dimension_numbers = #tpu.dot_dimension_numbers<[1], [0], [0], [1], [0, 0, 1, 1], [], []>, transpose_lhs_hint = false} : vector<2000x128xf32>, vector<128x128xf32>, vector<2000x128xf32> -> vector<2000x128xf32>
    %get3A_12 = arith.constant 0 : index
    %get3A_13 = arith.constant 0 : index
    %get3A_14 = vector.load %arg14[%get3A_12, %get3A_13] : memref<1x128xf32, #tpu.memory_space<vmem>>, vector<1x128xf32>
    %add3A = vector.broadcast %get3A_14 : vector<1x128xf32> to vector<2000x128xf32>
    %add3A_15 = arith.addf %dot_general3A_11, %add3A : vector<2000x128xf32>
    %convert_element_type3A = arith.truncf %add3A_15 : vector<2000x128xf32> to vector<2000x128xbf16>
    %slice3A = vector.extract_strided_slice %convert_element_type3A {offsets = [0, 0], sizes = [2000, 64], strides = [1, 1]} : vector<2000x128xbf16> to vector<2000x64xbf16>
    %swap3A = arith.constant 0 : index
    %swap3A_16 = arith.constant 0 : index
    %swap3A_17 = arith.constant 0 : index
    %swap3A_18 = vector.load %arg17[%swap3A, %swap3A_16, %swap3A_17] : memref<2x2000x64xbf16, #tpu.memory_space<vmem>>, vector<1x2000x64xbf16>
    %swap3A_19 = vector.shape_cast %swap3A_18 : vector<1x2000x64xbf16> to vector<2000x64xbf16>
    %swap3A_20 = vector.shape_cast %slice3A : vector<2000x64xbf16> to vector<1x2000x64xbf16>
    tpu.vector_store %arg17[%swap3A, %swap3A_16, %swap3A_17], %swap3A_20 {strides = array<i32>} : memref<2x2000x64xbf16, #tpu.memory_space<vmem>>, vector<1x2000x64xbf16>,
    %slice3A_21 = vector.extract_strided_slice %convert_element_type3A {offsets = [0, 64], sizes = [2000, 64], strides = [1, 1]} : vector<2000x128xbf16> to vector<2000x64xbf16>
    %swap3A_22 = arith.constant 1 : index
    %swap3A_23 = arith.constant 0 : index
    %swap3A_24 = arith.constant 0 : index
    %swap3A_25 = vector.load %arg17[%swap3A_22, %swap3A_23, %swap3A_24] : memref<2x2000x64xbf16, #tpu.memory_space<vmem>>, vector<1x2000x64xbf16>
    %swap3A_26 = vector.shape_cast %swap3A_25 : vector<1x2000x64xbf16> to vector<2000x64xbf16>
    %swap3A_27 = vector.shape_cast %slice3A_21 : vector<2000x64xbf16> to vector<1x2000x64xbf16>
    tpu.vector_store %arg17[%swap3A_22, %swap3A_23, %swap3A_24], %swap3A_27 {strides = array<i32>} : memref<2x2000x64xbf16, #tpu.memory_space<vmem>>, vector<1x2000x64xbf16>,
    %get3A_28 = arith.constant 0 : index
    %get3A_29 = arith.constant 0 : index
    %get3A_30 = vector.load %arg3[%get3A_28, %get3A_29] : memref<2000x128xf32, #tpu.memory_space<vmem>>, vector<2000x128xf32>
    %get3A_31 = arith.constant 0 : index
    %get3A_32 = arith.constant 0 : index
    %get3A_33 = vector.load %arg8[%get3A_31, %get3A_32] : memref<128x128xf32, #tpu.memory_space<vmem>>, vector<128x128xf32>
    %dot_general3A_34 = arith.constant dense<0.000000e+00> : vector<2000x128xf32>
    %dot_general3A_35 = tpu.matmul %get3A_30, %get3A_33, %dot_general3A_34 {dimension_numbers = #tpu.dot_dimension_numbers<[1], [0], [0], [1], [0, 0, 1, 1], [], []>, transpose_lhs_hint = false} : vector<2000x128xf32>, vector<128x128xf32>, vector<2000x128xf32> -> vector<2000x128xf32>
    %convert_element_type3A_36 = arith.truncf %dot_general3A_35 : vector<2000x128xf32> to vector<2000x128xbf16>
    %convert_element_type3A_37 = arith.truncf %get3A_7 : vector<2000x128xf32> to vector<2000x128xbf16>
    %slice3A_38 = vector.extract_strided_slice %convert_element_type3A_36 {offsets = [0, 0], sizes = [2000, 64], strides = [1, 1]} : vector<2000x128xbf16> to vector<2000x64xbf16>
    %swap3A_39 = arith.constant 0 : index
    %swap3A_40 = arith.constant 0 : index
    %swap3A_41 = arith.constant 0 : index
    %swap3A_42 = vector.load %arg18[%swap3A_39, %swap3A_40, %swap3A_41] : memref<2x2000x128xbf16, #tpu.memory_space<vmem>>, vector<1x2000x64xbf16>
    %swap3A_43 = vector.shape_cast %swap3A_42 : vector<1x2000x64xbf16> to vector<2000x64xbf16>
    %swap3A_44 = vector.shape_cast %slice3A_38 : vector<2000x64xbf16> to vector<1x2000x64xbf16>
    tpu.vector_store %arg18[%swap3A_39, %swap3A_40, %swap3A_41], %swap3A_44 {strides = array<i32>} : memref<2x2000x128xbf16, #tpu.memory_space<vmem>>, vector<1x2000x64xbf16>,
    %slice3A_45 = vector.extract_strided_slice %convert_element_type3A_37 {offsets = [0, 0], sizes = [2000, 64], strides = [1, 1]} : vector<2000x128xbf16> to vector<2000x64xbf16>
    %swap3A_46 = arith.constant 0 : index
    %swap3A_47 = arith.constant 0 : index
    %swap3A_48 = arith.constant 64 : index
    %swap3A_49 = vector.load %arg18[%swap3A_46, %swap3A_47, %swap3A_48] : memref<2x2000x128xbf16, #tpu.memory_space<vmem>>, vector<1x2000x64xbf16>
    %swap3A_50 = vector.shape_cast %swap3A_49 : vector<1x2000x64xbf16> to vector<2000x64xbf16>
    %swap3A_51 = vector.shape_cast %slice3A_45 : vector<2000x64xbf16> to vector<1x2000x64xbf16>
    tpu.vector_store %arg18[%swap3A_46, %swap3A_47, %swap3A_48], %swap3A_51 {strides = array<i32>} : memref<2x2000x128xbf16, #tpu.memory_space<vmem>>, vector<1x2000x64xbf16>,
    %slice3A_52 = vector.extract_strided_slice %convert_element_type3A_36 {offsets = [0, 64], sizes = [2000, 64], strides = [1, 1]} : vector<2000x128xbf16> to vector<2000x64xbf16>
    %swap3A_53 = arith.constant 1 : index
    %swap3A_54 = arith.constant 0 : index
    %swap3A_55 = arith.constant 0 : index
    %swap3A_56 = vector.load %arg18[%swap3A_53, %swap3A_54, %swap3A_55] : memref<2x2000x128xbf16, #tpu.memory_space<vmem>>, vector<1x2000x64xbf16>
    %swap3A_57 = vector.shape_cast %swap3A_56 : vector<1x2000x64xbf16> to vector<2000x64xbf16>
    %swap3A_58 = vector.shape_cast %slice3A_52 : vector<2000x64xbf16> to vector<1x2000x64xbf16>
    tpu.vector_store %arg18[%swap3A_53, %swap3A_54, %swap3A_55], %swap3A_58 {strides = array<i32>} : memref<2x2000x128xbf16, #tpu.memory_space<vmem>>, vector<1x2000x64xbf16>,
    %slice3A_59 = vector.extract_strided_slice %convert_element_type3A_37 {offsets = [0, 64], sizes = [2000, 64], strides = [1, 1]} : vector<2000x128xbf16> to vector<2000x64xbf16>
    %swap3A_60 = arith.constant 1 : index
    %swap3A_61 = arith.constant 0 : index
    %swap3A_62 = arith.constant 64 : index
    %swap3A_63 = vector.load %arg18[%swap3A_60, %swap3A_61, %swap3A_62] : memref<2x2000x128xbf16, #tpu.memory_space<vmem>>, vector<1x2000x64xbf16>
    %swap3A_64 = vector.shape_cast %swap3A_63 : vector<1x2000x64xbf16> to vector<2000x64xbf16>
    %swap3A_65 = vector.shape_cast %slice3A_59 : vector<2000x64xbf16> to vector<1x2000x64xbf16>
    tpu.vector_store %arg18[%swap3A_60, %swap3A_61, %swap3A_62], %swap3A_65 {strides = array<i32>} : memref<2x2000x128xbf16, #tpu.memory_space<vmem>>, vector<1x2000x64xbf16>,
    %get3A_66 = arith.constant 0 : index
    %get3A_67 = arith.constant 0 : index
    %get3A_68 = vector.load %arg5[%get3A_66, %get3A_67] : memref<128x128xf32, #tpu.memory_space<vmem>>, vector<128x128xf32>
    %dot_general3A_69 = arith.constant dense<0.000000e+00> : vector<2000x128xf32>
    %dot_general3A_70 = tpu.matmul %get3A_1, %get3A_68, %dot_general3A_69 {dimension_numbers = #tpu.dot_dimension_numbers<[1], [0], [0], [1], [0, 0, 1, 1], [], []>, transpose_lhs_hint = false} : vector<2000x128xf32>, vector<128x128xf32>, vector<2000x128xf32> -> vector<2000x128xf32>
    %get3A_71 = arith.constant 0 : index
    %get3A_72 = arith.constant 0 : index
    %get3A_73 = vector.load %arg13[%get3A_71, %get3A_72] : memref<1x128xf32, #tpu.memory_space<vmem>>, vector<1x128xf32>
    %add3A_74 = vector.broadcast %get3A_73 : vector<1x128xf32> to vector<2000x128xf32>
    %add3A_75 = arith.addf %dot_general3A_70, %add3A_74 : vector<2000x128xf32>
    %get3A_76 = arith.constant 0 : index
    %get3A_77 = arith.constant 0 : index
    %get3A_78 = vector.load %arg6[%get3A_76, %get3A_77] : memref<128x128xf32, #tpu.memory_space<vmem>>, vector<128x128xf32>
    %dot_general3A_79 = arith.constant dense<0.000000e+00> : vector<2000x128xf32>
    %dot_general3A_80 = tpu.matmul %get3A_4, %get3A_78, %dot_general3A_79 {dimension_numbers = #tpu.dot_dimension_numbers<[1], [0], [0], [1], [0, 0, 1, 1], [], []>, transpose_lhs_hint = false} : vector<2000x128xf32>, vector<128x128xf32>, vector<2000x128xf32> -> vector<2000x128xf32>
    %add3A_81 = arith.addf %add3A_75, %dot_general3A_80 : vector<2000x128xf32>
    %neg3A = arith.constant 0.000000e+00 : f32
    %neg3A_82 = vector.broadcast %neg3A : f32 to vector<2000x128xf32>
    %neg3A_83 = arith.subf %neg3A_82, %add3A_81 : vector<2000x128xf32>
    %exp3A = math.exp %neg3A_83 : vector<2000x128xf32>
    %add3A_84 = arith.constant 1.000000e+00 : f32
    %add3A_85 = vector.broadcast %add3A_84 : f32 to vector<2000x128xf32>
    %add3A_86 = arith.addf %add3A_85, %exp3A : vector<2000x128xf32>
    %div3A = arith.constant 1.000000e+00 : f32
    %div3A_87 = vector.broadcast %div3A : f32 to vector<2000x128xf32>
    %div3A_88 = arith.divf %div3A_87, %add3A_86 : vector<2000x128xf32>
    %get3A_89 = arith.constant 0 : index
    %get3A_90 = arith.constant 0 : index
    %get3A_91 = vector.load %arg11[%get3A_89, %get3A_90] : memref<128x128xf32, #tpu.memory_space<vmem>>, vector<128x128xf32>
    %dot_general3A_92 = arith.constant dense<0.000000e+00> : vector<2000x128xf32>
    %dot_general3A_93 = tpu.matmul %get3A_1, %get3A_91, %dot_general3A_92 {dimension_numbers = #tpu.dot_dimension_numbers<[1], [0], [0], [1], [0, 0, 1, 1], [], []>, transpose_lhs_hint = false} : vector<2000x128xf32>, vector<128x128xf32>, vector<2000x128xf32> -> vector<2000x128xf32>
    %get3A_94 = arith.constant 0 : index
    %get3A_95 = arith.constant 0 : index
    %get3A_96 = vector.load %arg16[%get3A_94, %get3A_95] : memref<1x128xf32, #tpu.memory_space<vmem>>, vector<1x128xf32>
    %add3A_97 = vector.broadcast %get3A_96 : vector<1x128xf32> to vector<2000x128xf32>
    %add3A_98 = arith.addf %dot_general3A_93, %add3A_97 : vector<2000x128xf32>
    %get3A_99 = arith.constant 0 : index
    %get3A_100 = arith.constant 0 : index
    %get3A_101 = vector.load %arg12[%get3A_99, %get3A_100] : memref<128x128xf32, #tpu.memory_space<vmem>>, vector<128x128xf32>
    %dot_general3A_102 = arith.constant dense<0.000000e+00> : vector<2000x128xf32>
    %dot_general3A_103 = tpu.matmul %get3A_4, %get3A_101, %dot_general3A_102 {dimension_numbers = #tpu.dot_dimension_numbers<[1], [0], [0], [1], [0, 0, 1, 1], [], []>, transpose_lhs_hint = false} : vector<2000x128xf32>, vector<128x128xf32>, vector<2000x128xf32> -> vector<2000x128xf32>
    %add3A_104 = arith.addf %add3A_98, %dot_general3A_103 : vector<2000x128xf32>
    %tanh3A = math.tanh %add3A_104 : vector<2000x128xf32>
    %mul3A = arith.mulf %div3A_88, %tanh3A : vector<2000x128xf32>
    %swap3A_105 = arith.constant 0 : index
    %swap3A_106 = arith.constant 0 : index
    %swap3A_107 = vector.load %arg19[%swap3A_105, %swap3A_106] : memref<2000x128xf32, #tpu.memory_space<vmem>>, vector<2000x128xf32>
    tpu.vector_store %arg19[%swap3A_105, %swap3A_106], %mul3A {strides = array<i32>} : memref<2000x128xf32, #tpu.memory_space<vmem>>, vector<2000x128xf32>,
    %get3A_108 = arith.constant 0 : index
    %get3A_109 = arith.constant 0 : index
    %get3A_110 = vector.load %arg9[%get3A_108, %get3A_109] : memref<128x128xf32, #tpu.memory_space<vmem>>, vector<128x128xf32>
    %dot_general3A_111 = arith.constant dense<0.000000e+00> : vector<2000x128xf32>
    %dot_general3A_112 = tpu.matmul %get3A_1, %get3A_110, %dot_general3A_111 {dimension_numbers = #tpu.dot_dimension_numbers<[1], [0], [0], [1], [0, 0, 1, 1], [], []>, transpose_lhs_hint = false} : vector<2000x128xf32>, vector<128x128xf32>, vector<2000x128xf32> -> vector<2000x128xf32>
    %get3A_113 = arith.constant 0 : index
    %get3A_114 = arith.constant 0 : index
    %get3A_115 = vector.load %arg15[%get3A_113, %get3A_114] : memref<1x128xf32, #tpu.memory_space<vmem>>, vector<1x128xf32>
    %add3A_116 = vector.broadcast %get3A_115 : vector<1x128xf32> to vector<2000x128xf32>
    %add3A_117 = arith.addf %dot_general3A_112, %add3A_116 : vector<2000x128xf32>
    %get3A_118 = arith.constant 0 : index
    %get3A_119 = arith.constant 0 : index
    %get3A_120 = vector.load %arg10[%get3A_118, %get3A_119] : memref<128x128xf32, #tpu.memory_space<vmem>>, vector<128x128xf32>
    %dot_general3A_121 = arith.constant dense<0.000000e+00> : vector<2000x128xf32>
    %dot_general3A_122 = tpu.matmul %get3A_4, %get3A_120, %dot_general3A_121 {dimension_numbers = #tpu.dot_dimension_numbers<[1], [0], [0], [1], [0, 0, 1, 1], [], []>, transpose_lhs_hint = false} : vector<2000x128xf32>, vector<128x128xf32>, vector<2000x128xf32> -> vector<2000x128xf32>
    %add3A_123 = arith.addf %add3A_117, %dot_general3A_122 : vector<2000x128xf32>
    %neg3A_124 = arith.constant 0.000000e+00 : f32
    %neg3A_125 = vector.broadcast %neg3A_124 : f32 to vector<2000x128xf32>
    %neg3A_126 = arith.subf %neg3A_125, %add3A_123 : vector<2000x128xf32>
    %exp3A_127 = math.exp %neg3A_126 : vector<2000x128xf32>
    %add3A_128 = arith.constant 1.000000e+00 : f32
    %add3A_129 = vector.broadcast %add3A_128 : f32 to vector<2000x128xf32>
    %add3A_130 = arith.addf %add3A_129, %exp3A_127 : vector<2000x128xf32>
    %div3A_131 = arith.constant 1.000000e+00 : f32
    %div3A_132 = vector.broadcast %div3A_131 : f32 to vector<2000x128xf32>
    %div3A_133 = arith.divf %div3A_132, %add3A_130 : vector<2000x128xf32>
    %swap3A_134 = arith.constant 0 : index
    %swap3A_135 = arith.constant 0 : index
    %swap3A_136 = vector.load %arg20[%swap3A_134, %swap3A_135] : memref<2000x128xf32, #tpu.memory_space<vmem>>, vector<2000x128xf32>
    tpu.vector_store %arg20[%swap3A_134, %swap3A_135], %div3A_133 {strides = array<i32>} : memref<2000x128xf32, #tpu.memory_space<vmem>>, vector<2000x128xf32>,
    return
  }
  func.func @transform_0(%arg0: i32) -> (i32, i32) {
    %c0_i32 = arith.constant 0 : i32
    %c0_i32_0 = arith.constant 0 : i32
    return %arg0, %c0_i32 : i32, i32
  }
  func.func @transform_1(%arg0: i32) -> (i32, i32) {
    %c0_i32 = arith.constant 0 : i32
    %c0_i32_0 = arith.constant 0 : i32
    return %arg0, %c0_i32 : i32, i32
  }
  func.func @transform_2(%arg0: i32) -> (i32, i32) {
    %c0_i32 = arith.constant 0 : i32
    %c0_i32_0 = arith.constant 0 : i32
    return %arg0, %c0_i32 : i32, i32
  }
  func.func @transform_3(%arg0: i32) -> (i32, i32) {
    %c0_i32 = arith.constant 0 : i32
    %c0_i32_0 = arith.constant 0 : i32
    return %arg0, %c0_i32 : i32, i32
  }
  func.func @transform_4(%arg0: i32) -> (i32, i32) {
    %c0_i32 = arith.constant 0 : i32
    %c0_i32_0 = arith.constant 0 : i32
    %c0_i32_1 = arith.constant 0 : i32
    return %c0_i32, %c0_i32_0 : i32, i32
  }
  func.func @transform_5(%arg0: i32) -> (i32, i32) {
    %c0_i32 = arith.constant 0 : i32
    %c0_i32_0 = arith.constant 0 : i32
    %c0_i32_1 = arith.constant 0 : i32
    return %c0_i32, %c0_i32_0 : i32, i32
  }
  func.func @transform_6(%arg0: i32) -> (i32, i32) {
    %c0_i32 = arith.constant 0 : i32
    %c0_i32_0 = arith.constant 0 : i32
    %c0_i32_1 = arith.constant 0 : i32
    return %c0_i32, %c0_i32_0 : i32, i32
  }
  func.func @transform_7(%arg0: i32) -> (i32, i32) {
    %c0_i32 = arith.constant 0 : i32
    %c0_i32_0 = arith.constant 0 : i32
    %c0_i32_1 = arith.constant 0 : i32
    return %c0_i32, %c0_i32_0 : i32, i32
  }
  func.func @transform_8(%arg0: i32) -> (i32, i32) {
    %c0_i32 = arith.constant 0 : i32
    %c0_i32_0 = arith.constant 0 : i32
    %c0_i32_1 = arith.constant 0 : i32
    return %c0_i32, %c0_i32_0 : i32, i32
  }
  func.func @transform_9(%arg0: i32) -> (i32, i32) {
    %c0_i32 = arith.constant 0 : i32
    %c0_i32_0 = arith.constant 0 : i32
    %c0_i32_1 = arith.constant 0 : i32
    return %c0_i32, %c0_i32_0 : i32, i32
  }
  func.func @transform_10(%arg0: i32) -> (i32, i32) {
    %c0_i32 = arith.constant 0 : i32
    %c0_i32_0 = arith.constant 0 : i32
    %c0_i32_1 = arith.constant 0 : i32
    return %c0_i32, %c0_i32_0 : i32, i32
  }
  func.func @transform_11(%arg0: i32) -> (i32, i32) {
    %c0_i32 = arith.constant 0 : i32
    %c0_i32_0 = arith.constant 0 : i32
    %c0_i32_1 = arith.constant 0 : i32
    return %c0_i32, %c0_i32_0 : i32, i32
  }
  func.func @transform_12(%arg0: i32) -> (i32, i32) {
    %c0_i32 = arith.constant 0 : i32
    %c0_i32_0 = arith.constant 0 : i32
    %c0_i32_1 = arith.constant 0 : i32
    return %c0_i32, %c0_i32_0 : i32, i32
  }
  func.func @transform_13(%arg0: i32) -> (i32, i32) {
    %c0_i32 = arith.constant 0 : i32
    %c0_i32_0 = arith.constant 0 : i32
    %c0_i32_1 = arith.constant 0 : i32
    return %c0_i32, %c0_i32_0 : i32, i32
  }
  func.func @transform_14(%arg0: i32) -> (i32, i32) {
    %c0_i32 = arith.constant 0 : i32
    %c0_i32_0 = arith.constant 0 : i32
    %c0_i32_1 = arith.constant 0 : i32
    return %c0_i32, %c0_i32_0 : i32, i32
  }
  func.func @transform_15(%arg0: i32) -> (i32, i32) {
    %c0_i32 = arith.constant 0 : i32
    %c0_i32_0 = arith.constant 0 : i32
    %c0_i32_1 = arith.constant 0 : i32
    return %c0_i32, %c0_i32_0 : i32, i32
  }
  func.func @transform_16(%arg0: i32) -> (i32, i32, i32) {
    %c0_i32 = arith.constant 0 : i32
    %c0_i32_0 = arith.constant 0 : i32
    %c0_i32_1 = arith.constant 0 : i32
    return %c0_i32, %arg0, %c0_i32_0 : i32, i32, i32
  }
  func.func @transform_17(%arg0: i32) -> (i32, i32, i32) {
    %c0_i32 = arith.constant 0 : i32
    %c0_i32_0 = arith.constant 0 : i32
    %c0_i32_1 = arith.constant 0 : i32
    return %c0_i32, %arg0, %c0_i32_0 : i32, i32, i32
  }
  func.func @transform_18(%arg0: i32) -> (i32, i32) {
    %c0_i32 = arith.constant 0 : i32
    %c0_i32_0 = arith.constant 0 : i32
    return %arg0, %c0_i32 : i32, i32
  }
  func.func @transform_19(%arg0: i32) -> (i32, i32) {
    %c0_i32 = arith.constant 0 : i32
    %c0_i32_0 = arith.constant 0 : i32
    return %arg0, %c0_i32 : i32, i32
  }
}

module attributes {stable_mosaic.version = 14 : i64} {
  func.func @_final_body(%arg0: i32, %arg1: memref<2000x128xf32, #tpu.memory_space<vmem>>, %arg2: memref<2000x128xf32, #tpu.memory_space<vmem>>, %arg3: memref<2000x64xf32, #tpu.memory_space<vmem>>, %arg4: memref<2000x64xf32, #tpu.memory_space<vmem>>, %arg5: memref<2000x128xf32, #tpu.memory_space<vmem>>, %arg6: memref<2000x128xf32, #tpu.memory_space<vmem>>) attributes {dimension_semantics = [#tpu.dimension_semantics<arbitrary>], iteration_bounds = array<i64: 5>, scalar_prefetch = 0 : i64, scratch_operands = 0 : i64, tpu.core_type = #tpu.core_type<tc>, window_params = [{transform_indices = @transform_0, window_bounds = array<i64: 2000, 128>}, {transform_indices = @transform_1, window_bounds = array<i64: 2000, 128>}, {transform_indices = @transform_2, window_bounds = array<i64: 2000, 64>}, {transform_indices = @transform_3, window_bounds = array<i64: 2000, 64>}, {transform_indices = @transform_4, window_bounds = array<i64: 2000, 128>}, {transform_indices = @transform_5, window_bounds = array<i64: 2000, 128>}]} {
    %get3A = arith.constant 0 : index
    %get3A_0 = arith.constant 0 : index
    %get3A_1 = vector.load %arg1[%get3A, %get3A_0] : memref<2000x128xf32, #tpu.memory_space<vmem>>, vector<2000x128xf32>
    %slice3A = vector.extract_strided_slice %get3A_1 {offsets = [0, 0], sizes = [2000, 64], strides = [1, 1]} : vector<2000x128xf32> to vector<2000x64xf32>
    %get3A_2 = arith.constant 0 : index
    %get3A_3 = arith.constant 0 : index
    %get3A_4 = vector.load %arg3[%get3A_2, %get3A_3] : memref<2000x64xf32, #tpu.memory_space<vmem>>, vector<2000x64xf32>
    %add3A = arith.addf %slice3A, %get3A_4 : vector<2000x64xf32>
    %slice3A_5 = vector.extract_strided_slice %get3A_1 {offsets = [0, 64], sizes = [2000, 64], strides = [1, 1]} : vector<2000x128xf32> to vector<2000x64xf32>
    %get3A_6 = arith.constant 0 : index
    %get3A_7 = arith.constant 0 : index
    %get3A_8 = vector.load %arg4[%get3A_6, %get3A_7] : memref<2000x64xf32, #tpu.memory_space<vmem>>, vector<2000x64xf32>
    %add3A_9 = arith.addf %slice3A_5, %get3A_8 : vector<2000x64xf32>
    %concatenate3A = tpu.concatenate %add3A, %add3A_9 in 1 : vector<2000x64xf32>, vector<2000x64xf32> -> vector<2000x128xf32>
    %swap3A = arith.constant 0 : index
    %swap3A_10 = arith.constant 0 : index
    %swap3A_11 = vector.load %arg6[%swap3A, %swap3A_10] : memref<2000x128xf32, #tpu.memory_space<vmem>>, vector<2000x128xf32>
    tpu.vector_store %arg6[%swap3A, %swap3A_10], %concatenate3A {strides = array<i32>} : memref<2000x128xf32, #tpu.memory_space<vmem>>, vector<2000x128xf32>,
    %get3A_12 = arith.constant 0 : index
    %get3A_13 = arith.constant 0 : index
    %get3A_14 = vector.load %arg2[%get3A_12, %get3A_13] : memref<2000x128xf32, #tpu.memory_space<vmem>>, vector<2000x128xf32>
    %tanh3A = math.tanh %concatenate3A : vector<2000x128xf32>
    %mul3A = arith.mulf %get3A_14, %tanh3A : vector<2000x128xf32>
    %swap3A_15 = arith.constant 0 : index
    %swap3A_16 = arith.constant 0 : index
    %swap3A_17 = vector.load %arg5[%swap3A_15, %swap3A_16] : memref<2000x128xf32, #tpu.memory_space<vmem>>, vector<2000x128xf32>
    tpu.vector_store %arg5[%swap3A_15, %swap3A_16], %mul3A {strides = array<i32>} : memref<2000x128xf32, #tpu.memory_space<vmem>>, vector<2000x128xf32>,
    return
  }
  func.func @transform_0(%arg0: i32) -> (i32, i32) {
    %c0_i32 = arith.constant 0 : i32
    %c0_i32_0 = arith.constant 0 : i32
    return %arg0, %c0_i32 : i32, i32
  }
  func.func @transform_1(%arg0: i32) -> (i32, i32) {
    %c0_i32 = arith.constant 0 : i32
    %c0_i32_0 = arith.constant 0 : i32
    return %arg0, %c0_i32 : i32, i32
  }
  func.func @transform_2(%arg0: i32) -> (i32, i32) {
    %c0_i32 = arith.constant 0 : i32
    %c0_i32_0 = arith.constant 0 : i32
    return %arg0, %c0_i32 : i32, i32
  }
  func.func @transform_3(%arg0: i32) -> (i32, i32) {
    %c0_i32 = arith.constant 0 : i32
    %c0_i32_0 = arith.constant 0 : i32
    return %arg0, %c0_i32 : i32, i32
  }
  func.func @transform_4(%arg0: i32) -> (i32, i32) {
    %c0_i32 = arith.constant 0 : i32
    %c0_i32_0 = arith.constant 0 : i32
    return %arg0, %c0_i32 : i32, i32
  }
  func.func @transform_5(%arg0: i32) -> (i32, i32) {
    %c0_i32 = arith.constant 0 : i32
    %c0_i32_0 = arith.constant 0 : i32
    return %arg0, %c0_i32 : i32, i32
  }
}

</mosaic_0001>

<sc_bundles>
// kernel: kernel.5.cloned.1.call-start
scs
__scs_entry_jumppad:
0x0: {  	(pc) =	sbr.rel $0x88, $3  }
0x1: {  	(tag) =	ssettag $0x0;
	lr =	simm.s32 $0x1  }
0x2: {  	[smem:$0x3F8F] =	sst lr;
	_ =	strace $0xD0000000  }
0x3: {  	_ = 	snop  }
0x4: {  	_ = 	snop  }
0x5: {  	_ = 	snop  }
0x6: {  	_ = 	snop  }
0x7: {  	_ = 	snop  }
__scs_overlays_trampoline_lowered:
0x8: {  	[smem:$0x3F9E] =	sst s0  }
0x9: {  	[smem:$0x3F9F] =	sst s1  }
0xa: {  	[smem:$0x3FA0] =	sst s2  }
0xb: {  	[smem:$0x3FA1] =	sst s3  }
0xc: {  	[smem:$0x3FA2] =	sst s4  }
0xd: {  	[smem:$0x3FA3] =	sst s5  }
0xe: {  	[smem:$0x3FA4] =	sst s6  }
0xf: {  	[smem:$0x3FA5] =	sst s7  }
0x10: {  	[smem:$0x3FA6] =	sst s8  }
0x11: {  	[smem:$0x3FA7] =	sst s9;
	s0 =	simm.s32 @!p0 $0x0  }
0x12: {  	s1 =	sld [smem:$0x3F8D];
	s0 =	simm.s32 @p0 $0x1  }
0x13: {  	[smem:$0x3FA8] =	sst s0;
	s0 =	simm.s32 @!p1 $0x0  }
0x14: {  	s2 =	sld [smem:$0x3F8C];
	s0 =	simm.s32 @p1 $0x1  }
0x15: {  	[smem:$0x3FA9] =	sst s0;
	s0 =	simm.s32 @!p2 $0x0  }
0x16: {  	s3 =	sld [smem:$0x3FDB];
	s0 =	simm.s32 @p2 $0x1  }
0x17: {  	s4 =	simm.s32 $0x1BF5;
	[smem:$0x3FAB] =	sst s0  }
0x18: {  	s0 =	sld [smem:$0x3F8E];
	_ =	swait.ge [sflag:s4], $0x0  }
0x19: {  	s7 =	sld [smem:$0x3F8F]  }
0x1a: {  	s8 =	sadd.s32 $0xFFFFE003, lr  }
0x1b: {  	s9 =	sadd.s32 $0xFFFFFEF7, lr;
	s5 =	simm.s32 $0xFFFFFFFF;
	p2 =	slt.u32 s8, $0xFFFFF086  }
0x1c: {  	p1 =	slt.u32 s9, $0xF7A;
	s5 =	simm.s32 @!p2 $0x0  }
0x1d: {  	s5 =	simm.s32 @p1 $0x1;
	p0 =	seq.s32 s7, s2  }
0x1e: {  	s7 =	smul.u32 @!p0 $0xF7A, s2;
	p2 =	seq.s32 @!p0 s5, $0x0  }
0x1f: {  	s9 =	smul.u32 $0xF7A, s1;
	s8 =	simm.s32 @!p0 $0x1BF5;
	p2 =	por !p2, p0  }
0x20: {  	[sflag:s8] =	ssyncset.s32 @!p0 $0xFFFFF086;
	s6 =	sadd.s32 @!p0 s3, s7;
	s7 =	simm.s32 @!p0 $0x108  }
0x21: {  	s3 =	sadd.s32 s3, s9;
	s6 =	sadd.s32 @!p0 $0x88, s6;
	s7 =	simm.s32 @p2 $0x1082  }
0x22: {  	[simem:s7], [sflag:s8] =	dma.local @!p0 [hbm:s6], $0xF7A  }
0x23: {  	s9 =	sor.u32 $0xD0000000, s2;
	s6 =	simm.s32 $0x108;
	_ =	swait.ge @!p0 [sflag:s8], $0x0  }
0x24: {  	s3 =	sadd.s32 $0x88, s3;
	s6 =	simm.s32 @!p1 $0x1082;
	[sflag:s4] =	ssyncset.s32 $0xFFFFF086  }
0x25: {  	[simem:s6], [sflag:s4] =	dma.local [hbm:s3], $0xF7A  }
0x26: {  	[smem:$0x3F8F] =	sst s1;
	(tag) =	ssettag s2;
	_ =	strace s9  }
0x27: {  	s1 =	sld [smem:$0x3F9F]  }
0x28: {  	s2 =	sld [smem:$0x3FA0]  }
0x29: {  	s4 =	sld [smem:$0x3FA2]  }
0x2a: {  	p0 =	seq.s32 s5, $0x0;
	s5 =	sld [smem:$0x3FA3]  }
0x2b: {  	s6 =	sld [smem:$0x3FA4]  }
0x2c: {  	s7 =	sld [smem:$0x3FA5]  }
0x2d: {  	s3 =	simm.s32 $0x108;
	s8 =	sld [smem:$0x3FA6]  }
0x2e: {  	s3 =	simm.s32 @!p0 $0x1082;
	s9 =	sld [smem:$0x3FA7]  }
0x2f: {  	lr =	sadd.s32 s0, s3;
	s0 =	sld [smem:$0x3F9E]  }
0x30: {  	s3 =	sld [smem:$0x3FA1]  }
0x31: {  	[smem:$0x3FAA] =	sst s10  }
0x32: {  	s10 =	sld [smem:$0x3FA8];
	_ =	sdelay $0x3  }
0x33: {  	p0 =	seq.s32 s10, $0x1;
	s10 =	sld [smem:$0x3FAA];
	_ =	sdelay $0x3  }
0x34: {  	[smem:$0x3FAA] =	sst s10  }
0x35: {  	s10 =	sld [smem:$0x3FA9];
	_ =	sdelay $0x3  }
0x36: {  	p1 =	seq.s32 s10, $0x1;
	s10 =	sld [smem:$0x3FAA];
	_ =	sdelay $0x3  }
0x37: {  	[smem:$0x3FAA] =	sst s10  }
0x38: {  	s10 =	sld [smem:$0x3FAB]  }
0x39: {  	_ = 	snop;
	(pc) =	sbr.ind lr, $3  }
0x3a: {  	_ = 	snop  }
0x3b: {  	_ = 	snop  }
0x3c: {  	p2 =	seq.s32 s10, $0x1;
	s10 =	sld [smem:$0x3FAA]  }
0x3d: {  	_ =	shalt  }
0x3e: {  	_ =	shalt  }
0x3f: {  	_ =	shalt  }
0x40: {  	_ =	shalt  }
0x41: {  	_ =	shalt  }
0x42: {  	_ =	shalt  }
0x43: {  	_ =	shalt  }
0x44: {  	_ =	shalt  }
0x45: {  	_ =	shalt  }
0x46: {  	_ =	shalt  }
0x47: {  	_ =	shalt  }
0x48: {  	_ =	shalt  }
0x49: {  	_ =	shalt  }
0x4a: {  	_ =	shalt  }
0x4b: {  	_ =	shalt  }
0x4c: {  	_ =	shalt  }
0x4d: {  	_ =	shalt  }
0x4e: {  	_ =	shalt  }
0x4f: {  	_ =	shalt  }
0x50: {  	_ =	shalt  }
0x51: {  	_ =	shalt  }
0x52: {  	_ =	shalt  }
0x53: {  	_ =	shalt  }
0x54: {  	_ =	shalt  }
0x55: {  	_ =	shalt  }
0x56: {  	_ =	shalt  }
0x57: {  	_ =	shalt  }
0x58: {  	_ =	shalt  }
0x59: {  	_ =	shalt  }
0x5a: {  	_ =	shalt  }
0x5b: {  	_ =	shalt  }
0x5c: {  	_ =	shalt  }
0x5d: {  	_ =	shalt  }
0x5e: {  	_ =	shalt  }
0x5f: {  	_ =	shalt  }
0x60: {  	_ =	shalt  }
0x61: {  	_ =	shalt  }
0x62: {  	_ =	shalt  }
0x63: {  	_ =	shalt  }
0x64: {  	_ =	shalt  }
0x65: {  	_ =	shalt  }
0x66: {  	_ =	shalt  }
0x67: {  	_ =	shalt  }
0x68: {  	_ =	shalt  }
0x69: {  	_ =	shalt  }
0x6a: {  	_ =	shalt  }
0x6b: {  	_ =	shalt  }
0x6c: {  	_ =	shalt  }
0x6d: {  	_ =	shalt  }
0x6e: {  	_ =	shalt  }
0x6f: {  	_ =	shalt  }
0x70: {  	_ =	shalt  }
0x71: {  	_ =	shalt  }
0x72: {  	_ =	shalt  }
0x73: {  	_ =	shalt  }
0x74: {  	_ =	shalt  }
0x75: {  	_ =	shalt  }
0x76: {  	_ =	shalt  }
0x77: {  	_ =	shalt  }
0x78: {  	_ =	shalt  }
0x79: {  	_ =	shalt  }
0x7a: {  	_ =	shalt  }
0x7b: {  	_ =	shalt  }
0x7c: {  	_ =	shalt  }
0x7d: {  	_ =	shalt  }
0x7e: {  	_ =	shalt  }
0x7f: {  	_ =	shalt  }
0x80: {  	_ =	shalt  }
0x81: {  	_ =	shalt  }
0x82: {  	_ =	shalt  }
0x83: {  	_ =	shalt  }
0x84: {  	_ =	shalt  }
0x85: {  	_ =	shalt  }
0x86: {  	_ =	shalt  }
0x87: {  	_ =	shalt  }
.Lfunc_end0:
.L_simem_size_0:
called_computation_lowered:
.L_overlay_start_0:
0x88: {  	s2 =	sld [smem:$0x3FD9]  }
0x89: {  	s3 =	sld [smem:$0x3FFE];
	_ =	sdelay $0x1  }
0x8a: {  	s1 =	srdreg.scid  }
0x8b: {  	s0 =	sand.u32 $0x1, s1  }
0x8c: {  	s14 =	sshll.u32 s0, $0xA;
	s2 =	sadd.s32 s3, s2  }
0x8d: {  	s2 =	sadd.s32 s2, s14  }
0x8e: {  	[smem:$0x3FB6] =	sst s2  }
0x8f: {  	_ = 	snop  }
0x90: {  	s2 =	sld [smem:$0x3FD0];
	_ =	sdelay $0x2  }
0x91: {  	s15 =	simm.s32 $0xA;
	s4 =	simm.s32 $0x10  }
0x92: {  	[smem:s4], [sflag:s15] =	dma.local [hbm:s2], $0x1  }
0x93: {  	_ =	swait.eq [sflag:s15], $0x1  }
0x94: {  	[sflag:s15] =	ssyncset.done $0x0  }
0x95: {  	s16 =	sld [smem:$0x10];
	[sflag:s15] =	ssyncadd.s32 $0xFFFFFFFF  }
0x96: {  	s17 =	sld [smem:$0x11];
	(tm) =	ssettm $0x1  }
0x97: {  	s18 =	sld [smem:$0x3FFB];
	_ =	sdelay $0x3  }
0x98: {  	_ =	strace s18  }
0x99: {  	s4 =	sld [smem:$0x3FFC];
	_ =	sdelay $0x3  }
0x9a: {  	_ =	strace s4  }
0x9b: {  	s4 =	sld [smem:$0x3FFD];
	_ =	sdelay $0x3  }
0x9c: {  	_ =	strace s4  }
0x9d: {  	_ =	strace $0x8FFFFFFF  }
0x9e: {  	s19 =	sld [smem:$0x3FDB];
	_ =	sdelay $0x1  }
0x9f: {  	s5 =	simm.s32 $_scs_section_size  }
0xa0: {  	s6 =	simm.s32 $_size__tile_overlayer_lowered;
	s7 =	simm.s32 $_tile_overlayer_lowered  }
0xa1: {  	s22 =	simm.s32 $0x1BFF;
	s21 =	sshll.u32 s7, $0x1;
	s4 =	sadd.s32 s5, s19  }
0xa2: {  	s8 =	simm.s32 $0x0;
	s20 =	sshll.u32 s6, $0x1;
	s6 =	sadd.s32 s21, s4  }
0xa3: {  	[timem:s8], [sflag:s22] =	dma.local [hbm:s6], s20  }
0xa4: {  	_ =	swait.ge [sflag:s22], s20  }
0xa5: {  	s5 =	ssub.s32 $0x0, s20;
	[sflag:s22] =	ssyncset.done $0x0  }
0xa6: {  	[sflag:s22] =	ssyncadd.s32 s5;
	_ =	sdelay $0x1  }
0xa7: {  	s23 =	simm.s32 $0x1B8B  }
0xa8: {  	_ =	swait.ge [sflag:s23], $0x1  }
0xa9: {  	[sflag:s23] =	ssyncset.done $0x0  }
0xaa: {  	s25 =	simm.s32 $0x1B8E;
	s24 =	sld [smem:$0x3FFE];
	[sflag:s23] =	ssyncadd.s32 $0xFFFFFFFF  }
0xab: {  	s26 =	simm.s32 $execute0_lowered;
	[smem:$0x3FD2] =	sst s25  }
0xac: {  	s6 =	sshll.u32 s26, $0x1;
	_ =	strace $0x80000046;
	[dreg:$0x1] =	wrdreg $0xFFFFFFFF  }
0xad: {  	s28 =	simm.s32 $_size_execute0_lowered;
	s4 =	sadd.s32 s4, s6;
	[dreg:$0x0] =	wrdreg $0x0  }
0xae: {  	s6 =	sshll.u32 s28, $0x1;
	[dreg:$0x2] =	wrdreg s4  }
0xaf: {  	[dreg:$0x3] =	wrdreg s6  }
0xb0: {  	[dreg:$0x4] =	wrdreg $0xC0  }
0xb1: {  	_ =	task [dreg:s8], $0x5FFFF  }
0xb2: {  	[dreg:$0x1] =	wrdreg $0xFFFFFFFF  }
0xb3: {  	[dreg:$0x0] =	wrdreg $0x60  }
0xb4: {  	[dreg:$0x2] =	wrdreg s24  }
0xb5: {  	[dreg:$0x3] =	wrdreg s17  }
0xb6: {  	[dreg:$0x4] =	wrdreg s16  }
0xb7: {  	[dreg:$0x5] =	wrdreg $0x195000  }
0xb8: {  	[dreg:$0x6] =	wrdreg $0xF7000  }
0xb9: {  	[dreg:$0x7] =	wrdreg $0x9  }
0xba: {  	_ =	task.clear_ibuf [dreg:s8], $0x8FFFF;
	_ =	strace $0x90000046  }
0xbb: {  	s29 =	simm.s32 $0x9;
	_ =	strace $0x80000048  }
0xbc: {  	_ =	swait.ge [sflag:s29], $0x1  }
0xbd: {  	[sflag:s29] =	ssyncadd.s32 $0xFFFFFFFF  }
0xbe: {  	_ =	strace $0x90000048  }
0xbf: {  	_ =	sfence  }
0xc0: {  	s30 =	sld [smem:$0x0];
	_ =	sdelay $0x2  }
0xc1: {  	s31 =	sshll.u32 s1, $0xD;
	s1 =	sshrl.u32 s1, $0x2  }
0xc2: {  	s3 =	sand.u32 $0x4000, s31;
	s1 =	sadd.s32 s1, s30  }
0xc3: {  	s0 =	sor.u32 s3, s0;
	s1 =	sshll.u32 s1, $0x11  }
0xc4: {  	s0 =	sor.u32 s1, s0  }
0xc5: {  	s0 =	sadd.s32 $0x8F2B, s0  }
0xc6: {  	[sflag:s0] =	ssyncadd.remote.s32 $0x1  }
0xc7: {  	_ =	sfence.sel $0xFFFF  }
0xc8: {  	[dreg:$0x0] =	wrdreg $0xFFFFFFFF;
	(pc) =	sbr.abs _section_cstart, $3  }
0xc9: {  	[dreg:$0x1] =	wrdreg $0xFFFFFFFF  }
0xca: {  	_ =	task.clear_ibuf [dreg:s8], $0x2FFFF;
	_ =	strace $0x9FFFFFFF  }
0xcb: {  	(tm) =	ssettm $0x7FFFFFFF  }
tec
execute0_lowered:
.L_overlay_start_1:
0x0: {  	(tag) =	ssettag $0x1  }
0x1: {  	s0 =	rddreg [dreg:$0x0]  }
0x2: {  	s1 =	rddreg [dreg:$0x1]  }
0x3: {  	s4 =	rddreg [dreg:$0x2]  }
0x4: {  	s2 =	rddreg [dreg:$0x3];
	s12 =	stileid.u32  }
0x5: {  	s3 =	rddreg [dreg:$0x4];
	s5 =	smul.u32 $0x9F0, s12  }
0x6: {  	s6 =	srdreg.scid;
	s7 =	smul.u32 $0x9E00, s12  }
0x7: {  	s8 =	simm.s32 $0x0;
	s6 =	sand.u32 $0x1, s6;
	s12 =	smul.u32 $0x27800, s12  }
0x8: {  	[smem:$0x7FF] =	sst s8;
	s11 =	smul.u32 $0x9E000, s6  }
0x9: {  	_ =	strace $0x80000047;
	s9 =	ssub.s32 $0x2, s6;
	s5 =	sadd.s32 s5, s0  }
0xa: {  	s14 =	sshrl.u32 s7, $0x1;
	s15 =	sshrl.u32 s12, $0x2;
	s8 =	sadd.s32 s7, s11  }
0xb: {  	s11 =	sshrl.u32 s9, $0x1;
	s13 =	sadd.s32 $0x1C00, s5;
	s5 =	sadd.s32 $0xBC00, s5  }
0xc: {  	s10 =	sshrl.u32 s8, $0x3;
	s9 =	ssub.s32 s9, s11;
	[dreg:$0x6] =	wrdreg s13  }
0xd: {  	[dreg:$0x7] =	wrdreg s5;
	s8 =	sshrl.u32 s8, $0x4;
	s11 =	sadd.s32 s7, s3  }
0xe: {  	s5 =	sadd.s32 s14, s2;
	s4 =	sadd.s32 s4, s8;
	[dreg:$0x9] =	wrdreg s11  }
0xf: {  	s0 =	sadd.s32 s10, s0;
	s26 =	smax.u32 s9, $0x1;
	[dreg:$0x8] =	wrdreg s4  }
0x10: {  	s10 =	sadd.s32 s15, s3;
	s28 =	sshrl.u32 s5, $0x3;
	[dreg:$0x14] =	wrdreg s26  }
0x11: {  	s16 =	sadd.s32 $0x1000, s10;
	[dreg:$0x15] =	wrdreg s28  }
0x12: {  	s30 =	simm.s32 $0xAF00;
	s17 =	sadd.s32 $0x2000, s10;
	[dreg:$0xa] =	wrdreg s16  }
0x13: {  	s31 =	simm.s32 $0xD700;
	s18 =	sadd.s32 $0x3000, s10;
	[dreg:$0xb] =	wrdreg s17  }
0x14: {  	s29 =	simm.s32 $0xBF00;
	s19 =	sadd.s32 $0x4000, s10;
	[dreg:$0xc] =	wrdreg s18  }
0x15: {  	s22 =	smul.u32 $0x13880, s6;
	s20 =	sadd.s32 $0x5000, s10;
	[dreg:$0xd] =	wrdreg s19  }
0x16: {  	s6 =	simm.s32 $0x5;
	s21 =	sadd.s32 $0x6000, s10;
	[dreg:$0xe] =	wrdreg s20  }
0x17: {  	s12 =	simm.s32 $0x4F80;
	s23 =	sadd.s32 $0x7000, s10;
	[dreg:$0xf] =	wrdreg s21  }
0x18: {  	s7 =	simm.s32 $0x6;
	s24 =	sadd.s32 $0x8000, s10;
	[dreg:$0x10] =	wrdreg s23  }
0x19: {  	s5 =	simm.s32 $0x4;
	s25 =	sadd.s32 $0x9000, s10;
	[dreg:$0x11] =	wrdreg s24  }
0x1a: {  	s9 =	simm.s32 $0x0;
	s0 =	sadd.s32 $0x15C00, s0;
	[dreg:$0x12] =	wrdreg s25  }
0x1b: {  	s4 =	simm.s32 $0x2;
	s18 =	sadd.s32 s1, s22;
	[dreg:$0x13] =	wrdreg s0  }
0x1c: {  	s21 =	simm.s32 $0x7;
	s24 =	simm.s32 $0xE700;
	s25 =	simm.s32 $0x40  }
0x1d: {  	v0 =	vimm.f32 $0.0e+00;
	s0 =	simm.s32 $0xDF00;
	s1 =	simm.s32 $0x1;
	s22 =	simm.s32 $0x3  }
.LBB2_1:
0x1e: {  	[dreg:$0x16] =	wrdreg s9  }
0x1f: {  	s8 =	simm.s32 $0x0;
	s19 =	rddreg [dreg:$0x6]  }
0x20: {  	[tilespmem:s8], [sflag:$0x7] =	stream.linear.gather [hbm4b:s19+s8], $0x4F80, $0x38;
	[tilespmem:$0x1E400] =	vst v63  }
0x21: {  	_ =	swait.ge [sflag:s21], $0x4F80  }
0x22: {  	[sflag:s21] =	ssyncset.done $0x0  }
0x23: {  	s20 =	rddreg [dreg:$0x7];
	[sflag:s21] =	ssyncadd.s32 $0xFFFFB080  }
0x24: {  	[tilespmem:s12], [sflag:$0x7] =	stream.linear.gather [hbm4b:s20+s8], $0x4F80, $0x38;
	[tilespmem:$0x1E400] =	vst v63  }
0x25: {  	s23 =	stileid.u32;
	_ =	swait.ge [sflag:s21], $0x4F80  }
0x26: {  	s8 =	sshll.u32 s23, $0x6;
	s26 =	rddreg [dreg:$0x8]  }
0x27: {  	s10 =	sor.u32 $0x1C07, s8;
	[sflag:s21] =	ssyncset.done $0x0;
	s28 =	rddreg [dreg:$0x15]  }
0x28: {  	[dreg:$0x17] =	wrdreg s10;
	[sflag:s21] =	ssyncadd.s32 $0xFFFFB080  }
0x29: {  	[spmem:s28], [sflag:s10] =	dma.local [hbm:s26], $0x9E0  }
0x2a: {  	_ =	swait.ge [sflag:s21], $0x9E0  }
0x2b: {  	[sflag:s21] =	ssyncset.done $0x0  }
0x2c: {  	s9 =	simm.s32 $0x100;
	s8 =	simm.s32 $0x0;
	[sflag:s21] =	ssyncadd.s32 $0xFFFFF620  }
.LBB2_2:
0x2d: {  	p0 =	sne.s32 s9, $0x3F00;
	[tilespmem:s8+$0xE730] =	vst v0;
	s10 =	smov.u32 s9;
	s9 =	sadd.s32 $0x100, s9  }
.Ltmp0:
0x2e: {  	[tilespmem:s8+$0xE720] =	vst v0;
	(pc) =	sbr.rel @p0 .LBB2_2-.Ltmp0, $3  }
0x2f: {  	[tilespmem:s8+$0xE700] =	vst v0  }
0x30: {  	[tilespmem:s8+$0xE710] =	vst v0;
	_ =	sdelay $0x1  }
0x31: {  	s8 =	sshra.s32 s10, $0x2  }
0x32: {  	[tilespmem:s8+$0xE730] =	vst v0  }
0x33: {  	[tilespmem:s8+$0xE720] =	vst v0  }
0x34: {  	[tilespmem:s8+$0xE700] =	vst v0  }
0x35: {  	[tilespmem:s8+$0xE710] =	vst v0  }
0x36: {  	[spmem:s11] =	stream.linear.scatter [tilespmem:s24], [sflag:$0x7], $0x1000, $0x38;
	[tilespmem:$0x1E400] =	vst v63  }
0x37: {  	_ =	swait.ge [sflag:s21], $0x1000  }
0x38: {  	[sflag:s21] =	ssyncset.done $0x0  }
0x39: {  	s28 =	rddreg [dreg:$0xa];
	[sflag:s21] =	ssyncadd.s32 $0xFFFFF000  }
0x3a: {  	[spmem:s28] =	stream.linear.scatter [tilespmem:s24], [sflag:$0x7], $0x1000, $0x38;
	[tilespmem:$0x1E400] =	vst v63  }
0x3b: {  	_ =	swait.ge [sflag:s21], $0x1000  }
0x3c: {  	[sflag:s21] =	ssyncset.done $0x0  }
0x3d: {  	s9 =	rddreg [dreg:$0xb];
	[sflag:s21] =	ssyncadd.s32 $0xFFFFF000  }
0x3e: {  	[spmem:s9] =	stream.linear.scatter [tilespmem:s24], [sflag:$0x7], $0x1000, $0x38;
	[tilespmem:$0x1E400] =	vst v63  }
0x3f: {  	_ =	swait.ge [sflag:s21], $0x1000  }
0x40: {  	[sflag:s21] =	ssyncset.done $0x0  }
0x41: {  	s10 =	rddreg [dreg:$0xc];
	[sflag:s21] =	ssyncadd.s32 $0xFFFFF000  }
0x42: {  	[spmem:s10] =	stream.linear.scatter [tilespmem:s24], [sflag:$0x7], $0x1000, $0x38;
	[tilespmem:$0x1E400] =	vst v63  }
0x43: {  	_ =	swait.ge [sflag:s21], $0x1000  }
0x44: {  	[sflag:s21] =	ssyncset.done $0x0  }
0x45: {  	s11 =	rddreg [dreg:$0xd];
	[sflag:s21] =	ssyncadd.s32 $0xFFFFF000  }
0x46: {  	[spmem:s11] =	stream.linear.scatter [tilespmem:s24], [sflag:$0x7], $0x1000, $0x38;
	[tilespmem:$0x1E400] =	vst v63  }
0x47: {  	_ =	swait.ge [sflag:s21], $0x1000  }
0x48: {  	[sflag:s21] =	ssyncset.done $0x0  }
0x49: {  	s13 =	rddreg [dreg:$0xe];
	[sflag:s21] =	ssyncadd.s32 $0xFFFFF000  }
0x4a: {  	[spmem:s13] =	stream.linear.scatter [tilespmem:s24], [sflag:$0x7], $0x1000, $0x38;
	[tilespmem:$0x1E400] =	vst v63  }
0x4b: {  	_ =	swait.ge [sflag:s21], $0x1000  }
0x4c: {  	[sflag:s21] =	ssyncset.done $0x0  }
0x4d: {  	s14 =	rddreg [dreg:$0xf];
	[sflag:s21] =	ssyncadd.s32 $0xFFFFF000  }
0x4e: {  	[spmem:s14] =	stream.linear.scatter [tilespmem:s24], [sflag:$0x7], $0x1000, $0x38;
	[tilespmem:$0x1E400] =	vst v63  }
0x4f: {  	_ =	swait.ge [sflag:s21], $0x1000  }
0x50: {  	[sflag:s21] =	ssyncset.done $0x0  }
0x51: {  	s15 =	rddreg [dreg:$0x10];
	[sflag:s21] =	ssyncadd.s32 $0xFFFFF000  }
0x52: {  	[spmem:s15] =	stream.linear.scatter [tilespmem:s24], [sflag:$0x7], $0x1000, $0x38;
	[tilespmem:$0x1E400] =	vst v63  }
0x53: {  	_ =	swait.ge [sflag:s21], $0x1000  }
0x54: {  	[sflag:s21] =	ssyncset.done $0x0  }
0x55: {  	s16 =	rddreg [dreg:$0x11];
	[sflag:s21] =	ssyncadd.s32 $0xFFFFF000  }
0x56: {  	[spmem:s16] =	stream.linear.scatter [tilespmem:s24], [sflag:$0x7], $0x1000, $0x38;
	[tilespmem:$0x1E400] =	vst v63  }
0x57: {  	_ =	swait.ge [sflag:s21], $0x1000  }
0x58: {  	[sflag:s21] =	ssyncset.done $0x0  }
0x59: {  	s17 =	rddreg [dreg:$0x12];
	[sflag:s21] =	ssyncadd.s32 $0xFFFFF000  }
0x5a: {  	[spmem:s17] =	stream.linear.scatter [tilespmem:s24], [sflag:$0x7], $0xE00, $0x38;
	[tilespmem:$0x1E400] =	vst v63  }
0x5b: {  	_ =	swait.ge [sflag:s21], $0xE00  }
0x5c: {  	[sflag:s21] =	ssyncset.done $0x0  }
0x5d: {  	[sflag:s21] =	ssyncadd.s32 $0xFFFFF200  }
0x5e: {  	s19 =	simm.s32 $0x9F00;
	[bflag:$0x0] =	sbarrier.arrive $0xFFFF  }
0x5f: {  	[tilespmem:s19], [sflag:$0x1] =	stream.indirect.gather [hbm4b:s18+s25], $0x40, s12, s25, $0xb8;
	[tilespmem:$0x1E400] =	vst v63  }
0x60: {  	s20 =	simm.s32 $0xCF00;
	s11 =	simm.s32 $0x0  }
0x61: {  	[tilespmem:s20], [sflag:$0x2] =	stream.indirect.gather [spmem:s2], $0x20, s11, s25, $0xb8;
	[tilespmem:$0x1E400] =	vst v63  }
0x62: {  	s23 =	simm.s32 $0x4FC0  }
0x63: {  	[tilespmem:s30], [sflag:$0x3] =	stream.indirect.gather [hbm4b:s18+s25], $0x40, s23, s25, $0xb8;
	[tilespmem:$0x1E400] =	vst v63  }
0x64: {  	_ = 	snop  }
0x65: {  	[tilespmem:s31], [sflag:$0x4] =	stream.indirect.gather [spmem:s2], $0x20, s25, s25, $0xb8;
	[tilespmem:$0x1E400] =	vst v63  }
0x66: {  	s26 =	simm.s32 $0x5000  }
0x67: {  	[tilespmem:s29], [sflag:$0x5] =	stream.indirect.gather [hbm4b:s18+s25], $0x40, s26, s25, $0xb8;
	[tilespmem:$0x1E400] =	vst v63  }
0x68: {  	s28 =	simm.s32 $0x80  }
0x69: {  	[tilespmem:s0], [sflag:$0x6] =	stream.indirect.gather [spmem:s2], $0x20, s28, s25, $0xb8;
	[tilespmem:$0x1E400] =	vst v63  }
.LBB2_4:
0x6a: {  	_ =	swait.ge [sflag:s1], $0x1000  }
0x6b: {  	[sflag:s1] =	ssyncset.done $0x0  }
0x6c: {  	[sflag:s1] =	ssyncadd.s32 $0xFFFFF000  }
0x6d: {  	_ =	swait.ge [sflag:s4], $0x800  }
0x6e: {  	[sflag:s4] =	ssyncset.done $0x0  }
0x6f: {  	s16 =	simm.s32 $0xCF10;
	[sflag:s4] =	ssyncadd.s32 $0xFFFFF800  }
0x70: {  	s12 =	simm.s32 $0x0;
	v1 =	vld [tilespmem:s16+$0xFFFFFFF0]  }
0x71: {  	v2 =	vld [tilespmem:s12+$0x9F00];
	_ =	sdelay $0x4  }
0x72: {  	v3 =	vunpack.i.l.bf16.f32 v1;
	v4 =	vunpack.i.l.bf16.f32 v2  }
0x73: {  	v3 =	vadd.f32 v4, v3;
	_ =	sdelay $0x1  }
0x74: {  	v1 =	vunpack.i.u.bf16.f32 v1;
	v2 =	vunpack.i.u.bf16.f32 v2;
	v3 =	vsub.f32 $0.0e+00, v3  }
0x75: {  	v1 =	vadd.f32 v2, v1  }
0x76: {  	v2 =	vmul.f32 $1.442695020e+00, v3  }
0x77: {  	v1 =	vsub.f32 $0.0e+00, v1  }
0x78: {  	s13 =	simm.s32 $0x40;
	(erf) = vpow2.f32 v2  }
0x79: {  	s10 =	simm.s32 $0xCF30;
	v1 =	vmul.f32 $1.442695020e+00, v1;
	v2 =	vld [tilespmem:s13+$0x9F00]  }
0x7a: {  	v3 =	vld [tilespmem:s10+$0xFFFFFFF0]  }
0x7b: {  	(erf) = vpow2.f32 v1;
	_ =	sdelay $0x2  }
0x7c: {  	v4 =	vunpack.i.l.bf16.f32 v2  }
0x7d: {  	v1 =	vunpack.i.l.bf16.f32 v3  }
0x7e: {  	v3 =	vunpack.i.u.bf16.f32 v3;
	v2 =	vunpack.i.u.bf16.f32 v2;
	v1 =	vadd.f32 v4, v1  }
0x7f: {  	v2 =	vadd.f32 v2, v3;
	v4 =	vpop (erf)  }
0x80: {  	v1 =	vsub.f32 $0.0e+00, v1;
	v3 =	vadd.f32 $1.000000000e+00, v4;
	_ =	sdelay $0x1  }
0x81: {  	v1 =	vmul.f32 $1.442695020e+00, v1;
	v4 =	vpop (erf);
	(erf) = vrcp.f32 v3  }
0x82: {  	s14 =	simm.s32 $0x80;
	v2 =	vsub.f32 $0.0e+00, v2;
	v4 =	vadd.f32 $1.000000000e+00, v4  }
0x83: {  	s8 =	simm.s32 $0xCF50;
	v3 =	vld [tilespmem:s14+$0x9F00];
	(erf) = vpow2.f32 v1  }
0x84: {  	v2 =	vmul.f32 $1.442695020e+00, v2;
	v1 =	vld [tilespmem:s8+$0xFFFFFFF0];
	(erf) = vrcp.f32 v4  }
0x85: {  	v4 =	vld [tilespmem:s12+$0x9F20]  }
0x86: {  	(erf) = vpow2.f32 v2;
	_ =	sdelay $0x2  }
0x87: {  	v5 =	vunpack.i.l.bf16.f32 v3;
	v2 =	vunpack.i.l.bf16.f32 v1  }
0x88: {  	v2 =	vadd.f32 v5, v2;
	v5 =	vunpack.i.l.bf16.f32 v4;
	v6 =	vpop (erf)  }
0x89: {  	v5 =	vmul.f32 v6, v5  }
0x8a: {  	v3 =	vunpack.i.u.bf16.f32 v3;
	v7 =	vpop (erf)  }
0x8b: {  	s9 =	simm.s32 $0xCF70;
	v1 =	vunpack.i.u.bf16.f32 v1;
	v4 =	vunpack.i.u.bf16.f32 v4;
	v2 =	vsub.f32 $0.0e+00, v2;
	v6 =	vpop (erf)  }
0x8c: {  	v1 =	vadd.f32 v3, v1;
	v3 =	vadd.f32 $1.000000000e+00, v7;
	v7 =	vld [tilespmem:s9+$0xFFFFFFF0];
	v4 =	vmul.f32 v6, v4  }
0x8d: {  	s15 =	simm.s32 $0xC0;
	v2 =	vmul.f32 $1.442695020e+00, v2;
	[tilespmem:s12+$0xE700] =	vst v5;
	v6 =	vld [tilespmem:s12+$0x9F10];
	v5 =	vpop (erf)  }
0x8e: {  	v1 =	vsub.f32 $0.0e+00, v1;
	(erf) = vrcp.f32 v3;
	v3 =	vld [tilespmem:s15+$0x9F00];
	[tilespmem:s12+$0xE710] =	vst v4;
	v5 =	vadd.f32 $1.000000000e+00, v5  }
0x8f: {  	(erf) = vpow2.f32 v2;
	v2 =	vld [tilespmem:s16+$0x0]  }
0x90: {  	v1 =	vmul.f32 $1.442695020e+00, v1;
	(erf) = vrcp.f32 v5;
	_ =	sdelay $0x1  }
0x91: {  	(erf) = vpow2.f32 v1  }
0x92: {  	v4 =	vld [tilespmem:s13+$0x9F20];
	v8 =	vunpack.i.l.bf16.f32 v7  }
0x93: {  	v5 =	vunpack.i.u.bf16.f32 v6;
	v9 =	vunpack.i.l.bf16.f32 v3;
	v1 =	vunpack.i.u.bf16.f32 v2  }
0x94: {  	v1 =	vadd.f32 v5, v1;
	v5 =	vunpack.i.l.bf16.f32 v6;
	v6 =	vadd.f32 v9, v8;
	_ =	sdelay $0x1  }
0x95: {  	v7 =	vunpack.i.u.bf16.f32 v7;
	v9 =	vpop (erf);
	v1 =	vsub.f32 $0.0e+00, v1;
	v6 =	vsub.f32 $0.0e+00, v6  }
0x96: {  	v3 =	vunpack.i.u.bf16.f32 v3;
	v8 =	vunpack.i.u.bf16.f32 v4;
	v4 =	vunpack.i.l.bf16.f32 v4;
	v10 =	vpop (erf)  }
0x97: {  	v3 =	vadd.f32 v3, v7;
	v4 =	vmul.f32 v9, v4;
	v1 =	vmul.f32 $1.442695020e+00, v1;
	v9 =	vpop (erf)  }
0x98: {  	v2 =	vunpack.i.l.bf16.f32 v2;
	v7 =	vadd.f32 $1.000000000e+00, v10;
	v8 =	vmul.f32 v9, v8  }
0x99: {  	s16 =	simm.s32 $0x100;
	v2 =	vadd.f32 v5, v2;
	[tilespmem:s13+$0xE700] =	vst v4;
	v4 =	vmul.f32 $1.442695020e+00, v6;
	v6 =	vpop (erf);
	v9 =	vld [tilespmem:s13+$0x9F10];
	(erf) = vpow2.f32 v1  }
0x9a: {  	v3 =	vsub.f32 $0.0e+00, v3;
	v5 =	vadd.f32 $1.000000000e+00, v6;
	(erf) = vrcp.f32 v7;
	v6 =	vld [tilespmem:s16+$0x9F00];
	[tilespmem:s13+$0xE710] =	vst v8  }
0x9b: {  	v2 =	vsub.f32 $0.0e+00, v2;
	(erf) = vpow2.f32 v4;
	v4 =	vld [tilespmem:s10+$0x0]  }
0x9c: {  	s19 =	simm.s32 $0xCF90;
	v3 =	vmul.f32 $1.442695020e+00, v3  }
0x9d: {  	v2 =	vmul.f32 $1.442695020e+00, v2;
	v1 =	vld [tilespmem:s19+$0xFFFFFFF0];
	(erf) = vrcp.f32 v5  }
0x9e: {  	(erf) = vpow2.f32 v3  }
0x9f: {  	(erf) = vpow2.f32 v2;
	v2 =	vunpack.i.l.bf16.f32 v9  }
0xa0: {  	v5 =	vld [tilespmem:s14+$0x9F20];
	v7 =	vunpack.i.u.bf16.f32 v9;
	v9 =	vunpack.i.l.bf16.f32 v6;
	v3 =	vunpack.i.u.bf16.f32 v4  }
0xa1: {  	v3 =	vadd.f32 v7, v3  }
0xa2: {  	v8 =	vunpack.i.l.bf16.f32 v1;
	v1 =	vunpack.i.u.bf16.f32 v1  }
0xa3: {  	v6 =	vunpack.i.u.bf16.f32 v6;
	v7 =	vadd.f32 v9, v8;
	v9 =	vpop (erf);
	v3 =	vsub.f32 $0.0e+00, v3  }
0xa4: {  	v1 =	vadd.f32 v6, v1;
	v10 =	vpop (erf);
	v9 =	vadd.f32 $1.000000000e+00, v9  }
0xa5: {  	v8 =	vunpack.i.u.bf16.f32 v5;
	v11 =	vpop (erf);
	v7 =	vsub.f32 $0.0e+00, v7;
	v3 =	vmul.f32 $1.442695020e+00, v3  }
0xa6: {  	v5 =	vunpack.i.l.bf16.f32 v5;
	(erf) = vrcp.f32 v9;
	v6 =	vadd.f32 $1.000000000e+00, v11  }
0xa7: {  	v5 =	vmul.f32 v10, v5;
	v10 =	vpop (erf);
	(erf) = vpow2.f32 v3  }
0xa8: {  	v4 =	vunpack.i.l.bf16.f32 v4;
	v9 =	vld [tilespmem:s12+$0x9F30];
	v8 =	vmul.f32 v10, v8  }
0xa9: {  	s20 =	simm.s32 $0xCFB0;
	v2 =	vadd.f32 v2, v4;
	[tilespmem:s14+$0xE700] =	vst v5;
	v5 =	vmul.f32 $1.442695020e+00, v7;
	v10 =	vld [tilespmem:s14+$0x9F10];
	v7 =	vpop (erf)  }
0xaa: {  	v1 =	vsub.f32 $0.0e+00, v1;
	v3 =	vld [tilespmem:s20+$0xFFFFFFF0];
	[tilespmem:s14+$0xE710] =	vst v8;
	v4 =	vadd.f32 $1.000000000e+00, v7;
	(erf) = vrcp.f32 v6;
	v6 =	vpop (erf)  }
0xab: {  	s17 =	simm.s32 $0x140;
	v2 =	vsub.f32 $0.0e+00, v2;
	(erf) = vpow2.f32 v5;
	v5 =	vld [tilespmem:s8+$0x0];
	v6 =	vadd.f32 $1.000000000e+00, v6  }
0xac: {  	v1 =	vmul.f32 $1.442695020e+00, v1;
	v7 =	vld [tilespmem:s17+$0x9F00];
	(erf) = vrcp.f32 v4  }
0xad: {  	v2 =	vmul.f32 $1.442695020e+00, v2;
	(erf) = vrcp.f32 v6  }
0xae: {  	v4 =	vld [tilespmem:s15+$0x9F20];
	(erf) = vpow2.f32 v1;
	v1 =	vunpack.i.l.bf16.f32 v10  }
0xaf: {  	v6 =	vunpack.i.l.bf16.f32 v3;
	(erf) = vpow2.f32 v2;
	v2 =	vunpack.i.u.bf16.f32 v9;
	v11 =	vpop (erf)  }
0xb0: {  	v10 =	vunpack.i.u.bf16.f32 v10;
	v8 =	vunpack.i.u.bf16.f32 v5;
	v2 =	vmul.f32 v11, v2;
	v11 =	vpop (erf)  }
0xb1: {  	v12 =	vunpack.i.l.bf16.f32 v7;
	v8 =	vadd.f32 v10, v8;
	v11 =	vadd.f32 $1.000000000e+00, v11  }
0xb2: {  	v3 =	vunpack.i.u.bf16.f32 v3;
	v6 =	vadd.f32 v12, v6  }
0xb3: {  	v10 =	vunpack.i.u.bf16.f32 v4;
	v4 =	vunpack.i.l.bf16.f32 v4;
	v60 =	vpop (erf);
	v8 =	vsub.f32 $0.0e+00, v8  }
0xb4: {  	v7 =	vunpack.i.u.bf16.f32 v7;
	v6 =	vsub.f32 $0.0e+00, v6;
	v4 =	vmul.f32 v60, v4;
	v61 =	vpop (erf)  }
0xb5: {  	v5 =	vunpack.i.l.bf16.f32 v5;
	(erf) = vrcp.f32 v11;
	v8 =	vmul.f32 $1.442695020e+00, v8;
	v11 =	vpop (erf)  }
0xb6: {  	v3 =	vadd.f32 v7, v3;
	v6 =	vmul.f32 $1.442695020e+00, v6;
	v7 =	vadd.f32 $1.000000000e+00, v61;
	v62 =	vpop (erf)  }
0xb7: {  	[tilespmem:s15+$0xE700] =	vst v4;
	v4 =	vld [tilespmem:s15+$0x9F10];
	(erf) = vpow2.f32 v8;
	v10 =	vmul.f32 v11, v10;
	v13 =	vpop (erf)  }
0xb8: {  	s23 =	simm.s32 $0xCFD0;
	v1 =	vadd.f32 v1, v5;
	v11 =	vld [tilespmem:s13+$0x9F30];
	(erf) = vrcp.f32 v7;
	v8 =	vadd.f32 $1.000000000e+00, v13;
	v5 =	vpop (erf)  }
0xb9: {  	v3 =	vsub.f32 $0.0e+00, v3;
	(erf) = vpow2.f32 v6;
	[tilespmem:s15+$0xE710] =	vst v10;
	v6 =	vadd.f32 $1.000000000e+00, v5;
	v5 =	vld [tilespmem:s23+$0xFFFFFFF0]  }
0xba: {  	s8 =	simm.s32 $0x180;
	v1 =	vsub.f32 $0.0e+00, v1;
	(erf) = vrcp.f32 v8;
	v8 =	vld [tilespmem:s9+$0x0]  }
0xbb: {  	v3 =	vmul.f32 $1.442695020e+00, v3;
	v7 =	vld [tilespmem:s8+$0x9F00]  }
0xbc: {  	v63 =	vmul.f32 $1.442695020e+00, v1;
	v10 =	vunpack.i.l.bf16.f32 v9;
	v9 =	vld [tilespmem:s16+$0x9F20];
	(erf) = vrcp.f32 v6  }
0xbd: {  	[tilespmem:s12+$0xE730] =	vst v2;
	v2 =	vmul.f32 v62, v10;
	v1 =	vunpack.i.l.bf16.f32 v11;
	(erf) = vpow2.f32 v3  }
0xbe: {  	s10 =	simm.s32 $0xCFD0;
	s9 =	simm.s32 $0x700;
	v6 =	vunpack.i.l.bf16.f32 v4;
	v3 =	vunpack.i.u.bf16.f32 v11;
	(erf) = vpow2.f32 v63  }
.LBB2_5:
0xbf: {  	p0 =	sne.s32 s9, $0x3F00;
	v10 =	vunpack.i.l.bf16.f32 v5;
	v13 =	vunpack.i.u.bf16.f32 v8;
	v4 =	vunpack.i.u.bf16.f32 v4;
	v12 =	vpop (erf);
	[tilespmem:s12+$0xE720] =	vst v2;
	s12 =	smov.u32 s13;
	s13 =	smov.u32 s14  }
0xc0: {  	s14 =	smov.u32 s15;
	s15 =	smov.u32 s16;
	s16 =	smov.u32 s17;
	v2 =	vunpack.i.l.bf16.f32 v7;
	v4 =	vadd.f32 v4, v13;
	v3 =	vmul.f32 v12, v3  }
0xc1: {  	v8 =	vunpack.i.l.bf16.f32 v8;
	s17 =	smov.u32 s8;
	v2 =	vadd.f32 v2, v10;
	v10 =	vunpack.i.u.bf16.f32 v9;
	v11 =	vpop (erf)  }
0xc2: {  	v9 =	vunpack.i.l.bf16.f32 v9;
	v12 =	vpop (erf);
	v4 =	vsub.f32 $0.0e+00, v4;
	v11 =	vadd.f32 $1.000000000e+00, v11;
	[tilespmem:s12+$0xE730] =	vst v3  }
0xc3: {  	v3 =	vunpack.i.u.bf16.f32 v5;
	v5 =	vunpack.i.u.bf16.f32 v7;
	v7 =	vpop (erf);
	v9 =	vmul.f32 v12, v9  }
0xc4: {  	v2 =	vsub.f32 $0.0e+00, v2;
	v12 =	vpop (erf);
	v13 =	vmul.f32 $1.442695020e+00, v4;
	(erf) = vrcp.f32 v11  }
0xc5: {  	v3 =	vadd.f32 v5, v3;
	v15 =	vadd.f32 $1.000000000e+00, v7;
	v10 =	vmul.f32 v12, v10;
	v11 =	vld [tilespmem:s13+$0x9F30];
	v12 =	vpop (erf)  }
0xc6: {  	s23 =	sadd.s32 $0x20, s23;
	v6 =	vadd.f32 v6, v8;
	v2 =	vmul.f32 $1.442695020e+00, v2;
	v14 =	vpop (erf);
	[tilespmem:s15+$0xE700] =	vst v9;
	v4 =	vld [tilespmem:s15+$0x9F10];
	(erf) = vpow2.f32 v13  }
0xc7: {  	v3 =	vsub.f32 $0.0e+00, v3;
	v5 =	vld [tilespmem:s23+$0xFFFFFFF0];
	v9 =	vadd.f32 $1.000000000e+00, v14;
	(erf) = vrcp.f32 v15;
	[tilespmem:s15+$0xE710] =	vst v10;
	v7 =	vpop (erf)  }
.Ltmp1:
0xc8: {  	s8 =	sshra.s32 s9, $0x2;
	(erf) = vpow2.f32 v2;
	v8 =	vld [tilespmem:s19+$0x0];
	v2 =	vsub.f32 $0.0e+00, v6;
	v6 =	vadd.f32 $1.000000000e+00, v7;
	s19 =	smov.u32 s20;
	(pc) =	sbr.rel @p0 .LBB2_5-.Ltmp1, $4  }
0xc9: {  	v3 =	vmul.f32 $1.442695020e+00, v3;
	s20 =	smov.u32 s10;
	s10 =	smov.u32 s23;
	v7 =	vld [tilespmem:s8+$0x9F00];
	(erf) = vrcp.f32 v9  }
0xca: {  	v9 =	vld [tilespmem:s16+$0x9F20];
	v10 =	vmul.f32 $1.442695020e+00, v2;
	v13 =	vunpack.i.l.bf16.f32 v11;
	(erf) = vrcp.f32 v6  }
0xcb: {  	v2 =	vmul.f32 v12, v1;
	(erf) = vpow2.f32 v3;
	v6 =	vunpack.i.l.bf16.f32 v4;
	v1 =	vmovc v13  }
0xcc: {  	s9 =	sadd.s32 $0x100, s9;
	v3 =	vunpack.i.u.bf16.f32 v11;
	(erf) = vpow2.f32 v10  }
0xcd: {  	_ = 	snop  }
0xce: {  	v10 =	vunpack.i.u.bf16.f32 v8;
	v11 =	vunpack.i.u.bf16.f32 v4;
	v12 =	vunpack.i.l.bf16.f32 v5;
	v4 =	vpop (erf)  }
0xcf: {  	v5 =	vunpack.i.u.bf16.f32 v5;
	v13 =	vunpack.i.l.bf16.f32 v7;
	v10 =	vadd.f32 v11, v10;
	v40 =	vpop (erf)  }
0xd0: {  	v7 =	vunpack.i.u.bf16.f32 v7;
	v11 =	vadd.f32 v13, v12;
	v39 =	vunpack.i.u.bf16.f32 v9;
	v14 =	vpop (erf)  }
0xd1: {  	v9 =	vunpack.i.l.bf16.f32 v9;
	v5 =	vadd.f32 v7, v5;
	v10 =	vsub.f32 $0.0e+00, v10;
	v15 =	vpop (erf)  }
0xd2: {  	v13 =	vadd.f32 $1.000000000e+00, v40;
	v9 =	vmul.f32 v14, v9;
	v41 =	vpop (erf);
	v7 =	vadd.f32 $1.000000000e+00, v15  }
0xd3: {  	v11 =	vsub.f32 $0.0e+00, v11;
	v10 =	vmul.f32 $1.442695020e+00, v10;
	v12 =	vmul.f32 v41, v39  }
0xd4: {  	v8 =	vunpack.i.l.bf16.f32 v8;
	(erf) = vrcp.f32 v13;
	v42 =	vpop (erf);
	[tilespmem:s16+$0xE700] =	vst v9  }
0xd5: {  	v6 =	vadd.f32 v6, v8;
	v8 =	vld [tilespmem:s16+$0x9F10];
	v11 =	vmul.f32 $1.442695020e+00, v11;
	v43 =	vpop (erf);
	(erf) = vpow2.f32 v10;
	[tilespmem:s16+$0xE710] =	vst v12  }
0xd6: {  	v5 =	vsub.f32 $0.0e+00, v5;
	v9 =	vadd.f32 $1.000000000e+00, v43;
	(erf) = vrcp.f32 v7;
	v7 =	vpop (erf);
	v10 =	vld [tilespmem:s19+$0x0]  }
0xd7: {  	v6 =	vsub.f32 $0.0e+00, v6;
	(erf) = vpow2.f32 v11;
	v7 =	vadd.f32 $1.000000000e+00, v7  }
0xd8: {  	v5 =	vmul.f32 $1.442695020e+00, v5;
	(erf) = vrcp.f32 v9  }
0xd9: {  	v6 =	vmul.f32 $1.442695020e+00, v6;
	(erf) = vrcp.f32 v7  }
0xda: {  	(erf) = vpow2.f32 v5  }
0xdb: {  	v7 =	vunpack.i.u.bf16.f32 v8;
	(erf) = vpow2.f32 v6;
	v6 =	vunpack.i.u.bf16.f32 v10  }
0xdc: {  	v5 =	vld [tilespmem:s17+$0x9F20];
	v6 =	vadd.f32 v7, v6  }
0xdd: {  	v9 =	vpop (erf)  }
0xde: {  	v7 =	vpop (erf);
	v6 =	vsub.f32 $0.0e+00, v6  }
0xdf: {  	v8 =	vunpack.i.l.bf16.f32 v8;
	v10 =	vunpack.i.l.bf16.f32 v10;
	v11 =	vpop (erf)  }
0xe0: {  	v8 =	vadd.f32 v8, v10;
	v45 =	vpop (erf);
	v6 =	vmul.f32 $1.442695020e+00, v6  }
0xe1: {  	v7 =	vadd.f32 $1.000000000e+00, v7;
	v44 =	vunpack.i.u.bf16.f32 v5;
	v5 =	vunpack.i.l.bf16.f32 v5;
	v46 =	vpop (erf)  }
0xe2: {  	v5 =	vmul.f32 v11, v5;
	v11 =	vpop (erf)  }
0xe3: {  	v8 =	vsub.f32 $0.0e+00, v8;
	(erf) = vrcp.f32 v7;
	v7 =	vadd.f32 $1.000000000e+00, v45;
	v47 =	vpop (erf)  }
0xe4: {  	v10 =	vmul.f32 v46, v44;
	[tilespmem:s17+$0xE700] =	vst v5;
	(erf) = vpow2.f32 v6;
	v5 =	vadd.f32 $1.000000000e+00, v47;
	v6 =	vpop (erf)  }
0xe5: {  	v48 =	vld [tilespmem:s17+$0x9F10];
	(erf) = vrcp.f32 v7;
	v6 =	vadd.f32 $1.000000000e+00, v6  }
0xe6: {  	[tilespmem:s17+$0xE710] =	vst v10;
	(erf) = vrcp.f32 v5;
	v5 =	vmul.f32 $1.442695020e+00, v8  }
0xe7: {  	v7 =	vld [tilespmem:s20+$0x0];
	(erf) = vrcp.f32 v6  }
0xe8: {  	(erf) = vpow2.f32 v5;
	_ =	sdelay $0x1  }
0xe9: {  	v8 =	vunpack.i.u.bf16.f32 v48;
	v5 =	vld [tilespmem:s8+$0x9F20];
	_ =	sdelay $0x1  }
0xea: {  	v6 =	vunpack.i.u.bf16.f32 v7;
	v10 =	vpop (erf)  }
0xeb: {  	v6 =	vadd.f32 v8, v6;
	v8 =	vpop (erf)  }
0xec: {  	v12 =	vunpack.i.l.bf16.f32 v48;
	v7 =	vunpack.i.l.bf16.f32 v7;
	v50 =	vpop (erf)  }
0xed: {  	v7 =	vadd.f32 v12, v7;
	v6 =	vsub.f32 $0.0e+00, v6;
	v49 =	vunpack.i.l.bf16.f32 v5;
	v51 =	vpop (erf)  }
0xee: {  	v8 =	vadd.f32 $1.000000000e+00, v8;
	v5 =	vunpack.i.u.bf16.f32 v5;
	v14 =	vmul.f32 v50, v49;
	v52 =	vpop (erf)  }
0xef: {  	v7 =	vsub.f32 $0.0e+00, v7;
	v6 =	vmul.f32 $1.442695020e+00, v6;
	v5 =	vmul.f32 v51, v5;
	v53 =	vpop (erf)  }
0xf0: {  	(erf) = vrcp.f32 v8;
	[tilespmem:s8+$0xE700] =	vst v14;
	v14 =	vadd.f32 $1.000000000e+00, v53  }
0xf1: {  	v8 =	vld [tilespmem:s8+$0x9F10];
	(erf) = vpow2.f32 v6;
	[tilespmem:s8+$0xE710] =	vst v5;
	v5 =	vmul.f32 $1.442695020e+00, v7  }
0xf2: {  	v6 =	vld [tilespmem:s10+$0x0];
	(erf) = vrcp.f32 v14  }
0xf3: {  	(erf) = vpow2.f32 v5;
	_ =	sdelay $0x3  }
0xf4: {  	v7 =	vunpack.i.u.bf16.f32 v8;
	v5 =	vunpack.i.u.bf16.f32 v6  }
0xf5: {  	v5 =	vadd.f32 v7, v5  }
0xf6: {  	v6 =	vunpack.i.l.bf16.f32 v6;
	v7 =	vunpack.i.l.bf16.f32 v8;
	v8 =	vpop (erf)  }
0xf7: {  	v54 =	vpop (erf);
	v6 =	vadd.f32 v7, v6;
	v5 =	vsub.f32 $0.0e+00, v5  }
0xf8: {  	v7 =	vadd.f32 $1.000000000e+00, v54;
	v55 =	vpop (erf)  }
0xf9: {  	v6 =	vsub.f32 $0.0e+00, v6;
	v5 =	vmul.f32 $1.442695020e+00, v5;
	v56 =	vpop (erf)  }
0xfa: {  	(erf) = vrcp.f32 v7;
	v7 =	vadd.f32 $1.000000000e+00, v56  }
0xfb: {  	(erf) = vpow2.f32 v5;
	v5 =	vmul.f32 $1.442695020e+00, v6  }
0xfc: {  	(erf) = vrcp.f32 v7  }
0xfd: {  	(erf) = vpow2.f32 v5;
	_ =	sdelay $0x5  }
0xfe: {  	v5 =	vpop (erf)  }
0xff: {  	v6 =	vld [tilespmem:s14+$0x9F30];
	v7 =	vpop (erf)  }
0x100: {  	v57 =	vpop (erf)  }
0x101: {  	v16 =	vld [tilespmem:s15+$0x9F30];
	v7 =	vadd.f32 $1.000000000e+00, v7;
	v17 =	vpop (erf)  }
0x102: {  	v17 =	vadd.f32 $1.000000000e+00, v17  }
0x103: {  	v3 =	vmul.f32 v4, v3;
	v4 =	vld [tilespmem:s16+$0x9F30];
	(erf) = vrcp.f32 v7  }
0x104: {  	[tilespmem:s12+$0xE720] =	vst v2;
	v1 =	vmul.f32 v42, v1;
	v2 =	vunpack.i.u.bf16.f32 v6;
	(erf) = vrcp.f32 v17  }
0x105: {  	[tilespmem:s13+$0xE730] =	vst v3;
	v3 =	vunpack.i.l.bf16.f32 v6;
	v6 =	vld [tilespmem:s17+$0x9F30];
	v2 =	vmul.f32 v9, v2  }
0x106: {  	[tilespmem:s13+$0xE720] =	vst v1;
	v1 =	vmul.f32 v11, v3;
	v3 =	vunpack.i.u.bf16.f32 v16  }
0x107: {  	v3 =	vmul.f32 v10, v3;
	[tilespmem:s14+$0xE730] =	vst v2;
	v2 =	vunpack.i.l.bf16.f32 v16;
	v7 =	vld [tilespmem:s8+$0x9F30]  }
0x108: {  	[tilespmem:s14+$0xE720] =	vst v1;
	v1 =	vmul.f32 v52, v2;
	v2 =	vunpack.i.u.bf16.f32 v4  }
0x109: {  	[tilespmem:s15+$0xE730] =	vst v3;
	v3 =	vunpack.i.l.bf16.f32 v4;
	v2 =	vmul.f32 v8, v2  }
0x10a: {  	[tilespmem:s15+$0xE720] =	vst v1;
	v1 =	vmul.f32 v55, v3;
	v3 =	vunpack.i.u.bf16.f32 v6  }
0x10b: {  	[tilespmem:s16+$0xE730] =	vst v2;
	v2 =	vunpack.i.l.bf16.f32 v6;
	v3 =	vmul.f32 v5, v3  }
0x10c: {  	[tilespmem:s16+$0xE720] =	vst v1;
	v1 =	vmul.f32 v57, v2;
	v2 =	vunpack.i.u.bf16.f32 v7;
	v4 =	vpop (erf)  }
0x10d: {  	[tilespmem:s17+$0xE730] =	vst v3;
	v3 =	vunpack.i.l.bf16.f32 v7;
	v2 =	vmul.f32 v4, v2;
	v4 =	vpop (erf)  }
0x10e: {  	s9 =	smul.u32 $0x300, s11;
	[tilespmem:s17+$0xE720] =	vst v1;
	v1 =	vmul.f32 v4, v3  }
0x10f: {  	[tilespmem:s8+$0xE730] =	vst v2  }
0x110: {  	s13 =	sshra.s32 s9, $0x2;
	[tilespmem:s8+$0xE720] =	vst v1  }
0x111: {  	[spmem:s3] =	stream.indirect.scatter.add.f32 [tilespmem:s24], [sflag:$0x7], $0x40, s13, s25, $0xb8;
	[tilespmem:$0x1E400] =	vst v63  }
0x112: {  	s12 =	smul.u32 $0xC0, s11;
	_ =	swait.ge [sflag:s21], $0x1000  }
0x113: {  	[sflag:s21] =	ssyncset.done $0x0  }
0x114: {  	s19 =	sadd.s32 $0x5040, s12;
	s20 =	simm.s32 $0x9F00;
	[sflag:s21] =	ssyncadd.s32 $0xFFFFF000  }
0x115: {  	[tilespmem:s20], [sflag:$0x1] =	stream.indirect.gather [hbm4b:s18+s25], $0x40, s19, s25, $0xb8;
	[tilespmem:$0x1E400] =	vst v63  }
0x116: {  	s26 =	simm.s32 $0xCF00;
	s23 =	sadd.s32 $0xC0, s12  }
0x117: {  	[tilespmem:s26], [sflag:$0x2] =	stream.indirect.gather [spmem:s2], $0x20, s23, s25, $0xb8;
	[tilespmem:$0x1E400] =	vst v63  }
0x118: {  	_ =	swait.ge [sflag:s22], $0x1000  }
0x119: {  	[sflag:s22] =	ssyncset.done $0x0  }
0x11a: {  	[sflag:s22] =	ssyncadd.s32 $0xFFFFF000  }
0x11b: {  	_ =	swait.ge [sflag:s5], $0x800  }
0x11c: {  	[sflag:s5] =	ssyncset.done $0x0  }
0x11d: {  	s10 =	simm.s32 $0xD710;
	[sflag:s5] =	ssyncadd.s32 $0xFFFFF800  }
0x11e: {  	s14 =	simm.s32 $0x20;
	v1 =	vld [tilespmem:s10+$0xFFFFFFF0]  }
0x11f: {  	v2 =	vld [tilespmem:s14+$0xAEE0];
	_ =	sdelay $0x4  }
0x120: {  	v3 =	vunpack.i.l.bf16.f32 v1;
	v4 =	vunpack.i.l.bf16.f32 v2  }
0x121: {  	v3 =	vadd.f32 v4, v3;
	_ =	sdelay $0x1  }
0x122: {  	v1 =	vunpack.i.u.bf16.f32 v1;
	v2 =	vunpack.i.u.bf16.f32 v2;
	v3 =	vsub.f32 $0.0e+00, v3  }
0x123: {  	v1 =	vadd.f32 v2, v1  }
0x124: {  	v2 =	vmul.f32 $1.442695020e+00, v3  }
0x125: {  	v1 =	vsub.f32 $0.0e+00, v1  }
0x126: {  	s15 =	simm.s32 $0x60;
	(erf) = vpow2.f32 v2  }
0x127: {  	s20 =	simm.s32 $0xD730;
	v1 =	vmul.f32 $1.442695020e+00, v1;
	v2 =	vld [tilespmem:s15+$0xAEE0]  }
0x128: {  	v3 =	vld [tilespmem:s20+$0xFFFFFFF0]  }
0x129: {  	(erf) = vpow2.f32 v1;
	_ =	sdelay $0x2  }
0x12a: {  	v4 =	vunpack.i.l.bf16.f32 v2  }
0x12b: {  	v1 =	vunpack.i.l.bf16.f32 v3  }
0x12c: {  	v3 =	vunpack.i.u.bf16.f32 v3;
	v2 =	vunpack.i.u.bf16.f32 v2;
	v1 =	vadd.f32 v4, v1  }
0x12d: {  	v2 =	vadd.f32 v2, v3;
	v4 =	vpop (erf)  }
0x12e: {  	v1 =	vsub.f32 $0.0e+00, v1;
	v3 =	vadd.f32 $1.000000000e+00, v4;
	_ =	sdelay $0x1  }
0x12f: {  	v1 =	vmul.f32 $1.442695020e+00, v1;
	v4 =	vpop (erf);
	(erf) = vrcp.f32 v3  }
0x130: {  	s16 =	simm.s32 $0xA0;
	v2 =	vsub.f32 $0.0e+00, v2;
	v4 =	vadd.f32 $1.000000000e+00, v4  }
0x131: {  	s26 =	simm.s32 $0xD750;
	v3 =	vld [tilespmem:s16+$0xAEE0];
	(erf) = vpow2.f32 v1  }
0x132: {  	v2 =	vmul.f32 $1.442695020e+00, v2;
	v1 =	vld [tilespmem:s26+$0xFFFFFFF0];
	(erf) = vrcp.f32 v4  }
0x133: {  	v4 =	vld [tilespmem:s14+$0xAF00]  }
0x134: {  	(erf) = vpow2.f32 v2;
	_ =	sdelay $0x2  }
0x135: {  	v5 =	vunpack.i.l.bf16.f32 v3;
	v2 =	vunpack.i.l.bf16.f32 v1  }
0x136: {  	v2 =	vadd.f32 v5, v2;
	v5 =	vunpack.i.l.bf16.f32 v4;
	v6 =	vpop (erf)  }
0x137: {  	v5 =	vmul.f32 v6, v5  }
0x138: {  	v3 =	vunpack.i.u.bf16.f32 v3;
	v7 =	vpop (erf)  }
0x139: {  	s9 =	simm.s32 $0xD770;
	v1 =	vunpack.i.u.bf16.f32 v1;
	v4 =	vunpack.i.u.bf16.f32 v4;
	v2 =	vsub.f32 $0.0e+00, v2;
	v6 =	vpop (erf)  }
0x13a: {  	v1 =	vadd.f32 v3, v1;
	v3 =	vadd.f32 $1.000000000e+00, v7;
	v7 =	vld [tilespmem:s9+$0xFFFFFFF0];
	v4 =	vmul.f32 v6, v4  }
0x13b: {  	s17 =	simm.s32 $0xE0;
	v2 =	vmul.f32 $1.442695020e+00, v2;
	[tilespmem:s14+$0xE6E0] =	vst v5;
	v6 =	vld [tilespmem:s14+$0xAEF0];
	v5 =	vpop (erf)  }
0x13c: {  	v1 =	vsub.f32 $0.0e+00, v1;
	(erf) = vrcp.f32 v3;
	v3 =	vld [tilespmem:s17+$0xAEE0];
	[tilespmem:s14+$0xE6F0] =	vst v4;
	v5 =	vadd.f32 $1.000000000e+00, v5  }
0x13d: {  	(erf) = vpow2.f32 v2;
	v2 =	vld [tilespmem:s10+$0x0]  }
0x13e: {  	v1 =	vmul.f32 $1.442695020e+00, v1;
	(erf) = vrcp.f32 v5;
	_ =	sdelay $0x1  }
0x13f: {  	(erf) = vpow2.f32 v1  }
0x140: {  	v4 =	vld [tilespmem:s15+$0xAF00];
	v8 =	vunpack.i.l.bf16.f32 v7  }
0x141: {  	v5 =	vunpack.i.u.bf16.f32 v6;
	v9 =	vunpack.i.l.bf16.f32 v3;
	v1 =	vunpack.i.u.bf16.f32 v2  }
0x142: {  	v1 =	vadd.f32 v5, v1;
	v5 =	vunpack.i.l.bf16.f32 v6;
	v6 =	vadd.f32 v9, v8;
	_ =	sdelay $0x1  }
0x143: {  	v7 =	vunpack.i.u.bf16.f32 v7;
	v9 =	vpop (erf);
	v1 =	vsub.f32 $0.0e+00, v1;
	v6 =	vsub.f32 $0.0e+00, v6  }
0x144: {  	v3 =	vunpack.i.u.bf16.f32 v3;
	v8 =	vunpack.i.u.bf16.f32 v4;
	v4 =	vunpack.i.l.bf16.f32 v4;
	v10 =	vpop (erf)  }
0x145: {  	v3 =	vadd.f32 v3, v7;
	v4 =	vmul.f32 v9, v4;
	v1 =	vmul.f32 $1.442695020e+00, v1;
	v9 =	vpop (erf)  }
0x146: {  	v2 =	vunpack.i.l.bf16.f32 v2;
	v7 =	vadd.f32 $1.000000000e+00, v10;
	v8 =	vmul.f32 v9, v8  }
0x147: {  	s19 =	simm.s32 $0x120;
	v2 =	vadd.f32 v5, v2;
	[tilespmem:s15+$0xE6E0] =	vst v4;
	v4 =	vmul.f32 $1.442695020e+00, v6;
	v6 =	vpop (erf);
	v9 =	vld [tilespmem:s15+$0xAEF0];
	(erf) = vpow2.f32 v1  }
0x148: {  	v3 =	vsub.f32 $0.0e+00, v3;
	v5 =	vadd.f32 $1.000000000e+00, v6;
	(erf) = vrcp.f32 v7;
	v6 =	vld [tilespmem:s19+$0xAEE0];
	[tilespmem:s15+$0xE6F0] =	vst v8  }
0x149: {  	v2 =	vsub.f32 $0.0e+00, v2;
	(erf) = vpow2.f32 v4;
	v4 =	vld [tilespmem:s20+$0x0]  }
0x14a: {  	s23 =	simm.s32 $0xD790;
	v3 =	vmul.f32 $1.442695020e+00, v3  }
0x14b: {  	v2 =	vmul.f32 $1.442695020e+00, v2;
	v1 =	vld [tilespmem:s23+$0xFFFFFFF0];
	(erf) = vrcp.f32 v5  }
0x14c: {  	(erf) = vpow2.f32 v3  }
0x14d: {  	(erf) = vpow2.f32 v2;
	v2 =	vunpack.i.l.bf16.f32 v9  }
0x14e: {  	v5 =	vld [tilespmem:s16+$0xAF00];
	v7 =	vunpack.i.u.bf16.f32 v9;
	v9 =	vunpack.i.l.bf16.f32 v6;
	v3 =	vunpack.i.u.bf16.f32 v4  }
0x14f: {  	v3 =	vadd.f32 v7, v3  }
0x150: {  	v8 =	vunpack.i.l.bf16.f32 v1;
	v1 =	vunpack.i.u.bf16.f32 v1  }
0x151: {  	v6 =	vunpack.i.u.bf16.f32 v6;
	v7 =	vadd.f32 v9, v8;
	v9 =	vpop (erf);
	v3 =	vsub.f32 $0.0e+00, v3  }
0x152: {  	v1 =	vadd.f32 v6, v1;
	v10 =	vpop (erf);
	v9 =	vadd.f32 $1.000000000e+00, v9  }
0x153: {  	v8 =	vunpack.i.u.bf16.f32 v5;
	v11 =	vpop (erf);
	v7 =	vsub.f32 $0.0e+00, v7;
	v3 =	vmul.f32 $1.442695020e+00, v3  }
0x154: {  	v5 =	vunpack.i.l.bf16.f32 v5;
	(erf) = vrcp.f32 v9;
	v6 =	vadd.f32 $1.000000000e+00, v11  }
0x155: {  	v5 =	vmul.f32 v10, v5;
	v10 =	vpop (erf);
	(erf) = vpow2.f32 v3  }
0x156: {  	v4 =	vunpack.i.l.bf16.f32 v4;
	v9 =	vld [tilespmem:s14+$0xAF10];
	v8 =	vmul.f32 v10, v8  }
0x157: {  	s8 =	simm.s32 $0xD7B0;
	v2 =	vadd.f32 v2, v4;
	[tilespmem:s16+$0xE6E0] =	vst v5;
	v5 =	vmul.f32 $1.442695020e+00, v7;
	v10 =	vld [tilespmem:s16+$0xAEF0];
	v7 =	vpop (erf)  }
0x158: {  	v1 =	vsub.f32 $0.0e+00, v1;
	v3 =	vld [tilespmem:s8+$0xFFFFFFF0];
	[tilespmem:s16+$0xE6F0] =	vst v8;
	v4 =	vadd.f32 $1.000000000e+00, v7;
	(erf) = vrcp.f32 v6;
	v6 =	vpop (erf)  }
0x159: {  	s20 =	simm.s32 $0x160;
	v2 =	vsub.f32 $0.0e+00, v2;
	(erf) = vpow2.f32 v5;
	v5 =	vld [tilespmem:s26+$0x0];
	v6 =	vadd.f32 $1.000000000e+00, v6  }
0x15a: {  	v1 =	vmul.f32 $1.442695020e+00, v1;
	v7 =	vld [tilespmem:s20+$0xAEE0];
	(erf) = vrcp.f32 v4  }
0x15b: {  	v2 =	vmul.f32 $1.442695020e+00, v2;
	(erf) = vrcp.f32 v6  }
0x15c: {  	v4 =	vld [tilespmem:s17+$0xAF00];
	(erf) = vpow2.f32 v1;
	v1 =	vunpack.i.l.bf16.f32 v10  }
0x15d: {  	v6 =	vunpack.i.l.bf16.f32 v3;
	(erf) = vpow2.f32 v2;
	v2 =	vunpack.i.u.bf16.f32 v9;
	v11 =	vpop (erf)  }
0x15e: {  	v10 =	vunpack.i.u.bf16.f32 v10;
	v8 =	vunpack.i.u.bf16.f32 v5;
	v2 =	vmul.f32 v11, v2;
	v11 =	vpop (erf)  }
0x15f: {  	v58 =	vunpack.i.l.bf16.f32 v7;
	v8 =	vadd.f32 v10, v8;
	v11 =	vadd.f32 $1.000000000e+00, v11  }
0x160: {  	v3 =	vunpack.i.u.bf16.f32 v3;
	v6 =	vadd.f32 v58, v6  }
0x161: {  	v10 =	vunpack.i.u.bf16.f32 v4;
	v4 =	vunpack.i.l.bf16.f32 v4;
	v59 =	vpop (erf);
	v8 =	vsub.f32 $0.0e+00, v8  }
0x162: {  	v7 =	vunpack.i.u.bf16.f32 v7;
	v6 =	vsub.f32 $0.0e+00, v6;
	v4 =	vmul.f32 v59, v4;
	v60 =	vpop (erf)  }
0x163: {  	v5 =	vunpack.i.l.bf16.f32 v5;
	(erf) = vrcp.f32 v11;
	v8 =	vmul.f32 $1.442695020e+00, v8;
	v11 =	vpop (erf)  }
0x164: {  	v3 =	vadd.f32 v7, v3;
	v6 =	vmul.f32 $1.442695020e+00, v6;
	v7 =	vadd.f32 $1.000000000e+00, v60;
	v61 =	vpop (erf)  }
0x165: {  	[tilespmem:s17+$0xE6E0] =	vst v4;
	v4 =	vld [tilespmem:s17+$0xAEF0];
	(erf) = vpow2.f32 v8;
	v10 =	vmul.f32 v11, v10;
	v62 =	vpop (erf)  }
0x166: {  	s26 =	simm.s32 $0xD7D0;
	v1 =	vadd.f32 v1, v5;
	v11 =	vld [tilespmem:s15+$0xAF10];
	(erf) = vrcp.f32 v7;
	v8 =	vadd.f32 $1.000000000e+00, v62;
	v5 =	vpop (erf)  }
0x167: {  	v3 =	vsub.f32 $0.0e+00, v3;
	(erf) = vpow2.f32 v6;
	[tilespmem:s17+$0xE6F0] =	vst v10;
	v6 =	vadd.f32 $1.000000000e+00, v5;
	v5 =	vld [tilespmem:s26+$0xFFFFFFF0]  }
0x168: {  	s10 =	simm.s32 $0x1A0;
	v1 =	vsub.f32 $0.0e+00, v1;
	(erf) = vrcp.f32 v8;
	v8 =	vld [tilespmem:s9+$0x0]  }
0x169: {  	v3 =	vmul.f32 $1.442695020e+00, v3;
	v7 =	vld [tilespmem:s10+$0xAEE0]  }
0x16a: {  	v63 =	vmul.f32 $1.442695020e+00, v1;
	v10 =	vunpack.i.l.bf16.f32 v9;
	v9 =	vld [tilespmem:s19+$0xAF00];
	(erf) = vrcp.f32 v6  }
0x16b: {  	[tilespmem:s14+$0xE710] =	vst v2;
	v2 =	vmul.f32 v61, v10;
	v1 =	vunpack.i.l.bf16.f32 v11;
	(erf) = vpow2.f32 v3  }
0x16c: {  	s28 =	simm.s32 $0x780;
	s9 =	simm.s32 $0xD7D0;
	v6 =	vunpack.i.l.bf16.f32 v4;
	v3 =	vunpack.i.u.bf16.f32 v11;
	(erf) = vpow2.f32 v63  }
.LBB2_7:
0x16d: {  	p0 =	sne.s32 s28, $0x3F80;
	v10 =	vunpack.i.l.bf16.f32 v5;
	v13 =	vunpack.i.u.bf16.f32 v8;
	v4 =	vunpack.i.u.bf16.f32 v4;
	v12 =	vpop (erf);
	[tilespmem:s14+$0xE700] =	vst v2;
	s14 =	smov.u32 s15;
	s15 =	smov.u32 s16  }
0x16e: {  	s16 =	smov.u32 s17;
	s17 =	smov.u32 s19;
	s19 =	smov.u32 s20;
	v2 =	vunpack.i.l.bf16.f32 v7;
	v4 =	vadd.f32 v4, v13;
	v3 =	vmul.f32 v12, v3  }
0x16f: {  	v8 =	vunpack.i.l.bf16.f32 v8;
	s20 =	smov.u32 s10;
	v2 =	vadd.f32 v2, v10;
	v10 =	vunpack.i.u.bf16.f32 v9;
	v11 =	vpop (erf)  }
0x170: {  	v9 =	vunpack.i.l.bf16.f32 v9;
	v12 =	vpop (erf);
	v4 =	vsub.f32 $0.0e+00, v4;
	v11 =	vadd.f32 $1.000000000e+00, v11;
	[tilespmem:s14+$0xE710] =	vst v3  }
0x171: {  	v3 =	vunpack.i.u.bf16.f32 v5;
	v5 =	vunpack.i.u.bf16.f32 v7;
	v7 =	vpop (erf);
	v9 =	vmul.f32 v12, v9  }
0x172: {  	v2 =	vsub.f32 $0.0e+00, v2;
	v12 =	vpop (erf);
	v13 =	vmul.f32 $1.442695020e+00, v4;
	(erf) = vrcp.f32 v11  }
0x173: {  	v3 =	vadd.f32 v5, v3;
	v15 =	vadd.f32 $1.000000000e+00, v7;
	v10 =	vmul.f32 v12, v10;
	v11 =	vld [tilespmem:s15+$0xAF10];
	v12 =	vpop (erf)  }
0x174: {  	s26 =	sadd.s32 $0x20, s26;
	v6 =	vadd.f32 v6, v8;
	v2 =	vmul.f32 $1.442695020e+00, v2;
	v14 =	vpop (erf);
	[tilespmem:s17+$0xE6E0] =	vst v9;
	v4 =	vld [tilespmem:s17+$0xAEF0];
	(erf) = vpow2.f32 v13  }
0x175: {  	v3 =	vsub.f32 $0.0e+00, v3;
	v5 =	vld [tilespmem:s26+$0xFFFFFFF0];
	v9 =	vadd.f32 $1.000000000e+00, v14;
	(erf) = vrcp.f32 v15;
	[tilespmem:s17+$0xE6F0] =	vst v10;
	v7 =	vpop (erf)  }
.Ltmp2:
0x176: {  	s10 =	sshra.s32 s28, $0x2;
	(erf) = vpow2.f32 v2;
	v8 =	vld [tilespmem:s23+$0x0];
	v2 =	vsub.f32 $0.0e+00, v6;
	v6 =	vadd.f32 $1.000000000e+00, v7;
	s23 =	smov.u32 s8;
	(pc) =	sbr.rel @p0 .LBB2_7-.Ltmp2, $4  }
0x177: {  	v3 =	vmul.f32 $1.442695020e+00, v3;
	s8 =	smov.u32 s9;
	s9 =	smov.u32 s26;
	v7 =	vld [tilespmem:s10+$0xAEE0];
	(erf) = vrcp.f32 v9  }
0x178: {  	v9 =	vld [tilespmem:s19+$0xAF00];
	v10 =	vmul.f32 $1.442695020e+00, v2;
	v13 =	vunpack.i.l.bf16.f32 v11;
	(erf) = vrcp.f32 v6  }
0x179: {  	v2 =	vmul.f32 v12, v1;
	(erf) = vpow2.f32 v3;
	v6 =	vunpack.i.l.bf16.f32 v4;
	v1 =	vmovc v13  }
0x17a: {  	s28 =	sadd.s32 $0x100, s28;
	v3 =	vunpack.i.u.bf16.f32 v11;
	(erf) = vpow2.f32 v10  }
0x17b: {  	_ = 	snop  }
0x17c: {  	v10 =	vunpack.i.u.bf16.f32 v8;
	v11 =	vunpack.i.u.bf16.f32 v4;
	v12 =	vunpack.i.l.bf16.f32 v5;
	v4 =	vpop (erf)  }
0x17d: {  	v5 =	vunpack.i.u.bf16.f32 v5;
	v13 =	vunpack.i.l.bf16.f32 v7;
	v10 =	vadd.f32 v11, v10;
	v40 =	vpop (erf)  }
0x17e: {  	v7 =	vunpack.i.u.bf16.f32 v7;
	v11 =	vadd.f32 v13, v12;
	v39 =	vunpack.i.u.bf16.f32 v9;
	v14 =	vpop (erf)  }
0x17f: {  	v9 =	vunpack.i.l.bf16.f32 v9;
	v5 =	vadd.f32 v7, v5;
	v10 =	vsub.f32 $0.0e+00, v10;
	v15 =	vpop (erf)  }
0x180: {  	v13 =	vadd.f32 $1.000000000e+00, v40;
	v9 =	vmul.f32 v14, v9;
	v41 =	vpop (erf);
	v7 =	vadd.f32 $1.000000000e+00, v15  }
0x181: {  	v11 =	vsub.f32 $0.0e+00, v11;
	v10 =	vmul.f32 $1.442695020e+00, v10;
	v12 =	vmul.f32 v41, v39  }
0x182: {  	v8 =	vunpack.i.l.bf16.f32 v8;
	(erf) = vrcp.f32 v13;
	v42 =	vpop (erf);
	[tilespmem:s19+$0xE6E0] =	vst v9  }
0x183: {  	v6 =	vadd.f32 v6, v8;
	v8 =	vld [tilespmem:s19+$0xAEF0];
	v11 =	vmul.f32 $1.442695020e+00, v11;
	v43 =	vpop (erf);
	(erf) = vpow2.f32 v10;
	[tilespmem:s19+$0xE6F0] =	vst v12  }
0x184: {  	v5 =	vsub.f32 $0.0e+00, v5;
	v9 =	vadd.f32 $1.000000000e+00, v43;
	(erf) = vrcp.f32 v7;
	v7 =	vpop (erf);
	v10 =	vld [tilespmem:s23+$0x0]  }
0x185: {  	v6 =	vsub.f32 $0.0e+00, v6;
	(erf) = vpow2.f32 v11;
	v7 =	vadd.f32 $1.000000000e+00, v7  }
0x186: {  	v5 =	vmul.f32 $1.442695020e+00, v5;
	(erf) = vrcp.f32 v9  }
0x187: {  	v6 =	vmul.f32 $1.442695020e+00, v6;
	(erf) = vrcp.f32 v7  }
0x188: {  	(erf) = vpow2.f32 v5  }
0x189: {  	v7 =	vunpack.i.u.bf16.f32 v8;
	(erf) = vpow2.f32 v6;
	v6 =	vunpack.i.u.bf16.f32 v10  }
0x18a: {  	v5 =	vld [tilespmem:s20+$0xAF00];
	v6 =	vadd.f32 v7, v6  }
0x18b: {  	v9 =	vpop (erf)  }
0x18c: {  	v7 =	vpop (erf);
	v6 =	vsub.f32 $0.0e+00, v6  }
0x18d: {  	v8 =	vunpack.i.l.bf16.f32 v8;
	v10 =	vunpack.i.l.bf16.f32 v10;
	v11 =	vpop (erf)  }
0x18e: {  	v8 =	vadd.f32 v8, v10;
	v45 =	vpop (erf);
	v6 =	vmul.f32 $1.442695020e+00, v6  }
0x18f: {  	v7 =	vadd.f32 $1.000000000e+00, v7;
	v44 =	vunpack.i.u.bf16.f32 v5;
	v5 =	vunpack.i.l.bf16.f32 v5;
	v46 =	vpop (erf)  }
0x190: {  	v5 =	vmul.f32 v11, v5;
	v11 =	vpop (erf)  }
0x191: {  	v8 =	vsub.f32 $0.0e+00, v8;
	(erf) = vrcp.f32 v7;
	v7 =	vadd.f32 $1.000000000e+00, v45;
	v47 =	vpop (erf)  }
0x192: {  	v10 =	vmul.f32 v46, v44;
	[tilespmem:s20+$0xE6E0] =	vst v5;
	(erf) = vpow2.f32 v6;
	v5 =	vadd.f32 $1.000000000e+00, v47;
	v6 =	vpop (erf)  }
0x193: {  	v48 =	vld [tilespmem:s20+$0xAEF0];
	(erf) = vrcp.f32 v7;
	v6 =	vadd.f32 $1.000000000e+00, v6  }
0x194: {  	[tilespmem:s20+$0xE6F0] =	vst v10;
	(erf) = vrcp.f32 v5;
	v5 =	vmul.f32 $1.442695020e+00, v8  }
0x195: {  	v7 =	vld [tilespmem:s8+$0x0];
	(erf) = vrcp.f32 v6  }
0x196: {  	(erf) = vpow2.f32 v5;
	_ =	sdelay $0x1  }
0x197: {  	v8 =	vunpack.i.u.bf16.f32 v48;
	v5 =	vld [tilespmem:s10+$0xAF00];
	_ =	sdelay $0x1  }
0x198: {  	v6 =	vunpack.i.u.bf16.f32 v7;
	v10 =	vpop (erf)  }
0x199: {  	v6 =	vadd.f32 v8, v6;
	v8 =	vpop (erf)  }
0x19a: {  	v12 =	vunpack.i.l.bf16.f32 v48;
	v7 =	vunpack.i.l.bf16.f32 v7;
	v50 =	vpop (erf)  }
0x19b: {  	v7 =	vadd.f32 v12, v7;
	v6 =	vsub.f32 $0.0e+00, v6;
	v49 =	vunpack.i.l.bf16.f32 v5;
	v51 =	vpop (erf)  }
0x19c: {  	v8 =	vadd.f32 $1.000000000e+00, v8;
	v5 =	vunpack.i.u.bf16.f32 v5;
	v14 =	vmul.f32 v50, v49;
	v52 =	vpop (erf)  }
0x19d: {  	v7 =	vsub.f32 $0.0e+00, v7;
	v6 =	vmul.f32 $1.442695020e+00, v6;
	v5 =	vmul.f32 v51, v5;
	v53 =	vpop (erf)  }
0x19e: {  	(erf) = vrcp.f32 v8;
	[tilespmem:s10+$0xE6E0] =	vst v14;
	v14 =	vadd.f32 $1.000000000e+00, v53  }
0x19f: {  	v8 =	vld [tilespmem:s10+$0xAEF0];
	(erf) = vpow2.f32 v6;
	[tilespmem:s10+$0xE6F0] =	vst v5;
	v5 =	vmul.f32 $1.442695020e+00, v7  }
0x1a0: {  	v6 =	vld [tilespmem:s9+$0x0];
	(erf) = vrcp.f32 v14  }
0x1a1: {  	(erf) = vpow2.f32 v5;
	_ =	sdelay $0x3  }
0x1a2: {  	v7 =	vunpack.i.u.bf16.f32 v8;
	v5 =	vunpack.i.u.bf16.f32 v6  }
0x1a3: {  	v5 =	vadd.f32 v7, v5  }
0x1a4: {  	v6 =	vunpack.i.l.bf16.f32 v6;
	v7 =	vunpack.i.l.bf16.f32 v8;
	v8 =	vpop (erf)  }
0x1a5: {  	v54 =	vpop (erf);
	v6 =	vadd.f32 v7, v6;
	v5 =	vsub.f32 $0.0e+00, v5  }
0x1a6: {  	v7 =	vadd.f32 $1.000000000e+00, v54;
	v55 =	vpop (erf)  }
0x1a7: {  	v6 =	vsub.f32 $0.0e+00, v6;
	v5 =	vmul.f32 $1.442695020e+00, v5;
	v56 =	vpop (erf)  }
0x1a8: {  	(erf) = vrcp.f32 v7;
	v7 =	vadd.f32 $1.000000000e+00, v56  }
0x1a9: {  	(erf) = vpow2.f32 v5;
	v5 =	vmul.f32 $1.442695020e+00, v6  }
0x1aa: {  	(erf) = vrcp.f32 v7  }
0x1ab: {  	(erf) = vpow2.f32 v5;
	_ =	sdelay $0x5  }
0x1ac: {  	v5 =	vpop (erf)  }
0x1ad: {  	v6 =	vld [tilespmem:s16+$0xAF10];
	v7 =	vpop (erf)  }
0x1ae: {  	v57 =	vpop (erf)  }
0x1af: {  	v16 =	vld [tilespmem:s17+$0xAF10];
	v7 =	vadd.f32 $1.000000000e+00, v7;
	v17 =	vpop (erf)  }
0x1b0: {  	v17 =	vadd.f32 $1.000000000e+00, v17  }
0x1b1: {  	v3 =	vmul.f32 v4, v3;
	v4 =	vld [tilespmem:s19+$0xAF10];
	(erf) = vrcp.f32 v7  }
0x1b2: {  	[tilespmem:s14+$0xE700] =	vst v2;
	v1 =	vmul.f32 v42, v1;
	v2 =	vunpack.i.u.bf16.f32 v6;
	(erf) = vrcp.f32 v17  }
0x1b3: {  	[tilespmem:s15+$0xE710] =	vst v3;
	v3 =	vunpack.i.l.bf16.f32 v6;
	v6 =	vld [tilespmem:s20+$0xAF10];
	v2 =	vmul.f32 v9, v2  }
0x1b4: {  	[tilespmem:s15+$0xE700] =	vst v1;
	v1 =	vmul.f32 v11, v3;
	v3 =	vunpack.i.u.bf16.f32 v16  }
0x1b5: {  	v3 =	vmul.f32 v10, v3;
	[tilespmem:s16+$0xE710] =	vst v2;
	v2 =	vunpack.i.l.bf16.f32 v16;
	v7 =	vld [tilespmem:s10+$0xAF10]  }
0x1b6: {  	[tilespmem:s16+$0xE700] =	vst v1;
	v1 =	vmul.f32 v52, v2;
	v2 =	vunpack.i.u.bf16.f32 v4  }
0x1b7: {  	[tilespmem:s17+$0xE710] =	vst v3;
	v3 =	vunpack.i.l.bf16.f32 v4;
	v2 =	vmul.f32 v8, v2  }
0x1b8: {  	[tilespmem:s17+$0xE700] =	vst v1;
	v1 =	vmul.f32 v55, v3;
	v3 =	vunpack.i.u.bf16.f32 v6  }
0x1b9: {  	[tilespmem:s19+$0xE710] =	vst v2;
	v2 =	vunpack.i.l.bf16.f32 v6;
	v3 =	vmul.f32 v5, v3  }
0x1ba: {  	[tilespmem:s19+$0xE700] =	vst v1;
	v1 =	vmul.f32 v57, v2;
	v2 =	vunpack.i.u.bf16.f32 v7;
	v4 =	vpop (erf)  }
0x1bb: {  	[tilespmem:s20+$0xE710] =	vst v3;
	v3 =	vunpack.i.l.bf16.f32 v7;
	v2 =	vmul.f32 v4, v2;
	v4 =	vpop (erf)  }
0x1bc: {  	[tilespmem:s20+$0xE700] =	vst v1;
	v1 =	vmul.f32 v4, v3  }
0x1bd: {  	[tilespmem:s10+$0xE710] =	vst v2  }
0x1be: {  	s23 =	sadd.s32 $0x40, s13;
	[tilespmem:s10+$0xE700] =	vst v1  }
0x1bf: {  	[spmem:s3] =	stream.indirect.scatter.add.f32 [tilespmem:s24], [sflag:$0x7], $0x40, s23, s25, $0xb8;
	[tilespmem:$0x1E400] =	vst v63  }
0x1c0: {  	_ =	swait.ge [sflag:s21], $0x1000  }
0x1c1: {  	[sflag:s21] =	ssyncset.done $0x0  }
0x1c2: {  	s26 =	sadd.s32 $0x5080, s12;
	[sflag:s21] =	ssyncadd.s32 $0xFFFFF000  }
0x1c3: {  	[tilespmem:s30], [sflag:$0x3] =	stream.indirect.gather [hbm4b:s18+s25], $0x40, s26, s25, $0xb8;
	[tilespmem:$0x1E400] =	vst v63  }
0x1c4: {  	s9 =	sadd.s32 $0x100, s12  }
0x1c5: {  	[tilespmem:s31], [sflag:$0x4] =	stream.indirect.gather [spmem:s2], $0x20, s9, s25, $0xb8;
	[tilespmem:$0x1E400] =	vst v63  }
0x1c6: {  	_ =	swait.ge [sflag:s6], $0x1000  }
0x1c7: {  	[sflag:s6] =	ssyncset.done $0x0  }
0x1c8: {  	[sflag:s6] =	ssyncadd.s32 $0xFFFFF000  }
0x1c9: {  	_ =	swait.ge [sflag:s7], $0x800  }
0x1ca: {  	[sflag:s7] =	ssyncset.done $0x0  }
0x1cb: {  	s10 =	simm.s32 $0xDF10;
	[sflag:s7] =	ssyncadd.s32 $0xFFFFF800  }
0x1cc: {  	s14 =	simm.s32 $0x0;
	v1 =	vld [tilespmem:s10+$0xFFFFFFF0]  }
0x1cd: {  	v2 =	vld [tilespmem:s14+$0xBF00];
	_ =	sdelay $0x4  }
0x1ce: {  	v3 =	vunpack.i.l.bf16.f32 v1;
	v4 =	vunpack.i.l.bf16.f32 v2  }
0x1cf: {  	v3 =	vadd.f32 v4, v3;
	_ =	sdelay $0x1  }
0x1d0: {  	v1 =	vunpack.i.u.bf16.f32 v1;
	v2 =	vunpack.i.u.bf16.f32 v2;
	v3 =	vsub.f32 $0.0e+00, v3  }
0x1d1: {  	v1 =	vadd.f32 v2, v1  }
0x1d2: {  	v2 =	vmul.f32 $1.442695020e+00, v3  }
0x1d3: {  	v1 =	vsub.f32 $0.0e+00, v1  }
0x1d4: {  	s15 =	simm.s32 $0x40;
	(erf) = vpow2.f32 v2  }
0x1d5: {  	s20 =	simm.s32 $0xDF30;
	v1 =	vmul.f32 $1.442695020e+00, v1;
	v2 =	vld [tilespmem:s15+$0xBF00]  }
0x1d6: {  	v3 =	vld [tilespmem:s20+$0xFFFFFFF0]  }
0x1d7: {  	(erf) = vpow2.f32 v1;
	_ =	sdelay $0x2  }
0x1d8: {  	v4 =	vunpack.i.l.bf16.f32 v2  }
0x1d9: {  	v1 =	vunpack.i.l.bf16.f32 v3  }
0x1da: {  	v3 =	vunpack.i.u.bf16.f32 v3;
	v2 =	vunpack.i.u.bf16.f32 v2;
	v1 =	vadd.f32 v4, v1  }
0x1db: {  	v2 =	vadd.f32 v2, v3;
	v4 =	vpop (erf)  }
0x1dc: {  	v1 =	vsub.f32 $0.0e+00, v1;
	v3 =	vadd.f32 $1.000000000e+00, v4;
	_ =	sdelay $0x1  }
0x1dd: {  	v1 =	vmul.f32 $1.442695020e+00, v1;
	v4 =	vpop (erf);
	(erf) = vrcp.f32 v3  }
0x1de: {  	s16 =	simm.s32 $0x80;
	v2 =	vsub.f32 $0.0e+00, v2;
	v4 =	vadd.f32 $1.000000000e+00, v4  }
0x1df: {  	s26 =	simm.s32 $0xDF50;
	v3 =	vld [tilespmem:s16+$0xBF00];
	(erf) = vpow2.f32 v1  }
0x1e0: {  	v2 =	vmul.f32 $1.442695020e+00, v2;
	v1 =	vld [tilespmem:s26+$0xFFFFFFF0];
	(erf) = vrcp.f32 v4  }
0x1e1: {  	v4 =	vld [tilespmem:s14+$0xBF20]  }
0x1e2: {  	(erf) = vpow2.f32 v2;
	_ =	sdelay $0x2  }
0x1e3: {  	v5 =	vunpack.i.l.bf16.f32 v3;
	v2 =	vunpack.i.l.bf16.f32 v1  }
0x1e4: {  	v2 =	vadd.f32 v5, v2;
	v5 =	vunpack.i.l.bf16.f32 v4;
	v6 =	vpop (erf)  }
0x1e5: {  	v5 =	vmul.f32 v6, v5  }
0x1e6: {  	v3 =	vunpack.i.u.bf16.f32 v3;
	v7 =	vpop (erf)  }
0x1e7: {  	s9 =	simm.s32 $0xDF70;
	v1 =	vunpack.i.u.bf16.f32 v1;
	v4 =	vunpack.i.u.bf16.f32 v4;
	v2 =	vsub.f32 $0.0e+00, v2;
	v6 =	vpop (erf)  }
0x1e8: {  	v1 =	vadd.f32 v3, v1;
	v3 =	vadd.f32 $1.000000000e+00, v7;
	v7 =	vld [tilespmem:s9+$0xFFFFFFF0];
	v4 =	vmul.f32 v6, v4  }
0x1e9: {  	s17 =	simm.s32 $0xC0;
	v2 =	vmul.f32 $1.442695020e+00, v2;
	[tilespmem:s14+$0xE700] =	vst v5;
	v6 =	vld [tilespmem:s14+$0xBF10];
	v5 =	vpop (erf)  }
0x1ea: {  	v1 =	vsub.f32 $0.0e+00, v1;
	(erf) = vrcp.f32 v3;
	v3 =	vld [tilespmem:s17+$0xBF00];
	[tilespmem:s14+$0xE710] =	vst v4;
	v5 =	vadd.f32 $1.000000000e+00, v5  }
0x1eb: {  	(erf) = vpow2.f32 v2;
	v2 =	vld [tilespmem:s10+$0x0]  }
0x1ec: {  	v1 =	vmul.f32 $1.442695020e+00, v1;
	(erf) = vrcp.f32 v5;
	_ =	sdelay $0x1  }
0x1ed: {  	(erf) = vpow2.f32 v1  }
0x1ee: {  	v4 =	vld [tilespmem:s15+$0xBF20];
	v8 =	vunpack.i.l.bf16.f32 v7  }
0x1ef: {  	v5 =	vunpack.i.u.bf16.f32 v6;
	v9 =	vunpack.i.l.bf16.f32 v3;
	v1 =	vunpack.i.u.bf16.f32 v2  }
0x1f0: {  	v1 =	vadd.f32 v5, v1;
	v5 =	vunpack.i.l.bf16.f32 v6;
	v6 =	vadd.f32 v9, v8;
	_ =	sdelay $0x1  }
0x1f1: {  	v7 =	vunpack.i.u.bf16.f32 v7;
	v9 =	vpop (erf);
	v1 =	vsub.f32 $0.0e+00, v1;
	v6 =	vsub.f32 $0.0e+00, v6  }
0x1f2: {  	v3 =	vunpack.i.u.bf16.f32 v3;
	v8 =	vunpack.i.u.bf16.f32 v4;
	v4 =	vunpack.i.l.bf16.f32 v4;
	v10 =	vpop (erf)  }
0x1f3: {  	v3 =	vadd.f32 v3, v7;
	v4 =	vmul.f32 v9, v4;
	v1 =	vmul.f32 $1.442695020e+00, v1;
	v9 =	vpop (erf)  }
0x1f4: {  	v2 =	vunpack.i.l.bf16.f32 v2;
	v7 =	vadd.f32 $1.000000000e+00, v10;
	v8 =	vmul.f32 v9, v8  }
0x1f5: {  	s19 =	simm.s32 $0x100;
	v2 =	vadd.f32 v5, v2;
	[tilespmem:s15+$0xE700] =	vst v4;
	v4 =	vmul.f32 $1.442695020e+00, v6;
	v6 =	vpop (erf);
	v9 =	vld [tilespmem:s15+$0xBF10];
	(erf) = vpow2.f32 v1  }
0x1f6: {  	v3 =	vsub.f32 $0.0e+00, v3;
	v5 =	vadd.f32 $1.000000000e+00, v6;
	(erf) = vrcp.f32 v7;
	v6 =	vld [tilespmem:s19+$0xBF00];
	[tilespmem:s15+$0xE710] =	vst v8  }
0x1f7: {  	v2 =	vsub.f32 $0.0e+00, v2;
	(erf) = vpow2.f32 v4;
	v4 =	vld [tilespmem:s20+$0x0]  }
0x1f8: {  	s23 =	simm.s32 $0xDF90;
	v3 =	vmul.f32 $1.442695020e+00, v3  }
0x1f9: {  	v2 =	vmul.f32 $1.442695020e+00, v2;
	v1 =	vld [tilespmem:s23+$0xFFFFFFF0];
	(erf) = vrcp.f32 v5  }
0x1fa: {  	(erf) = vpow2.f32 v3  }
0x1fb: {  	(erf) = vpow2.f32 v2;
	v2 =	vunpack.i.l.bf16.f32 v9  }
0x1fc: {  	v5 =	vld [tilespmem:s16+$0xBF20];
	v7 =	vunpack.i.u.bf16.f32 v9;
	v9 =	vunpack.i.l.bf16.f32 v6;
	v3 =	vunpack.i.u.bf16.f32 v4  }
0x1fd: {  	v3 =	vadd.f32 v7, v3  }
0x1fe: {  	v8 =	vunpack.i.l.bf16.f32 v1;
	v1 =	vunpack.i.u.bf16.f32 v1  }
0x1ff: {  	v6 =	vunpack.i.u.bf16.f32 v6;
	v7 =	vadd.f32 v9, v8;
	v9 =	vpop (erf);
	v3 =	vsub.f32 $0.0e+00, v3  }
0x200: {  	v1 =	vadd.f32 v6, v1;
	v10 =	vpop (erf);
	v9 =	vadd.f32 $1.000000000e+00, v9  }
0x201: {  	v8 =	vunpack.i.u.bf16.f32 v5;
	v11 =	vpop (erf);
	v7 =	vsub.f32 $0.0e+00, v7;
	v3 =	vmul.f32 $1.442695020e+00, v3  }
0x202: {  	v5 =	vunpack.i.l.bf16.f32 v5;
	(erf) = vrcp.f32 v9;
	v6 =	vadd.f32 $1.000000000e+00, v11  }
0x203: {  	v5 =	vmul.f32 v10, v5;
	v10 =	vpop (erf);
	(erf) = vpow2.f32 v3  }
0x204: {  	v4 =	vunpack.i.l.bf16.f32 v4;
	v9 =	vld [tilespmem:s14+$0xBF30];
	v8 =	vmul.f32 v10, v8  }
0x205: {  	s8 =	simm.s32 $0xDFB0;
	v2 =	vadd.f32 v2, v4;
	[tilespmem:s16+$0xE700] =	vst v5;
	v5 =	vmul.f32 $1.442695020e+00, v7;
	v10 =	vld [tilespmem:s16+$0xBF10];
	v7 =	vpop (erf)  }
0x206: {  	v1 =	vsub.f32 $0.0e+00, v1;
	v3 =	vld [tilespmem:s8+$0xFFFFFFF0];
	[tilespmem:s16+$0xE710] =	vst v8;
	v4 =	vadd.f32 $1.000000000e+00, v7;
	(erf) = vrcp.f32 v6;
	v6 =	vpop (erf)  }
0x207: {  	s20 =	simm.s32 $0x140;
	v2 =	vsub.f32 $0.0e+00, v2;
	(erf) = vpow2.f32 v5;
	v5 =	vld [tilespmem:s26+$0x0];
	v6 =	vadd.f32 $1.000000000e+00, v6  }
0x208: {  	v1 =	vmul.f32 $1.442695020e+00, v1;
	v7 =	vld [tilespmem:s20+$0xBF00];
	(erf) = vrcp.f32 v4  }
0x209: {  	v2 =	vmul.f32 $1.442695020e+00, v2;
	(erf) = vrcp.f32 v6  }
0x20a: {  	v4 =	vld [tilespmem:s17+$0xBF20];
	(erf) = vpow2.f32 v1;
	v1 =	vunpack.i.l.bf16.f32 v10  }
0x20b: {  	v6 =	vunpack.i.l.bf16.f32 v3;
	(erf) = vpow2.f32 v2;
	v2 =	vunpack.i.u.bf16.f32 v9;
	v11 =	vpop (erf)  }
0x20c: {  	v10 =	vunpack.i.u.bf16.f32 v10;
	v8 =	vunpack.i.u.bf16.f32 v5;
	v2 =	vmul.f32 v11, v2;
	v11 =	vpop (erf)  }
0x20d: {  	v58 =	vunpack.i.l.bf16.f32 v7;
	v8 =	vadd.f32 v10, v8;
	v11 =	vadd.f32 $1.000000000e+00, v11  }
0x20e: {  	v3 =	vunpack.i.u.bf16.f32 v3;
	v6 =	vadd.f32 v58, v6  }
0x20f: {  	v10 =	vunpack.i.u.bf16.f32 v4;
	v4 =	vunpack.i.l.bf16.f32 v4;
	v59 =	vpop (erf);
	v8 =	vsub.f32 $0.0e+00, v8  }
0x210: {  	v7 =	vunpack.i.u.bf16.f32 v7;
	v6 =	vsub.f32 $0.0e+00, v6;
	v4 =	vmul.f32 v59, v4;
	v60 =	vpop (erf)  }
0x211: {  	v5 =	vunpack.i.l.bf16.f32 v5;
	(erf) = vrcp.f32 v11;
	v8 =	vmul.f32 $1.442695020e+00, v8;
	v11 =	vpop (erf)  }
0x212: {  	v3 =	vadd.f32 v7, v3;
	v6 =	vmul.f32 $1.442695020e+00, v6;
	v7 =	vadd.f32 $1.000000000e+00, v60;
	v61 =	vpop (erf)  }
0x213: {  	[tilespmem:s17+$0xE700] =	vst v4;
	v4 =	vld [tilespmem:s17+$0xBF10];
	(erf) = vpow2.f32 v8;
	v10 =	vmul.f32 v11, v10;
	v62 =	vpop (erf)  }
0x214: {  	s26 =	simm.s32 $0xDFD0;
	v1 =	vadd.f32 v1, v5;
	v11 =	vld [tilespmem:s15+$0xBF30];
	(erf) = vrcp.f32 v7;
	v8 =	vadd.f32 $1.000000000e+00, v62;
	v5 =	vpop (erf)  }
0x215: {  	v3 =	vsub.f32 $0.0e+00, v3;
	(erf) = vpow2.f32 v6;
	[tilespmem:s17+$0xE710] =	vst v10;
	v6 =	vadd.f32 $1.000000000e+00, v5;
	v5 =	vld [tilespmem:s26+$0xFFFFFFF0]  }
0x216: {  	s10 =	simm.s32 $0x180;
	v1 =	vsub.f32 $0.0e+00, v1;
	(erf) = vrcp.f32 v8;
	v8 =	vld [tilespmem:s9+$0x0]  }
0x217: {  	v3 =	vmul.f32 $1.442695020e+00, v3;
	v7 =	vld [tilespmem:s10+$0xBF00]  }
0x218: {  	v63 =	vmul.f32 $1.442695020e+00, v1;
	v10 =	vunpack.i.l.bf16.f32 v9;
	v9 =	vld [tilespmem:s19+$0xBF20];
	(erf) = vrcp.f32 v6  }
0x219: {  	[tilespmem:s14+$0xE730] =	vst v2;
	v2 =	vmul.f32 v61, v10;
	v1 =	vunpack.i.l.bf16.f32 v11;
	(erf) = vpow2.f32 v3  }
0x21a: {  	s28 =	simm.s32 $0x700;
	s9 =	simm.s32 $0xDFD0;
	v6 =	vunpack.i.l.bf16.f32 v4;
	v3 =	vunpack.i.u.bf16.f32 v11;
	(erf) = vpow2.f32 v63  }
.LBB2_9:
0x21b: {  	p0 =	sne.s32 s28, $0x3F00;
	v10 =	vunpack.i.l.bf16.f32 v5;
	v13 =	vunpack.i.u.bf16.f32 v8;
	v4 =	vunpack.i.u.bf16.f32 v4;
	v12 =	vpop (erf);
	[tilespmem:s14+$0xE720] =	vst v2;
	s14 =	smov.u32 s15;
	s15 =	smov.u32 s16  }
0x21c: {  	s16 =	smov.u32 s17;
	s17 =	smov.u32 s19;
	s19 =	smov.u32 s20;
	v2 =	vunpack.i.l.bf16.f32 v7;
	v4 =	vadd.f32 v4, v13;
	v3 =	vmul.f32 v12, v3  }
0x21d: {  	v8 =	vunpack.i.l.bf16.f32 v8;
	s20 =	smov.u32 s10;
	v2 =	vadd.f32 v2, v10;
	v10 =	vunpack.i.u.bf16.f32 v9;
	v11 =	vpop (erf)  }
0x21e: {  	v9 =	vunpack.i.l.bf16.f32 v9;
	v12 =	vpop (erf);
	v4 =	vsub.f32 $0.0e+00, v4;
	v11 =	vadd.f32 $1.000000000e+00, v11;
	[tilespmem:s14+$0xE730] =	vst v3  }
0x21f: {  	v3 =	vunpack.i.u.bf16.f32 v5;
	v5 =	vunpack.i.u.bf16.f32 v7;
	v7 =	vpop (erf);
	v9 =	vmul.f32 v12, v9  }
0x220: {  	v2 =	vsub.f32 $0.0e+00, v2;
	v12 =	vpop (erf);
	v13 =	vmul.f32 $1.442695020e+00, v4;
	(erf) = vrcp.f32 v11  }
0x221: {  	v3 =	vadd.f32 v5, v3;
	v15 =	vadd.f32 $1.000000000e+00, v7;
	v10 =	vmul.f32 v12, v10;
	v11 =	vld [tilespmem:s15+$0xBF30];
	v12 =	vpop (erf)  }
0x222: {  	s26 =	sadd.s32 $0x20, s26;
	v6 =	vadd.f32 v6, v8;
	v2 =	vmul.f32 $1.442695020e+00, v2;
	v14 =	vpop (erf);
	[tilespmem:s17+$0xE700] =	vst v9;
	v4 =	vld [tilespmem:s17+$0xBF10];
	(erf) = vpow2.f32 v13  }
0x223: {  	v3 =	vsub.f32 $0.0e+00, v3;
	v5 =	vld [tilespmem:s26+$0xFFFFFFF0];
	v9 =	vadd.f32 $1.000000000e+00, v14;
	(erf) = vrcp.f32 v15;
	[tilespmem:s17+$0xE710] =	vst v10;
	v7 =	vpop (erf)  }
.Ltmp3:
0x224: {  	s10 =	sshra.s32 s28, $0x2;
	(erf) = vpow2.f32 v2;
	v8 =	vld [tilespmem:s23+$0x0];
	v2 =	vsub.f32 $0.0e+00, v6;
	v6 =	vadd.f32 $1.000000000e+00, v7;
	s23 =	smov.u32 s8;
	(pc) =	sbr.rel @p0 .LBB2_9-.Ltmp3, $4  }
0x225: {  	v3 =	vmul.f32 $1.442695020e+00, v3;
	s8 =	smov.u32 s9;
	s9 =	smov.u32 s26;
	v7 =	vld [tilespmem:s10+$0xBF00];
	(erf) = vrcp.f32 v9  }
0x226: {  	v9 =	vld [tilespmem:s19+$0xBF20];
	v10 =	vmul.f32 $1.442695020e+00, v2;
	v13 =	vunpack.i.l.bf16.f32 v11;
	(erf) = vrcp.f32 v6  }
0x227: {  	v2 =	vmul.f32 v12, v1;
	(erf) = vpow2.f32 v3;
	v6 =	vunpack.i.l.bf16.f32 v4;
	v1 =	vmovc v13  }
0x228: {  	s28 =	sadd.s32 $0x100, s28;
	v3 =	vunpack.i.u.bf16.f32 v11;
	(erf) = vpow2.f32 v10  }
0x229: {  	_ = 	snop  }
0x22a: {  	v10 =	vunpack.i.u.bf16.f32 v8;
	v11 =	vunpack.i.u.bf16.f32 v4;
	v4 =	vpop (erf)  }
0x22b: {  	v12 =	vunpack.i.l.bf16.f32 v5;
	v13 =	vunpack.i.l.bf16.f32 v7;
	v10 =	vadd.f32 v11, v10;
	v49 =	vpop (erf)  }
0x22c: {  	v48 =	vunpack.i.l.bf16.f32 v8;
	v46 =	vadd.f32 v13, v12;
	v13 =	vadd.f32 $1.000000000e+00, v49  }
0x22d: {  	v51 =	vunpack.i.u.bf16.f32 v5;
	v52 =	vunpack.i.u.bf16.f32 v7;
	v14 =	vpop (erf);
	v10 =	vsub.f32 $0.0e+00, v10  }
0x22e: {  	v47 =	vunpack.i.u.bf16.f32 v9;
	v50 =	vunpack.i.l.bf16.f32 v9;
	v5 =	vadd.f32 v52, v51;
	v15 =	vpop (erf)  }
0x22f: {  	v9 =	vmul.f32 v14, v50;
	v11 =	vsub.f32 $0.0e+00, v46;
	v53 =	vpop (erf);
	v10 =	vmul.f32 $1.442695020e+00, v10  }
0x230: {  	(erf) = vrcp.f32 v13;
	v54 =	vadd.f32 $1.000000000e+00, v15;
	v12 =	vmul.f32 v53, v47;
	v13 =	vpop (erf)  }
0x231: {  	v6 =	vadd.f32 v6, v48;
	v11 =	vmul.f32 $1.442695020e+00, v11;
	(erf) = vpow2.f32 v10;
	v55 =	vpop (erf)  }
0x232: {  	v5 =	vsub.f32 $0.0e+00, v5;
	[tilespmem:s19+$0xE700] =	vst v9;
	(erf) = vrcp.f32 v54;
	v57 =	vadd.f32 $1.000000000e+00, v55;
	v58 =	vpop (erf)  }
0x233: {  	v56 =	vld [tilespmem:s19+$0xBF10];
	v6 =	vsub.f32 $0.0e+00, v6;
	[tilespmem:s19+$0xE710] =	vst v12;
	(erf) = vpow2.f32 v11;
	v7 =	vadd.f32 $1.000000000e+00, v58  }
0x234: {  	v5 =	vmul.f32 $1.442695020e+00, v5;
	v59 =	vld [tilespmem:s23+$0x0];
	(erf) = vrcp.f32 v57  }
0x235: {  	v6 =	vmul.f32 $1.442695020e+00, v6;
	(erf) = vrcp.f32 v7  }
0x236: {  	(erf) = vpow2.f32 v5  }
0x237: {  	(erf) = vpow2.f32 v6  }
0x238: {  	v60 =	vld [tilespmem:s20+$0xBF20]  }
0x239: {  	v62 =	vunpack.i.u.bf16.f32 v56;
	v61 =	vunpack.i.u.bf16.f32 v59;
	v63 =	vpop (erf)  }
0x23a: {  	v6 =	vadd.f32 v62, v61;
	v18 =	vpop (erf)  }
0x23b: {  	v8 =	vunpack.i.l.bf16.f32 v56;
	v10 =	vunpack.i.l.bf16.f32 v59;
	v19 =	vpop (erf)  }
0x23c: {  	v8 =	vadd.f32 v8, v10;
	v6 =	vsub.f32 $0.0e+00, v6;
	v21 =	vpop (erf)  }
0x23d: {  	v20 =	vunpack.i.u.bf16.f32 v60;
	v7 =	vadd.f32 $1.000000000e+00, v18;
	v22 =	vpop (erf)  }
0x23e: {  	v5 =	vunpack.i.l.bf16.f32 v60;
	v8 =	vsub.f32 $0.0e+00, v8;
	v6 =	vmul.f32 $1.442695020e+00, v6;
	v23 =	vpop (erf)  }
0x23f: {  	v5 =	vmul.f32 v19, v5;
	(erf) = vrcp.f32 v7;
	v24 =	vadd.f32 $1.000000000e+00, v21;
	v26 =	vpop (erf)  }
0x240: {  	v25 =	vmul.f32 v22, v20;
	(erf) = vpow2.f32 v6;
	v27 =	vadd.f32 $1.000000000e+00, v26;
	v28 =	vpop (erf)  }
0x241: {  	[tilespmem:s20+$0xE700] =	vst v5;
	(erf) = vrcp.f32 v24;
	v6 =	vadd.f32 $1.000000000e+00, v28  }
0x242: {  	v29 =	vld [tilespmem:s20+$0xBF10];
	v30 =	vmul.f32 $1.442695020e+00, v8;
	[tilespmem:s20+$0xE710] =	vst v25;
	(erf) = vrcp.f32 v27  }
0x243: {  	v31 =	vld [tilespmem:s8+$0x0];
	(erf) = vrcp.f32 v6  }
0x244: {  	(erf) = vpow2.f32 v30;
	_ =	sdelay $0x1  }
0x245: {  	v32 =	vld [tilespmem:s10+$0xBF20];
	_ =	sdelay $0x1  }
0x246: {  	v34 =	vunpack.i.u.bf16.f32 v29;
	v35 =	vpop (erf);
	v33 =	vunpack.i.u.bf16.f32 v31  }
0x247: {  	v6 =	vadd.f32 v34, v33;
	v36 =	vpop (erf)  }
0x248: {  	v12 =	vunpack.i.l.bf16.f32 v29;
	v7 =	vunpack.i.l.bf16.f32 v31;
	v38 =	vpop (erf)  }
0x249: {  	v37 =	vunpack.i.l.bf16.f32 v32;
	v7 =	vadd.f32 v12, v7;
	v6 =	vsub.f32 $0.0e+00, v6;
	v39 =	vpop (erf)  }
0x24a: {  	v5 =	vunpack.i.u.bf16.f32 v32;
	v8 =	vadd.f32 $1.000000000e+00, v36;
	v14 =	vmul.f32 v38, v37;
	v40 =	vpop (erf)  }
0x24b: {  	v7 =	vsub.f32 $0.0e+00, v7;
	v6 =	vmul.f32 $1.442695020e+00, v6;
	v5 =	vmul.f32 v39, v5;
	v41 =	vpop (erf)  }
0x24c: {  	(erf) = vrcp.f32 v8;
	[tilespmem:s10+$0xE700] =	vst v14;
	v14 =	vadd.f32 $1.000000000e+00, v41  }
0x24d: {  	v42 =	vld [tilespmem:s10+$0xBF10];
	v43 =	vmul.f32 $1.442695020e+00, v7;
	(erf) = vpow2.f32 v6;
	[tilespmem:s10+$0xE710] =	vst v5  }
0x24e: {  	v44 =	vld [tilespmem:s9+$0x0];
	(erf) = vrcp.f32 v14  }
0x24f: {  	(erf) = vpow2.f32 v43;
	_ =	sdelay $0x3  }
0x250: {  	v46 =	vunpack.i.u.bf16.f32 v42;
	v45 =	vunpack.i.u.bf16.f32 v44  }
0x251: {  	v5 =	vadd.f32 v46, v45  }
0x252: {  	v47 =	vunpack.i.l.bf16.f32 v42;
	v48 =	vpop (erf);
	v6 =	vunpack.i.l.bf16.f32 v44  }
0x253: {  	v6 =	vadd.f32 v47, v6;
	v49 =	vpop (erf);
	v5 =	vsub.f32 $0.0e+00, v5  }
0x254: {  	v50 =	vadd.f32 $1.000000000e+00, v49;
	v51 =	vpop (erf)  }
0x255: {  	v6 =	vsub.f32 $0.0e+00, v6;
	v5 =	vmul.f32 $1.442695020e+00, v5;
	v52 =	vpop (erf)  }
0x256: {  	(erf) = vrcp.f32 v50;
	v53 =	vadd.f32 $1.000000000e+00, v52  }
0x257: {  	v54 =	vmul.f32 $1.442695020e+00, v6;
	(erf) = vpow2.f32 v5  }
0x258: {  	(erf) = vrcp.f32 v53  }
0x259: {  	(erf) = vpow2.f32 v54;
	_ =	sdelay $0x5  }
0x25a: {  	v55 =	vpop (erf)  }
0x25b: {  	v56 =	vld [tilespmem:s16+$0xBF30];
	v57 =	vpop (erf)  }
0x25c: {  	v58 =	vpop (erf)  }
0x25d: {  	v16 =	vld [tilespmem:s17+$0xBF30];
	v7 =	vadd.f32 $1.000000000e+00, v57;
	v17 =	vpop (erf)  }
0x25e: {  	v17 =	vadd.f32 $1.000000000e+00, v17  }
0x25f: {  	v3 =	vmul.f32 v4, v3;
	v59 =	vld [tilespmem:s19+$0xBF30];
	(erf) = vrcp.f32 v7  }
0x260: {  	[tilespmem:s14+$0xE720] =	vst v2;
	v1 =	vmul.f32 v13, v1;
	v2 =	vunpack.i.u.bf16.f32 v56;
	(erf) = vrcp.f32 v17  }
0x261: {  	[tilespmem:s15+$0xE730] =	vst v3;
	v3 =	vunpack.i.l.bf16.f32 v56;
	v60 =	vld [tilespmem:s20+$0xBF30];
	v2 =	vmul.f32 v63, v2  }
0x262: {  	[tilespmem:s15+$0xE720] =	vst v1;
	v1 =	vmul.f32 v23, v3;
	v3 =	vunpack.i.u.bf16.f32 v16  }
0x263: {  	v61 =	vld [tilespmem:s10+$0xBF30];
	[tilespmem:s16+$0xE730] =	vst v2;
	v2 =	vunpack.i.l.bf16.f32 v16;
	v3 =	vmul.f32 v35, v3  }
0x264: {  	[tilespmem:s16+$0xE720] =	vst v1;
	v1 =	vmul.f32 v40, v2;
	v2 =	vunpack.i.u.bf16.f32 v59  }
0x265: {  	[tilespmem:s17+$0xE730] =	vst v3;
	v3 =	vunpack.i.l.bf16.f32 v59;
	v2 =	vmul.f32 v48, v2  }
0x266: {  	[tilespmem:s17+$0xE720] =	vst v1;
	v1 =	vmul.f32 v51, v3;
	v3 =	vunpack.i.u.bf16.f32 v60  }
0x267: {  	[tilespmem:s19+$0xE730] =	vst v2;
	v2 =	vunpack.i.l.bf16.f32 v60;
	v3 =	vmul.f32 v55, v3  }
0x268: {  	[tilespmem:s19+$0xE720] =	vst v1;
	v1 =	vmul.f32 v58, v2;
	v2 =	vunpack.i.u.bf16.f32 v61;
	v62 =	vpop (erf)  }
0x269: {  	[tilespmem:s20+$0xE730] =	vst v3;
	v3 =	vunpack.i.l.bf16.f32 v61;
	v2 =	vmul.f32 v62, v2;
	v63 =	vpop (erf)  }
0x26a: {  	[tilespmem:s20+$0xE720] =	vst v1;
	v1 =	vmul.f32 v63, v3  }
0x26b: {  	[tilespmem:s10+$0xE730] =	vst v2  }
0x26c: {  	s11 =	sadd.s32 $0x1, s11;
	s23 =	sadd.s32 $0x80, s13;
	[tilespmem:s10+$0xE720] =	vst v1  }
0x26d: {  	[spmem:s3] =	stream.indirect.scatter.add.f32 [tilespmem:s24], [sflag:$0x7], $0x40, s23, s25, $0xb8;
	[tilespmem:$0x1E400] =	vst v63  }
0x26e: {  	p0 =	sne.s32 s11, $0x69;
	_ =	swait.ge [sflag:s21], $0x1000  }
.Ltmp4:
0x26f: {  	[sflag:s21] =	ssyncset.done $0x0;
	(pc) =	sbr.rel @p0 .LBB2_4-.Ltmp4, $4  }
0x270: {  	s26 =	sadd.s32 $0x50C0, s12;
	[sflag:s21] =	ssyncadd.s32 $0xFFFFF000  }
0x271: {  	[tilespmem:s29], [sflag:$0x5] =	stream.indirect.gather [hbm4b:s18+s25], $0x40, s26, s25, $0xb8;
	[tilespmem:$0x1E400] =	vst v63  }
0x272: {  	s28 =	sadd.s32 $0x140, s12  }
0x273: {  	[tilespmem:s0], [sflag:$0x6] =	stream.indirect.gather [spmem:s2], $0x20, s28, s25, $0xb8;
	[tilespmem:$0x1E400] =	vst v63  }
0x274: {  	_ =	swait.ge [sflag:s1], $0x1000  }
0x275: {  	[sflag:s1] =	ssyncset.done $0x0  }
0x276: {  	[sflag:s1] =	ssyncadd.s32 $0xFFFFF000  }
0x277: {  	_ =	swait.ge [sflag:s4], $0x800  }
0x278: {  	[sflag:s4] =	ssyncset.done $0x0  }
0x279: {  	[sflag:s4] =	ssyncadd.s32 $0xFFFFF800  }
0x27a: {  	_ =	swait.ge [sflag:s22], $0x1000  }
0x27b: {  	[sflag:s22] =	ssyncset.done $0x0  }
0x27c: {  	[sflag:s22] =	ssyncadd.s32 $0xFFFFF000  }
0x27d: {  	_ =	swait.ge [sflag:s5], $0x800  }
0x27e: {  	[sflag:s5] =	ssyncset.done $0x0  }
0x27f: {  	[sflag:s5] =	ssyncadd.s32 $0xFFFFF800  }
0x280: {  	_ =	swait.ge [sflag:s6], $0x1000  }
0x281: {  	[sflag:s6] =	ssyncset.done $0x0  }
0x282: {  	[sflag:s6] =	ssyncadd.s32 $0xFFFFF000  }
0x283: {  	_ =	swait.ge [sflag:s7], $0x800  }
0x284: {  	[sflag:s7] =	ssyncset.done $0x0  }
0x285: {  	[sflag:s7] =	ssyncadd.s32 $0xFFFFF800  }
0x286: {  	[bflag:$0x0] =	sbarrier.arrive $0xFFFF  }
0x287: {  	s11 =	rddreg [dreg:$0x9]  }
0x288: {  	s9 =	rddreg [dreg:$0x13]  }
0x289: {  	s10 =	rddreg [dreg:$0x17];
	s8 =	sshrl.u32 s11, $0x3  }
0x28a: {  	[hbm:s9], [sflag:s10] =	dma.local [spmem:s8], $0x13C0  }
0x28b: {  	_ =	swait.ge [sflag:s21], $0x13C0  }
0x28c: {  	s26 =	rddreg [dreg:$0x16]  }
0x28d: {  	s28 =	rddreg [dreg:$0x14];
	s9 =	sadd.s32 $0x1, s26  }
0x28e: {  	p0 =	sne.s32 s9, s28  }
.Ltmp5:
0x28f: {  	_ = 	snop;
	(pc) =	sbr.rel @p0 .LBB2_1-.Ltmp5, $3  }
0x290: {  	_ =	sdelay $0x1  }
0x291: {  	[sflag:s21] =	ssyncset.done $0x0  }
0x292: {  	s12 =	simm.s32 $0x4F80;
	[sflag:s21] =	ssyncadd.s32 $0xFFFFEC40  }
0x293: {  	_ =	sfence.sel $0x180000  }
0x294: {  	[bflag:$0x0] =	sbarrier.arrive $0xFFFF  }
0x295: {  	_ =	strace $0x90000047  }
0x296: {  	s0 =	stileid.u32;
	[bflag:$0x2] =	sbarrier.arrive $0xFFFF  }
0x297: {  	p0 =	sne.s32 s0, $0x0;
	s0 =	rddreg [dreg:$0x5]  }
0x298: {  	s0 =	sadd.s32 @!p0 $0x100000, s0  }
0x299: {  	[sflag:s0] =	ssyncadd.tile.s32 @!p0 $0x1;
	_ =	shalt  }
.Lfunc_end2:
_tile_overlayer_lowered:
.L_overlay_start_2:
0x29a: {  	(tag) =	ssettag $0x2  }
0x29b: {  	s0 =	rddreg [dreg:$0x0];
	s2 =	stileid.u32  }
0x29c: {  	s1 =	rddreg [dreg:$0x1];
	p0 =	sne.s32 s2, $0x0  }
0x29d: {  	s3 =	rddreg [dreg:$0x2];
	[bflag:$0x3] =	sbarrier.arrive $0xFFFF;
	s2 =	simm.s32 @!p0 $0x1C07  }
0x29e: {  	[timem:s3], [sflag:s2] =	dma.local @!p0 [hbm:s0], s1  }
0x29f: {  	s0 =	simm.s32 @!p0 $0x7  }
0x2a0: {  	_ =	swait.ge @!p0 [sflag:s0], s1  }
0x2a1: {  	s1 =	ssub.s32 @!p0 $0x0, s1;
	[sflag:s0] =	ssyncset.done @!p0 $0x0  }
0x2a2: {  	[sflag:s0] =	ssyncadd.s32 @!p0 s1  }
0x2a3: {  	[bflag:$0x3] =	sbarrier.arrive $0xFFFF  }
0x2a4: {  	_ =	shalt  }

</sc_bundles>
